<compile_context>
chip_gen: v7x
topology: tpu7x:2x2x1
jax: 0.10.2.dev20260603
libtpu: 0.0.44.dev20260713+nightly
codegen_flags: <defaults>
</compile_context>

<pallas_src>
import jax
import jax.numpy as jnp
from jax import lax
from jax.experimental import pallas as pl
from jax.experimental.pallas import tpu as pltpu
from jax.experimental.pallas import tpu_sc as plsc

N = 100000
C = 128
G = 64
ROW = 80
SUBC = 5
CHUNK = ROW * SUBC
NSLOTS = N // CHUNK
NSUB = 16
NCORE = 2
CH = C // NCORE
GPT = G // NSUB
NBUF = 4
TOTJ = -(-NSLOTS // NSUB)


def _body(x_hbm, b_hbm, out_hbm, idx_v, x_v, cnt_v, iota_v, zero_v,
          sums4_v, cnt64_v, out_v, sums_sh, cnt_sh, dsem, ssem):
    cid = lax.axis_index("c")
    sid = lax.axis_index("s")
    c0 = cid * CH
    g0 = sid * GPT

    zeros16f = jnp.zeros((16,), jnp.float32)
    ones16f = jnp.ones((16,), jnp.float32)

    for g in range(GPT):
        for j in range(CH // 16):
            zero_v[g, pl.ds(j * 16, 16)] = zeros16f
    for j in range(G // 16):
        cnt_v[pl.ds(j * 16, 16)] = zeros16f
        iota_v[pl.ds(j * 16, 16)] = lax.iota(jnp.int32, 16) + (16 * j)
    pltpu.sync_copy(zero_v, sums_sh.at[pl.ds(g0, GPT)])

    @pl.when(sid == 0)
    def _():
        pltpu.sync_copy(zero_v.at[0], cnt_sh)

    plsc.subcore_barrier()

    def issue(j, b):
        slot = j * NSUB + sid

        @pl.when(slot < NSLOTS)
        def _():
            pltpu.async_copy(
                b_hbm.at[pl.ds(slot * SUBC, SUBC), :], idx_v[b], dsem[b])
            pltpu.async_copy(
                x_hbm.at[pl.ds(slot * CHUNK, CHUNK), pl.ds(c0, CH)],
                x_v[b], dsem[b])

    def process(j, b):
        slot = j * NSUB + sid

        @pl.when(slot < NSLOTS)
        def _():
            pltpu.make_async_copy(
                b_hbm.at[pl.ds(slot * SUBC, SUBC), :], idx_v[b],
                dsem[b]).wait()
            pltpu.make_async_copy(
                x_hbm.at[pl.ds(slot * CHUNK, CHUNK), pl.ds(c0, CH)], x_v[b],
                dsem[b]).wait()
            for k in range(SUBC):
                pltpu.async_copy(
                    x_v[b].at[pl.ds(k * ROW, ROW)],
                    sums_sh.at[idx_v[b].at[k]], ssem[b], add=True)
            for k in range(SUBC):
                for q in range(ROW // 16):
                    iv = idx_v[b][k, pl.ds(q * 16, 16)]
                    plsc.addupdate_scatter(cnt_v, [iv], ones16f)

    def drain(j, b):
        slot = j * NSUB + sid

        @pl.when((j >= 0) & (slot < NSLOTS))
        def _():
            for k in range(SUBC):
                pltpu.make_async_copy(
                    x_v[b].at[pl.ds(k * ROW, ROW)],
                    sums_sh.at[idx_v[b].at[k]], ssem[b]).wait()

    LOOK = 3

    for j in range(LOOK):
        issue(j, j % NBUF)

    def step(i, _):
        for b in range(NBUF):
            j = i * NBUF + b
            process(j, b)
            drain(j - (NBUF - LOOK), (b + LOOK) % NBUF)
            issue(j + LOOK, (b + LOOK) % NBUF)
        return _

    lax.fori_loop(0, -(-TOTJ // NBUF), step, None)
    for t in range(NBUF - LOOK):
        jj = -(-TOTJ // NBUF) * NBUF - (NBUF - LOOK) + t
        drain(jj, jj % NBUF)

    pltpu.sync_copy(cnt_v, cnt_sh.at[iota_v], add=True)
    plsc.subcore_barrier()

    pltpu.sync_copy(sums_sh.at[pl.ds(g0, GPT)], sums4_v)
    pltpu.sync_copy(cnt_sh, cnt64_v)
    for g in range(GPT):
        cvec = plsc.load_gather(cnt64_v, [jnp.full((16,), g0 + g, jnp.int32)])
        for j in range(CH // 16):
            out_v[g, pl.ds(j * 16, 16)] = sums4_v[g, pl.ds(j * 16, 16)] / cvec
    pltpu.sync_copy(out_v, out_hbm.at[pl.ds(g0, GPT), pl.ds(c0, CH)])


@jax.jit
def _pooling(x, batch):
    mesh = plsc.VectorSubcoreMesh(core_axis_name="c", subcore_axis_name="s")
    f = pl.kernel(
        _body,
        out_type=jax.ShapeDtypeStruct((G, C), jnp.float32),
        mesh=mesh,
        compiler_params=pltpu.CompilerParams(use_tc_tiling_on_sc=False,
                                             needs_layout_passes=False,
                                             disable_bounds_checks=True,
                                             disable_semaphore_checks=True,
                                             skip_device_barrier=True),
        scratch_types=[
            [pltpu.VMEM((SUBC, ROW), jnp.int32) for _ in range(NBUF)],
            [pltpu.VMEM((CHUNK, CH), jnp.float32) for _ in range(NBUF)],
            pltpu.VMEM((G,), jnp.float32),
            pltpu.VMEM((G,), jnp.int32),
            pltpu.VMEM((GPT, CH), jnp.float32),
            pltpu.VMEM((GPT, CH), jnp.float32),
            pltpu.VMEM((G,), jnp.float32),
            pltpu.VMEM((GPT, CH), jnp.float32),
            pltpu.VMEM_SHARED((G, CH), jnp.float32),
            pltpu.VMEM_SHARED((G,), jnp.float32),
            [pltpu.SemaphoreType.DMA for _ in range(NBUF)],
            [pltpu.SemaphoreType.DMA for _ in range(NBUF)],
        ],
    )
    return f(x, batch)


def kernel(x, batch):
    return _pooling(x, batch.astype(jnp.int32).reshape(N // ROW, ROW))

# --- scband reference (transcript-rebuilt; emitter-appended) ---
"""Pipeline reference for scband-global-hypergraph-pooling-67010079752618 (READ-ONLY COPY).

The authoritative reference and input builder live on the scoring server;
editing this copy changes nothing except your own understanding.
"""

import jax, jax.numpy as jnp
import numpy as np

NUM_NODES = 100000
CHANNELS = 128
NUM_GRAPHS = 64

def setup_inputs(seed: int = 0) -> dict:
    key = jax.random.key(seed)
    k1, k2 = jax.random.split(key)
    x = jax.random.normal(k1, (NUM_NODES, CHANNELS), dtype=jnp.float32)
    batch = jnp.sort(jax.random.randint(k2, (NUM_NODES,), 0, NUM_GRAPHS, dtype=jnp.int64))
    return {"x": x, "batch": batch}

def reference(x, batch):
    # pooling_type == 'mean' with batch assignment:
    # per-graph mean = segment_sum / segment_count
    num_graphs = NUM_GRAPHS  # == batch.max() + 1
    sums = jax.ops.segment_sum(x, batch, num_segments=num_graphs)
    counts = jax.ops.segment_sum(jnp.ones((x.shape[0],), dtype=x.dtype), batch, num_segments=num_graphs)
    pooled = sums / counts[:, None]
    return pooled

if __name__ == "__main__":
    import jax
    _d = setup_inputs()
    print(jax.jit(kernel)(*tuple(_d.values())))

</pallas_src>

<mosaic_0001>
#map = affine_map<(d0, d1) -> (0, 0)>
module attributes {stable_mosaic.version = 14 : i64} {
  func.func @_body(%arg0: i32, %arg1: i32, %arg2: memref<100000x128xf32, #tpu.memory_space<hbm>>, %arg3: memref<1250x80xi32, #tpu.memory_space<hbm>>, %arg4: memref<64x128xf32, #tpu.memory_space<hbm>>, %arg5: memref<5x80xi32, #tpu.memory_space<vmem>>, %arg6: memref<5x80xi32, #tpu.memory_space<vmem>>, %arg7: memref<5x80xi32, #tpu.memory_space<vmem>>, %arg8: memref<5x80xi32, #tpu.memory_space<vmem>>, %arg9: memref<400x64xf32, #tpu.memory_space<vmem>>, %arg10: memref<400x64xf32, #tpu.memory_space<vmem>>, %arg11: memref<400x64xf32, #tpu.memory_space<vmem>>, %arg12: memref<400x64xf32, #tpu.memory_space<vmem>>, %arg13: memref<64xf32, #tpu.memory_space<vmem>>, %arg14: memref<64xi32, #tpu.memory_space<vmem>>, %arg15: memref<4x64xf32, #tpu.memory_space<vmem>>, %arg16: memref<4x64xf32, #tpu.memory_space<vmem>>, %arg17: memref<64xf32, #tpu.memory_space<vmem>>, %arg18: memref<4x64xf32, #tpu.memory_space<vmem>>, %arg19: memref<64x64xf32, #tpu.memory_space<vmem_shared>>, %arg20: memref<64xf32, #tpu.memory_space<vmem_shared>>, %arg21: memref<!tpu.dma_semaphore, #tpu.memory_space<semaphore_mem>>, %arg22: memref<!tpu.dma_semaphore, #tpu.memory_space<semaphore_mem>>, %arg23: memref<!tpu.dma_semaphore, #tpu.memory_space<semaphore_mem>>, %arg24: memref<!tpu.dma_semaphore, #tpu.memory_space<semaphore_mem>>, %arg25: memref<!tpu.dma_semaphore, #tpu.memory_space<semaphore_mem>>, %arg26: memref<!tpu.dma_semaphore, #tpu.memory_space<semaphore_mem>>, %arg27: memref<!tpu.dma_semaphore, #tpu.memory_space<semaphore_mem>>, %arg28: memref<!tpu.dma_semaphore, #tpu.memory_space<semaphore_mem>>) attributes {dimension_semantics = [#tpu.dimension_semantics<core_parallel>, #tpu.dimension_semantics<subcore_parallel>], iteration_bounds = array<i64: 2, 16>, scalar_prefetch = 0 : i64, scratch_operands = 24 : i64, tpu.core_type = #tpu.core_type<sc_vector_subcore>, window_params = [{transform_indices = #map}, {transform_indices = #map}, {transform_indices = #map}]} {
    %mul3A = arith.constant 64 : i32
    %mul3A_0 = arith.muli %arg0, %mul3A : i32
    %mul3A_1 = arith.constant 4 : i32
    %mul3A_2 = arith.muli %arg1, %mul3A_1 : i32
    %broadcast_in_dim3A = arith.constant 0.000000e+00 : f32
    %broadcast_in_dim3A_3 = vector.broadcast %broadcast_in_dim3A : f32 to vector<16xf32>
    %broadcast_in_dim3A_4 = arith.constant 1.000000e+00 : f32
    %broadcast_in_dim3A_5 = vector.broadcast %broadcast_in_dim3A_4 : f32 to vector<16xf32>
    %swap3A = arith.constant 0 : i32
    %swap3A_6 = arith.index_cast %swap3A : i32 to index
    %swap3A_7 = arith.constant 0 : index
    %swap3A_8 = tpu.vector_load %arg15[%swap3A_6, %swap3A_7] {strides = array<i32>} : memref<4x64xf32, #tpu.memory_space<vmem>>, vector<16xf32>,
    tpu.vector_store %arg15[%swap3A_6, %swap3A_7], %broadcast_in_dim3A_3 {strides = array<i32>} : memref<4x64xf32, #tpu.memory_space<vmem>>, vector<16xf32>,
    %swap3A_9 = arith.constant 0 : i32
    %swap3A_10 = arith.index_cast %swap3A_9 : i32 to index
    %swap3A_11 = arith.constant 16 : index
    %swap3A_12 = tpu.vector_load %arg15[%swap3A_10, %swap3A_11] {strides = array<i32>} : memref<4x64xf32, #tpu.memory_space<vmem>>, vector<16xf32>,
    tpu.vector_store %arg15[%swap3A_10, %swap3A_11], %broadcast_in_dim3A_3 {strides = array<i32>} : memref<4x64xf32, #tpu.memory_space<vmem>>, vector<16xf32>,
    %swap3A_13 = arith.constant 0 : i32
    %swap3A_14 = arith.index_cast %swap3A_13 : i32 to index
    %swap3A_15 = arith.constant 32 : index
    %swap3A_16 = tpu.vector_load %arg15[%swap3A_14, %swap3A_15] {strides = array<i32>} : memref<4x64xf32, #tpu.memory_space<vmem>>, vector<16xf32>,
    tpu.vector_store %arg15[%swap3A_14, %swap3A_15], %broadcast_in_dim3A_3 {strides = array<i32>} : memref<4x64xf32, #tpu.memory_space<vmem>>, vector<16xf32>,
    %swap3A_17 = arith.constant 0 : i32
    %swap3A_18 = arith.index_cast %swap3A_17 : i32 to index
    %swap3A_19 = arith.constant 48 : index
    %swap3A_20 = tpu.vector_load %arg15[%swap3A_18, %swap3A_19] {strides = array<i32>} : memref<4x64xf32, #tpu.memory_space<vmem>>, vector<16xf32>,
    tpu.vector_store %arg15[%swap3A_18, %swap3A_19], %broadcast_in_dim3A_3 {strides = array<i32>} : memref<4x64xf32, #tpu.memory_space<vmem>>, vector<16xf32>,
    %swap3A_21 = arith.constant 1 : i32
    %swap3A_22 = arith.index_cast %swap3A_21 : i32 to index
    %swap3A_23 = arith.constant 0 : index
    %swap3A_24 = tpu.vector_load %arg15[%swap3A_22, %swap3A_23] {strides = array<i32>} : memref<4x64xf32, #tpu.memory_space<vmem>>, vector<16xf32>,
    tpu.vector_store %arg15[%swap3A_22, %swap3A_23], %broadcast_in_dim3A_3 {strides = array<i32>} : memref<4x64xf32, #tpu.memory_space<vmem>>, vector<16xf32>,
    %swap3A_25 = arith.constant 1 : i32
    %swap3A_26 = arith.index_cast %swap3A_25 : i32 to index
    %swap3A_27 = arith.constant 16 : index
    %swap3A_28 = tpu.vector_load %arg15[%swap3A_26, %swap3A_27] {strides = array<i32>} : memref<4x64xf32, #tpu.memory_space<vmem>>, vector<16xf32>,
    tpu.vector_store %arg15[%swap3A_26, %swap3A_27], %broadcast_in_dim3A_3 {strides = array<i32>} : memref<4x64xf32, #tpu.memory_space<vmem>>, vector<16xf32>,
    %swap3A_29 = arith.constant 1 : i32
    %swap3A_30 = arith.index_cast %swap3A_29 : i32 to index
    %swap3A_31 = arith.constant 32 : index
    %swap3A_32 = tpu.vector_load %arg15[%swap3A_30, %swap3A_31] {strides = array<i32>} : memref<4x64xf32, #tpu.memory_space<vmem>>, vector<16xf32>,
    tpu.vector_store %arg15[%swap3A_30, %swap3A_31], %broadcast_in_dim3A_3 {strides = array<i32>} : memref<4x64xf32, #tpu.memory_space<vmem>>, vector<16xf32>,
    %swap3A_33 = arith.constant 1 : i32
    %swap3A_34 = arith.index_cast %swap3A_33 : i32 to index
    %swap3A_35 = arith.constant 48 : index
    %swap3A_36 = tpu.vector_load %arg15[%swap3A_34, %swap3A_35] {strides = array<i32>} : memref<4x64xf32, #tpu.memory_space<vmem>>, vector<16xf32>,
    tpu.vector_store %arg15[%swap3A_34, %swap3A_35], %broadcast_in_dim3A_3 {strides = array<i32>} : memref<4x64xf32, #tpu.memory_space<vmem>>, vector<16xf32>,
    %swap3A_37 = arith.constant 2 : i32
    %swap3A_38 = arith.index_cast %swap3A_37 : i32 to index
    %swap3A_39 = arith.constant 0 : index
    %swap3A_40 = tpu.vector_load %arg15[%swap3A_38, %swap3A_39] {strides = array<i32>} : memref<4x64xf32, #tpu.memory_space<vmem>>, vector<16xf32>,
    tpu.vector_store %arg15[%swap3A_38, %swap3A_39], %broadcast_in_dim3A_3 {strides = array<i32>} : memref<4x64xf32, #tpu.memory_space<vmem>>, vector<16xf32>,
    %swap3A_41 = arith.constant 2 : i32
    %swap3A_42 = arith.index_cast %swap3A_41 : i32 to index
    %swap3A_43 = arith.constant 16 : index
    %swap3A_44 = tpu.vector_load %arg15[%swap3A_42, %swap3A_43] {strides = array<i32>} : memref<4x64xf32, #tpu.memory_space<vmem>>, vector<16xf32>,
    tpu.vector_store %arg15[%swap3A_42, %swap3A_43], %broadcast_in_dim3A_3 {strides = array<i32>} : memref<4x64xf32, #tpu.memory_space<vmem>>, vector<16xf32>,
    %swap3A_45 = arith.constant 2 : i32
    %swap3A_46 = arith.index_cast %swap3A_45 : i32 to index
    %swap3A_47 = arith.constant 32 : index
    %swap3A_48 = tpu.vector_load %arg15[%swap3A_46, %swap3A_47] {strides = array<i32>} : memref<4x64xf32, #tpu.memory_space<vmem>>, vector<16xf32>,
    tpu.vector_store %arg15[%swap3A_46, %swap3A_47], %broadcast_in_dim3A_3 {strides = array<i32>} : memref<4x64xf32, #tpu.memory_space<vmem>>, vector<16xf32>,
    %swap3A_49 = arith.constant 2 : i32
    %swap3A_50 = arith.index_cast %swap3A_49 : i32 to index
    %swap3A_51 = arith.constant 48 : index
    %swap3A_52 = tpu.vector_load %arg15[%swap3A_50, %swap3A_51] {strides = array<i32>} : memref<4x64xf32, #tpu.memory_space<vmem>>, vector<16xf32>,
    tpu.vector_store %arg15[%swap3A_50, %swap3A_51], %broadcast_in_dim3A_3 {strides = array<i32>} : memref<4x64xf32, #tpu.memory_space<vmem>>, vector<16xf32>,
    %swap3A_53 = arith.constant 3 : i32
    %swap3A_54 = arith.index_cast %swap3A_53 : i32 to index
    %swap3A_55 = arith.constant 0 : index
    %swap3A_56 = tpu.vector_load %arg15[%swap3A_54, %swap3A_55] {strides = array<i32>} : memref<4x64xf32, #tpu.memory_space<vmem>>, vector<16xf32>,
    tpu.vector_store %arg15[%swap3A_54, %swap3A_55], %broadcast_in_dim3A_3 {strides = array<i32>} : memref<4x64xf32, #tpu.memory_space<vmem>>, vector<16xf32>,
    %swap3A_57 = arith.constant 3 : i32
    %swap3A_58 = arith.index_cast %swap3A_57 : i32 to index
    %swap3A_59 = arith.constant 16 : index
    %swap3A_60 = tpu.vector_load %arg15[%swap3A_58, %swap3A_59] {strides = array<i32>} : memref<4x64xf32, #tpu.memory_space<vmem>>, vector<16xf32>,
    tpu.vector_store %arg15[%swap3A_58, %swap3A_59], %broadcast_in_dim3A_3 {strides = array<i32>} : memref<4x64xf32, #tpu.memory_space<vmem>>, vector<16xf32>,
    %swap3A_61 = arith.constant 3 : i32
    %swap3A_62 = arith.index_cast %swap3A_61 : i32 to index
    %swap3A_63 = arith.constant 32 : index
    %swap3A_64 = tpu.vector_load %arg15[%swap3A_62, %swap3A_63] {strides = array<i32>} : memref<4x64xf32, #tpu.memory_space<vmem>>, vector<16xf32>,
    tpu.vector_store %arg15[%swap3A_62, %swap3A_63], %broadcast_in_dim3A_3 {strides = array<i32>} : memref<4x64xf32, #tpu.memory_space<vmem>>, vector<16xf32>,
    %swap3A_65 = arith.constant 3 : i32
    %swap3A_66 = arith.index_cast %swap3A_65 : i32 to index
    %swap3A_67 = arith.constant 48 : index
    %swap3A_68 = tpu.vector_load %arg15[%swap3A_66, %swap3A_67] {strides = array<i32>} : memref<4x64xf32, #tpu.memory_space<vmem>>, vector<16xf32>,
    tpu.vector_store %arg15[%swap3A_66, %swap3A_67], %broadcast_in_dim3A_3 {strides = array<i32>} : memref<4x64xf32, #tpu.memory_space<vmem>>, vector<16xf32>,
    %swap3A_69 = arith.constant 0 : index
    %swap3A_70 = tpu.vector_load %arg13[%swap3A_69] {strides = array<i32>} : memref<64xf32, #tpu.memory_space<vmem>>, vector<16xf32>,
    tpu.vector_store %arg13[%swap3A_69], %broadcast_in_dim3A_3 {strides = array<i32>} : memref<64xf32, #tpu.memory_space<vmem>>, vector<16xf32>,
    %iota3A = tpu.iota {dimensions = array<i32: 0>} : vector<16xi32>
    %add3A = arith.constant 0 : i32
    %add3A_71 = vector.broadcast %add3A : i32 to vector<16xi32>
    %add3A_72 = arith.addi %iota3A, %add3A_71 : vector<16xi32>
    %swap3A_73 = arith.constant 0 : index
    %swap3A_74 = tpu.vector_load %arg14[%swap3A_73] {strides = array<i32>} : memref<64xi32, #tpu.memory_space<vmem>>, vector<16xi32>,
    tpu.vector_store %arg14[%swap3A_73], %add3A_72 {strides = array<i32>} : memref<64xi32, #tpu.memory_space<vmem>>, vector<16xi32>,
    %swap3A_75 = arith.constant 16 : index
    %swap3A_76 = tpu.vector_load %arg13[%swap3A_75] {strides = array<i32>} : memref<64xf32, #tpu.memory_space<vmem>>, vector<16xf32>,
    tpu.vector_store %arg13[%swap3A_75], %broadcast_in_dim3A_3 {strides = array<i32>} : memref<64xf32, #tpu.memory_space<vmem>>, vector<16xf32>,
    %iota3A_77 = tpu.iota {dimensions = array<i32: 0>} : vector<16xi32>
    %add3A_78 = arith.constant 16 : i32
    %add3A_79 = vector.broadcast %add3A_78 : i32 to vector<16xi32>
    %add3A_80 = arith.addi %iota3A_77, %add3A_79 : vector<16xi32>
    %swap3A_81 = arith.constant 16 : index
    %swap3A_82 = tpu.vector_load %arg14[%swap3A_81] {strides = array<i32>} : memref<64xi32, #tpu.memory_space<vmem>>, vector<16xi32>,
    tpu.vector_store %arg14[%swap3A_81], %add3A_80 {strides = array<i32>} : memref<64xi32, #tpu.memory_space<vmem>>, vector<16xi32>,
    %swap3A_83 = arith.constant 32 : index
    %swap3A_84 = tpu.vector_load %arg13[%swap3A_83] {strides = array<i32>} : memref<64xf32, #tpu.memory_space<vmem>>, vector<16xf32>,
    tpu.vector_store %arg13[%swap3A_83], %broadcast_in_dim3A_3 {strides = array<i32>} : memref<64xf32, #tpu.memory_space<vmem>>, vector<16xf32>,
    %iota3A_85 = tpu.iota {dimensions = array<i32: 0>} : vector<16xi32>
    %add3A_86 = arith.constant 32 : i32
    %add3A_87 = vector.broadcast %add3A_86 : i32 to vector<16xi32>
    %add3A_88 = arith.addi %iota3A_85, %add3A_87 : vector<16xi32>
    %swap3A_89 = arith.constant 32 : index
    %swap3A_90 = tpu.vector_load %arg14[%swap3A_89] {strides = array<i32>} : memref<64xi32, #tpu.memory_space<vmem>>, vector<16xi32>,
    tpu.vector_store %arg14[%swap3A_89], %add3A_88 {strides = array<i32>} : memref<64xi32, #tpu.memory_space<vmem>>, vector<16xi32>,
    %swap3A_91 = arith.constant 48 : index
    %swap3A_92 = tpu.vector_load %arg13[%swap3A_91] {strides = array<i32>} : memref<64xf32, #tpu.memory_space<vmem>>, vector<16xf32>,
    tpu.vector_store %arg13[%swap3A_91], %broadcast_in_dim3A_3 {strides = array<i32>} : memref<64xf32, #tpu.memory_space<vmem>>, vector<16xf32>,
    %iota3A_93 = tpu.iota {dimensions = array<i32: 0>} : vector<16xi32>
    %add3A_94 = arith.constant 48 : i32
    %add3A_95 = vector.broadcast %add3A_94 : i32 to vector<16xi32>
    %add3A_96 = arith.addi %iota3A_93, %add3A_95 : vector<16xi32>
    %swap3A_97 = arith.constant 48 : index
    %swap3A_98 = tpu.vector_load %arg14[%swap3A_97] {strides = array<i32>} : memref<64xi32, #tpu.memory_space<vmem>>, vector<16xi32>,
    tpu.vector_store %arg14[%swap3A_97], %add3A_96 {strides = array<i32>} : memref<64xi32, #tpu.memory_space<vmem>>, vector<16xi32>,
    "tpu.region"() ({
      %run_scoped3A = tpu.sem_alloc : memref<!tpu.dma_semaphore, #tpu.memory_space<semaphore_mem>>
      %dma_start3A = arith.constant 0 : i32
      %dma_start3A_291 = tpu.memref_slice %arg19[%mul3A_2, %dma_start3A] : memref<64x64xf32, #tpu.memory_space<vmem_shared>> -> memref<4x64xf32, #tpu.memory_space<vmem_shared>>
      %dma_start3A_292 = arith.constant 0 : i32
      %dma_start3A_293 = tpu.memref_slice %arg19[%mul3A_2, %dma_start3A_292] : memref<64x64xf32, #tpu.memory_space<vmem_shared>> -> memref<4x64xf32, #tpu.memory_space<vmem_shared>>
      tpu.enqueue_dma source(%arg15 : memref<4x64xf32, #tpu.memory_space<vmem>>) target(%dma_start3A_293 : memref<4x64xf32, #tpu.memory_space<vmem_shared>>) target_semaphore(%run_scoped3A : memref<!tpu.dma_semaphore, #tpu.memory_space<semaphore_mem>>)
      %dma_wait3A = arith.constant 0 : i32
      %dma_wait3A_294 = tpu.memref_slice %arg19[%mul3A_2, %dma_wait3A] : memref<64x64xf32, #tpu.memory_space<vmem_shared>> -> memref<4x64xf32, #tpu.memory_space<vmem_shared>>
      %dma_wait3A_295 = arith.constant 0 : i32
      %dma_wait3A_296 = tpu.memref_slice %arg19[%mul3A_2, %dma_wait3A_295] : memref<64x64xf32, #tpu.memory_space<vmem_shared>> -> memref<4x64xf32, #tpu.memory_space<vmem_shared>>
      tpu.wait_dma2 semaphore(%run_scoped3A : memref<!tpu.dma_semaphore, #tpu.memory_space<semaphore_mem>>) src(%arg15 : memref<4x64xf32, #tpu.memory_space<vmem>>) dst(%dma_wait3A_296 : memref<4x64xf32, #tpu.memory_space<vmem_shared>>)
      tpu.yield
    }) : () -> ()
    %eq3A = arith.constant 0 : i32
    %eq3A_99 = arith.cmpi eq, %arg1, %eq3A : i32
    %convert_element_type3A = arith.extui %eq3A_99 : i1 to i32
    %cond3A = arith.constant 0 : i32
    %cond3A_100 = arith.cmpi ne, %convert_element_type3A, %cond3A : i32
    scf.if %cond3A_100 {
      %run_scoped3A = arith.constant 0 : i32
      "tpu.region"() ({
        %run_scoped3A_291 = tpu.sem_alloc : memref<!tpu.dma_semaphore, #tpu.memory_space<semaphore_mem>>
        %dma_start3A = arith.constant 0 : i32
        %dma_start3A_292 = tpu.memref_slice %arg15[%run_scoped3A, %dma_start3A] : memref<4x64xf32, #tpu.memory_space<vmem>> -> memref<1x64xf32, #tpu.memory_space<vmem>>
        %dma_start3A_293 = tpu.memref_squeeze %dma_start3A_292 : memref<1x64xf32, #tpu.memory_space<vmem>> -> memref<64xf32, #tpu.memory_space<vmem>>
        %dma_start3A_294 = arith.constant 0 : i32
        %dma_start3A_295 = tpu.memref_slice %arg15[%run_scoped3A, %dma_start3A_294] : memref<4x64xf32, #tpu.memory_space<vmem>> -> memref<1x64xf32, #tpu.memory_space<vmem>>
        %dma_start3A_296 = tpu.memref_squeeze %dma_start3A_295 : memref<1x64xf32, #tpu.memory_space<vmem>> -> memref<64xf32, #tpu.memory_space<vmem>>
        tpu.enqueue_dma source(%dma_start3A_296 : memref<64xf32, #tpu.memory_space<vmem>>) target(%arg20 : memref<64xf32, #tpu.memory_space<vmem_shared>>) target_semaphore(%run_scoped3A_291 : memref<!tpu.dma_semaphore, #tpu.memory_space<semaphore_mem>>)
        %dma_wait3A = arith.constant 0 : i32
        %dma_wait3A_297 = tpu.memref_slice %arg15[%run_scoped3A, %dma_wait3A] : memref<4x64xf32, #tpu.memory_space<vmem>> -> memref<1x64xf32, #tpu.memory_space<vmem>>
        %dma_wait3A_298 = tpu.memref_squeeze %dma_wait3A_297 : memref<1x64xf32, #tpu.memory_space<vmem>> -> memref<64xf32, #tpu.memory_space<vmem>>
        %dma_wait3A_299 = arith.constant 0 : i32
        %dma_wait3A_300 = tpu.memref_slice %arg15[%run_scoped3A, %dma_wait3A_299] : memref<4x64xf32, #tpu.memory_space<vmem>> -> memref<1x64xf32, #tpu.memory_space<vmem>>
        %dma_wait3A_301 = tpu.memref_squeeze %dma_wait3A_300 : memref<1x64xf32, #tpu.memory_space<vmem>> -> memref<64xf32, #tpu.memory_space<vmem>>
        tpu.wait_dma2 semaphore(%run_scoped3A_291 : memref<!tpu.dma_semaphore, #tpu.memory_space<semaphore_mem>>) src(%dma_wait3A_301 : memref<64xf32, #tpu.memory_space<vmem>>) dst(%arg20 : memref<64xf32, #tpu.memory_space<vmem_shared>>)
        tpu.yield
      }) : () -> ()
    } else {
    }
    %barrier3A = arith.constant 0 : index
    tpu.barrier barrier_id(%barrier3A)
    %add3A_101 = arith.constant 0 : i32
    %add3A_102 = arith.addi %add3A_101, %arg1 : i32
    %lt3A = arith.constant 250 : i32
    %lt3A_103 = arith.cmpi slt, %add3A_102, %lt3A : i32
    %convert_element_type3A_104 = arith.extui %lt3A_103 : i1 to i32
    %cond3A_105 = arith.constant 0 : i32
    %cond3A_106 = arith.cmpi ne, %convert_element_type3A_104, %cond3A_105 : i32
    scf.if %cond3A_106 {
      %mul3A_291 = arith.constant 5 : i32
      %mul3A_292 = arith.muli %add3A_102, %mul3A_291 : i32
      %dma_start3A = arith.constant 0 : i32
      %dma_start3A_293 = tpu.memref_slice %arg3[%mul3A_292, %dma_start3A] : memref<1250x80xi32, #tpu.memory_space<hbm>> -> memref<5x80xi32, #tpu.memory_space<hbm>>
      %dma_start3A_294 = arith.constant 0 : i32
      %dma_start3A_295 = tpu.memref_slice %arg3[%mul3A_292, %dma_start3A_294] : memref<1250x80xi32, #tpu.memory_space<hbm>> -> memref<5x80xi32, #tpu.memory_space<hbm>>
      tpu.enqueue_dma source(%dma_start3A_295 : memref<5x80xi32, #tpu.memory_space<hbm>>) target(%arg5 : memref<5x80xi32, #tpu.memory_space<vmem>>) target_semaphore(%arg21 : memref<!tpu.dma_semaphore, #tpu.memory_space<semaphore_mem>>)
      %mul3A_296 = arith.constant 400 : i32
      %mul3A_297 = arith.muli %add3A_102, %mul3A_296 : i32
      %dma_start3A_298 = tpu.memref_slice %arg2[%mul3A_297, %mul3A_0] : memref<100000x128xf32, #tpu.memory_space<hbm>> -> memref<400x64xf32, #tpu.memory_space<hbm>>
      %dma_start3A_299 = tpu.memref_slice %arg2[%mul3A_297, %mul3A_0] : memref<100000x128xf32, #tpu.memory_space<hbm>> -> memref<400x64xf32, #tpu.memory_space<hbm>>
      tpu.enqueue_dma source(%dma_start3A_299 : memref<400x64xf32, #tpu.memory_space<hbm>>) target(%arg9 : memref<400x64xf32, #tpu.memory_space<vmem>>) target_semaphore(%arg21 : memref<!tpu.dma_semaphore, #tpu.memory_space<semaphore_mem>>)
    } else {
    }
    %add3A_107 = arith.constant 16 : i32
    %add3A_108 = arith.addi %add3A_107, %arg1 : i32
    %lt3A_109 = arith.constant 250 : i32
    %lt3A_110 = arith.cmpi slt, %add3A_108, %lt3A_109 : i32
    %convert_element_type3A_111 = arith.extui %lt3A_110 : i1 to i32
    %cond3A_112 = arith.constant 0 : i32
    %cond3A_113 = arith.cmpi ne, %convert_element_type3A_111, %cond3A_112 : i32
    scf.if %cond3A_113 {
      %mul3A_291 = arith.constant 5 : i32
      %mul3A_292 = arith.muli %add3A_108, %mul3A_291 : i32
      %dma_start3A = arith.constant 0 : i32
      %dma_start3A_293 = tpu.memref_slice %arg3[%mul3A_292, %dma_start3A] : memref<1250x80xi32, #tpu.memory_space<hbm>> -> memref<5x80xi32, #tpu.memory_space<hbm>>
      %dma_start3A_294 = arith.constant 0 : i32
      %dma_start3A_295 = tpu.memref_slice %arg3[%mul3A_292, %dma_start3A_294] : memref<1250x80xi32, #tpu.memory_space<hbm>> -> memref<5x80xi32, #tpu.memory_space<hbm>>
      tpu.enqueue_dma source(%dma_start3A_295 : memref<5x80xi32, #tpu.memory_space<hbm>>) target(%arg6 : memref<5x80xi32, #tpu.memory_space<vmem>>) target_semaphore(%arg22 : memref<!tpu.dma_semaphore, #tpu.memory_space<semaphore_mem>>)
      %mul3A_296 = arith.constant 400 : i32
      %mul3A_297 = arith.muli %add3A_108, %mul3A_296 : i32
      %dma_start3A_298 = tpu.memref_slice %arg2[%mul3A_297, %mul3A_0] : memref<100000x128xf32, #tpu.memory_space<hbm>> -> memref<400x64xf32, #tpu.memory_space<hbm>>
      %dma_start3A_299 = tpu.memref_slice %arg2[%mul3A_297, %mul3A_0] : memref<100000x128xf32, #tpu.memory_space<hbm>> -> memref<400x64xf32, #tpu.memory_space<hbm>>
      tpu.enqueue_dma source(%dma_start3A_299 : memref<400x64xf32, #tpu.memory_space<hbm>>) target(%arg10 : memref<400x64xf32, #tpu.memory_space<vmem>>) target_semaphore(%arg22 : memref<!tpu.dma_semaphore, #tpu.memory_space<semaphore_mem>>)
    } else {
    }
    %add3A_114 = arith.constant 32 : i32
    %add3A_115 = arith.addi %add3A_114, %arg1 : i32
    %lt3A_116 = arith.constant 250 : i32
    %lt3A_117 = arith.cmpi slt, %add3A_115, %lt3A_116 : i32
    %convert_element_type3A_118 = arith.extui %lt3A_117 : i1 to i32
    %cond3A_119 = arith.constant 0 : i32
    %cond3A_120 = arith.cmpi ne, %convert_element_type3A_118, %cond3A_119 : i32
    scf.if %cond3A_120 {
      %mul3A_291 = arith.constant 5 : i32
      %mul3A_292 = arith.muli %add3A_115, %mul3A_291 : i32
      %dma_start3A = arith.constant 0 : i32
      %dma_start3A_293 = tpu.memref_slice %arg3[%mul3A_292, %dma_start3A] : memref<1250x80xi32, #tpu.memory_space<hbm>> -> memref<5x80xi32, #tpu.memory_space<hbm>>
      %dma_start3A_294 = arith.constant 0 : i32
      %dma_start3A_295 = tpu.memref_slice %arg3[%mul3A_292, %dma_start3A_294] : memref<1250x80xi32, #tpu.memory_space<hbm>> -> memref<5x80xi32, #tpu.memory_space<hbm>>
      tpu.enqueue_dma source(%dma_start3A_295 : memref<5x80xi32, #tpu.memory_space<hbm>>) target(%arg7 : memref<5x80xi32, #tpu.memory_space<vmem>>) target_semaphore(%arg23 : memref<!tpu.dma_semaphore, #tpu.memory_space<semaphore_mem>>)
      %mul3A_296 = arith.constant 400 : i32
      %mul3A_297 = arith.muli %add3A_115, %mul3A_296 : i32
      %dma_start3A_298 = tpu.memref_slice %arg2[%mul3A_297, %mul3A_0] : memref<100000x128xf32, #tpu.memory_space<hbm>> -> memref<400x64xf32, #tpu.memory_space<hbm>>
      %dma_start3A_299 = tpu.memref_slice %arg2[%mul3A_297, %mul3A_0] : memref<100000x128xf32, #tpu.memory_space<hbm>> -> memref<400x64xf32, #tpu.memory_space<hbm>>
      tpu.enqueue_dma source(%dma_start3A_299 : memref<400x64xf32, #tpu.memory_space<hbm>>) target(%arg11 : memref<400x64xf32, #tpu.memory_space<vmem>>) target_semaphore(%arg23 : memref<!tpu.dma_semaphore, #tpu.memory_space<semaphore_mem>>)
    } else {
    }
    %scan3A = arith.constant 0 : i32
    %scan3A_121 = arith.constant 4 : i32
    %scan3A_122 = arith.addi %scan3A, %scan3A_121 : i32
    %scan3A_123 = arith.constant 1 : i32
    scf.for %scan3A_291 = %scan3A to %scan3A_122 step %scan3A_123  : i32 {
      %mul3A_292 = arith.constant 4 : i32
      %mul3A_293 = arith.muli %scan3A_291, %mul3A_292 : i32
      %add3A_294 = arith.constant 0 : i32
      %add3A_295 = arith.addi %mul3A_293, %add3A_294 : i32
      %mul3A_296 = arith.constant 16 : i32
      %mul3A_297 = arith.muli %add3A_295, %mul3A_296 : i32
      %add3A_298 = arith.addi %mul3A_297, %arg1 : i32
      %lt3A_299 = arith.constant 250 : i32
      %lt3A_300 = arith.cmpi slt, %add3A_298, %lt3A_299 : i32
      %convert_element_type3A_301 = arith.extui %lt3A_300 : i1 to i32
      %cond3A_302 = arith.constant 0 : i32
      %cond3A_303 = arith.cmpi ne, %convert_element_type3A_301, %cond3A_302 : i32
      scf.if %cond3A_303 {
        %mul3A_430 = arith.constant 5 : i32
        %mul3A_431 = arith.muli %add3A_298, %mul3A_430 : i32
        %dma_wait3A = arith.constant 0 : i32
        %dma_wait3A_432 = tpu.memref_slice %arg3[%mul3A_431, %dma_wait3A] : memref<1250x80xi32, #tpu.memory_space<hbm>> -> memref<5x80xi32, #tpu.memory_space<hbm>>
        %dma_wait3A_433 = arith.constant 0 : i32
        %dma_wait3A_434 = tpu.memref_slice %arg3[%mul3A_431, %dma_wait3A_433] : memref<1250x80xi32, #tpu.memory_space<hbm>> -> memref<5x80xi32, #tpu.memory_space<hbm>>
        tpu.wait_dma2 semaphore(%arg21 : memref<!tpu.dma_semaphore, #tpu.memory_space<semaphore_mem>>) src(%dma_wait3A_434 : memref<5x80xi32, #tpu.memory_space<hbm>>) dst(%arg5 : memref<5x80xi32, #tpu.memory_space<vmem>>)
        %mul3A_435 = arith.constant 400 : i32
        %mul3A_436 = arith.muli %add3A_298, %mul3A_435 : i32
        %dma_wait3A_437 = tpu.memref_slice %arg2[%mul3A_436, %mul3A_0] : memref<100000x128xf32, #tpu.memory_space<hbm>> -> memref<400x64xf32, #tpu.memory_space<hbm>>
        %dma_wait3A_438 = tpu.memref_slice %arg2[%mul3A_436, %mul3A_0] : memref<100000x128xf32, #tpu.memory_space<hbm>> -> memref<400x64xf32, #tpu.memory_space<hbm>>
        tpu.wait_dma2 semaphore(%arg21 : memref<!tpu.dma_semaphore, #tpu.memory_space<semaphore_mem>>) src(%dma_wait3A_438 : memref<400x64xf32, #tpu.memory_space<hbm>>) dst(%arg9 : memref<400x64xf32, #tpu.memory_space<vmem>>)
        %dma_start3A = arith.constant 0 : i32
        %dma_start3A_439 = arith.constant 0 : i32
        %dma_start3A_440 = arith.constant 0 : i32
        %dma_start3A_441 = tpu.memref_slice %arg9[%dma_start3A_439, %dma_start3A_440] : memref<400x64xf32, #tpu.memory_space<vmem>> -> memref<80x64xf32, #tpu.memory_space<vmem>>
        %dma_start3A_442 = arith.constant 0 : i32
        %dma_start3A_443 = tpu.memref_slice %arg5[%dma_start3A, %dma_start3A_442] : memref<5x80xi32, #tpu.memory_space<vmem>> -> memref<1x80xi32, #tpu.memory_space<vmem>>
        %dma_start3A_444 = tpu.memref_squeeze %dma_start3A_443 : memref<1x80xi32, #tpu.memory_space<vmem>> -> memref<80xi32, #tpu.memory_space<vmem>>
        %dma_start3A_445 = arith.constant 0 : i32
        %dma_start3A_446 = arith.constant 0 : i32
        %dma_start3A_447 = tpu.memref_slice %arg19[%dma_start3A_445, %dma_start3A_446] : memref<64x64xf32, #tpu.memory_space<vmem_shared>> -> memref<64x64xf32, #tpu.memory_space<vmem_shared>>
        tpu.enqueue_indirect_dma source(%dma_start3A_441 : memref<80x64xf32, #tpu.memory_space<vmem>>) target(%dma_start3A_447 : memref<64x64xf32, #tpu.memory_space<vmem_shared>>) offsets(%dma_start3A_444 : memref<80xi32, #tpu.memory_space<vmem>>) semaphore(%arg25 : memref<!tpu.dma_semaphore, #tpu.memory_space<semaphore_mem>>) {add = true}
        %dma_start3A_448 = arith.constant 1 : i32
        %dma_start3A_449 = arith.constant 80 : i32
        %dma_start3A_450 = arith.constant 0 : i32
        %dma_start3A_451 = tpu.memref_slice %arg9[%dma_start3A_449, %dma_start3A_450] : memref<400x64xf32, #tpu.memory_space<vmem>> -> memref<80x64xf32, #tpu.memory_space<vmem>>
        %dma_start3A_452 = arith.constant 0 : i32
        %dma_start3A_453 = tpu.memref_slice %arg5[%dma_start3A_448, %dma_start3A_452] : memref<5x80xi32, #tpu.memory_space<vmem>> -> memref<1x80xi32, #tpu.memory_space<vmem>>
        %dma_start3A_454 = tpu.memref_squeeze %dma_start3A_453 : memref<1x80xi32, #tpu.memory_space<vmem>> -> memref<80xi32, #tpu.memory_space<vmem>>
        %dma_start3A_455 = arith.constant 0 : i32
        %dma_start3A_456 = arith.constant 0 : i32
        %dma_start3A_457 = tpu.memref_slice %arg19[%dma_start3A_455, %dma_start3A_456] : memref<64x64xf32, #tpu.memory_space<vmem_shared>> -> memref<64x64xf32, #tpu.memory_space<vmem_shared>>
        tpu.enqueue_indirect_dma source(%dma_start3A_451 : memref<80x64xf32, #tpu.memory_space<vmem>>) target(%dma_start3A_457 : memref<64x64xf32, #tpu.memory_space<vmem_shared>>) offsets(%dma_start3A_454 : memref<80xi32, #tpu.memory_space<vmem>>) semaphore(%arg25 : memref<!tpu.dma_semaphore, #tpu.memory_space<semaphore_mem>>) {add = true}
        %dma_start3A_458 = arith.constant 2 : i32
        %dma_start3A_459 = arith.constant 160 : i32
        %dma_start3A_460 = arith.constant 0 : i32
        %dma_start3A_461 = tpu.memref_slice %arg9[%dma_start3A_459, %dma_start3A_460] : memref<400x64xf32, #tpu.memory_space<vmem>> -> memref<80x64xf32, #tpu.memory_space<vmem>>
        %dma_start3A_462 = arith.constant 0 : i32
        %dma_start3A_463 = tpu.memref_slice %arg5[%dma_start3A_458, %dma_start3A_462] : memref<5x80xi32, #tpu.memory_space<vmem>> -> memref<1x80xi32, #tpu.memory_space<vmem>>
        %dma_start3A_464 = tpu.memref_squeeze %dma_start3A_463 : memref<1x80xi32, #tpu.memory_space<vmem>> -> memref<80xi32, #tpu.memory_space<vmem>>
        %dma_start3A_465 = arith.constant 0 : i32
        %dma_start3A_466 = arith.constant 0 : i32
        %dma_start3A_467 = tpu.memref_slice %arg19[%dma_start3A_465, %dma_start3A_466] : memref<64x64xf32, #tpu.memory_space<vmem_shared>> -> memref<64x64xf32, #tpu.memory_space<vmem_shared>>
        tpu.enqueue_indirect_dma source(%dma_start3A_461 : memref<80x64xf32, #tpu.memory_space<vmem>>) target(%dma_start3A_467 : memref<64x64xf32, #tpu.memory_space<vmem_shared>>) offsets(%dma_start3A_464 : memref<80xi32, #tpu.memory_space<vmem>>) semaphore(%arg25 : memref<!tpu.dma_semaphore, #tpu.memory_space<semaphore_mem>>) {add = true}
        %dma_start3A_468 = arith.constant 3 : i32
        %dma_start3A_469 = arith.constant 240 : i32
        %dma_start3A_470 = arith.constant 0 : i32
        %dma_start3A_471 = tpu.memref_slice %arg9[%dma_start3A_469, %dma_start3A_470] : memref<400x64xf32, #tpu.memory_space<vmem>> -> memref<80x64xf32, #tpu.memory_space<vmem>>
        %dma_start3A_472 = arith.constant 0 : i32
        %dma_start3A_473 = tpu.memref_slice %arg5[%dma_start3A_468, %dma_start3A_472] : memref<5x80xi32, #tpu.memory_space<vmem>> -> memref<1x80xi32, #tpu.memory_space<vmem>>
        %dma_start3A_474 = tpu.memref_squeeze %dma_start3A_473 : memref<1x80xi32, #tpu.memory_space<vmem>> -> memref<80xi32, #tpu.memory_space<vmem>>
        %dma_start3A_475 = arith.constant 0 : i32
        %dma_start3A_476 = arith.constant 0 : i32
        %dma_start3A_477 = tpu.memref_slice %arg19[%dma_start3A_475, %dma_start3A_476] : memref<64x64xf32, #tpu.memory_space<vmem_shared>> -> memref<64x64xf32, #tpu.memory_space<vmem_shared>>
        tpu.enqueue_indirect_dma source(%dma_start3A_471 : memref<80x64xf32, #tpu.memory_space<vmem>>) target(%dma_start3A_477 : memref<64x64xf32, #tpu.memory_space<vmem_shared>>) offsets(%dma_start3A_474 : memref<80xi32, #tpu.memory_space<vmem>>) semaphore(%arg25 : memref<!tpu.dma_semaphore, #tpu.memory_space<semaphore_mem>>) {add = true}
        %dma_start3A_478 = arith.constant 4 : i32
        %dma_start3A_479 = arith.constant 320 : i32
        %dma_start3A_480 = arith.constant 0 : i32
        %dma_start3A_481 = tpu.memref_slice %arg9[%dma_start3A_479, %dma_start3A_480] : memref<400x64xf32, #tpu.memory_space<vmem>> -> memref<80x64xf32, #tpu.memory_space<vmem>>
        %dma_start3A_482 = arith.constant 0 : i32
        %dma_start3A_483 = tpu.memref_slice %arg5[%dma_start3A_478, %dma_start3A_482] : memref<5x80xi32, #tpu.memory_space<vmem>> -> memref<1x80xi32, #tpu.memory_space<vmem>>
        %dma_start3A_484 = tpu.memref_squeeze %dma_start3A_483 : memref<1x80xi32, #tpu.memory_space<vmem>> -> memref<80xi32, #tpu.memory_space<vmem>>
        %dma_start3A_485 = arith.constant 0 : i32
        %dma_start3A_486 = arith.constant 0 : i32
        %dma_start3A_487 = tpu.memref_slice %arg19[%dma_start3A_485, %dma_start3A_486] : memref<64x64xf32, #tpu.memory_space<vmem_shared>> -> memref<64x64xf32, #tpu.memory_space<vmem_shared>>
        tpu.enqueue_indirect_dma source(%dma_start3A_481 : memref<80x64xf32, #tpu.memory_space<vmem>>) target(%dma_start3A_487 : memref<64x64xf32, #tpu.memory_space<vmem_shared>>) offsets(%dma_start3A_484 : memref<80xi32, #tpu.memory_space<vmem>>) semaphore(%arg25 : memref<!tpu.dma_semaphore, #tpu.memory_space<semaphore_mem>>) {add = true}
        %get3A_488 = arith.constant 0 : i32
        %get3A_489 = arith.index_cast %get3A_488 : i32 to index
        %get3A_490 = arith.constant 0 : index
        %get3A_491 = tpu.vector_load %arg5[%get3A_489, %get3A_490] {strides = array<i32>} : memref<5x80xi32, #tpu.memory_space<vmem>>, vector<16xi32>,
        tpu.vector_store_idx %arg13[%get3A_491], %broadcast_in_dim3A_5 {add = true} : memref<64xf32, #tpu.memory_space<vmem>>[vector<16xi32>], vector<16xf32>,
        %get3A_492 = arith.constant 0 : i32
        %get3A_493 = arith.index_cast %get3A_492 : i32 to index
        %get3A_494 = arith.constant 16 : index
        %get3A_495 = tpu.vector_load %arg5[%get3A_493, %get3A_494] {strides = array<i32>} : memref<5x80xi32, #tpu.memory_space<vmem>>, vector<16xi32>,
        tpu.vector_store_idx %arg13[%get3A_495], %broadcast_in_dim3A_5 {add = true} : memref<64xf32, #tpu.memory_space<vmem>>[vector<16xi32>], vector<16xf32>,
        %get3A_496 = arith.constant 0 : i32
        %get3A_497 = arith.index_cast %get3A_496 : i32 to index
        %get3A_498 = arith.constant 32 : index
        %get3A_499 = tpu.vector_load %arg5[%get3A_497, %get3A_498] {strides = array<i32>} : memref<5x80xi32, #tpu.memory_space<vmem>>, vector<16xi32>,
        tpu.vector_store_idx %arg13[%get3A_499], %broadcast_in_dim3A_5 {add = true} : memref<64xf32, #tpu.memory_space<vmem>>[vector<16xi32>], vector<16xf32>,
        %get3A_500 = arith.constant 0 : i32
        %get3A_501 = arith.index_cast %get3A_500 : i32 to index
        %get3A_502 = arith.constant 48 : index
        %get3A_503 = tpu.vector_load %arg5[%get3A_501, %get3A_502] {strides = array<i32>} : memref<5x80xi32, #tpu.memory_space<vmem>>, vector<16xi32>,
        tpu.vector_store_idx %arg13[%get3A_503], %broadcast_in_dim3A_5 {add = true} : memref<64xf32, #tpu.memory_space<vmem>>[vector<16xi32>], vector<16xf32>,
        %get3A_504 = arith.constant 0 : i32
        %get3A_505 = arith.index_cast %get3A_504 : i32 to index
        %get3A_506 = arith.constant 64 : index
        %get3A_507 = tpu.vector_load %arg5[%get3A_505, %get3A_506] {strides = array<i32>} : memref<5x80xi32, #tpu.memory_space<vmem>>, vector<16xi32>,
        tpu.vector_store_idx %arg13[%get3A_507], %broadcast_in_dim3A_5 {add = true} : memref<64xf32, #tpu.memory_space<vmem>>[vector<16xi32>], vector<16xf32>,
        %get3A_508 = arith.constant 1 : i32
        %get3A_509 = arith.index_cast %get3A_508 : i32 to index
        %get3A_510 = arith.constant 0 : index
        %get3A_511 = tpu.vector_load %arg5[%get3A_509, %get3A_510] {strides = array<i32>} : memref<5x80xi32, #tpu.memory_space<vmem>>, vector<16xi32>,
        tpu.vector_store_idx %arg13[%get3A_511], %broadcast_in_dim3A_5 {add = true} : memref<64xf32, #tpu.memory_space<vmem>>[vector<16xi32>], vector<16xf32>,
        %get3A_512 = arith.constant 1 : i32
        %get3A_513 = arith.index_cast %get3A_512 : i32 to index
        %get3A_514 = arith.constant 16 : index
        %get3A_515 = tpu.vector_load %arg5[%get3A_513, %get3A_514] {strides = array<i32>} : memref<5x80xi32, #tpu.memory_space<vmem>>, vector<16xi32>,
        tpu.vector_store_idx %arg13[%get3A_515], %broadcast_in_dim3A_5 {add = true} : memref<64xf32, #tpu.memory_space<vmem>>[vector<16xi32>], vector<16xf32>,
        %get3A_516 = arith.constant 1 : i32
        %get3A_517 = arith.index_cast %get3A_516 : i32 to index
        %get3A_518 = arith.constant 32 : index
        %get3A_519 = tpu.vector_load %arg5[%get3A_517, %get3A_518] {strides = array<i32>} : memref<5x80xi32, #tpu.memory_space<vmem>>, vector<16xi32>,
        tpu.vector_store_idx %arg13[%get3A_519], %broadcast_in_dim3A_5 {add = true} : memref<64xf32, #tpu.memory_space<vmem>>[vector<16xi32>], vector<16xf32>,
        %get3A_520 = arith.constant 1 : i32
        %get3A_521 = arith.index_cast %get3A_520 : i32 to index
        %get3A_522 = arith.constant 48 : index
        %get3A_523 = tpu.vector_load %arg5[%get3A_521, %get3A_522] {strides = array<i32>} : memref<5x80xi32, #tpu.memory_space<vmem>>, vector<16xi32>,
        tpu.vector_store_idx %arg13[%get3A_523], %broadcast_in_dim3A_5 {add = true} : memref<64xf32, #tpu.memory_space<vmem>>[vector<16xi32>], vector<16xf32>,
        %get3A_524 = arith.constant 1 : i32
        %get3A_525 = arith.index_cast %get3A_524 : i32 to index
        %get3A_526 = arith.constant 64 : index
        %get3A_527 = tpu.vector_load %arg5[%get3A_525, %get3A_526] {strides = array<i32>} : memref<5x80xi32, #tpu.memory_space<vmem>>, vector<16xi32>,
        tpu.vector_store_idx %arg13[%get3A_527], %broadcast_in_dim3A_5 {add = true} : memref<64xf32, #tpu.memory_space<vmem>>[vector<16xi32>], vector<16xf32>,
        %get3A_528 = arith.constant 2 : i32
        %get3A_529 = arith.index_cast %get3A_528 : i32 to index
        %get3A_530 = arith.constant 0 : index
        %get3A_531 = tpu.vector_load %arg5[%get3A_529, %get3A_530] {strides = array<i32>} : memref<5x80xi32, #tpu.memory_space<vmem>>, vector<16xi32>,
        tpu.vector_store_idx %arg13[%get3A_531], %broadcast_in_dim3A_5 {add = true} : memref<64xf32, #tpu.memory_space<vmem>>[vector<16xi32>], vector<16xf32>,
        %get3A_532 = arith.constant 2 : i32
        %get3A_533 = arith.index_cast %get3A_532 : i32 to index
        %get3A_534 = arith.constant 16 : index
        %get3A_535 = tpu.vector_load %arg5[%get3A_533, %get3A_534] {strides = array<i32>} : memref<5x80xi32, #tpu.memory_space<vmem>>, vector<16xi32>,
        tpu.vector_store_idx %arg13[%get3A_535], %broadcast_in_dim3A_5 {add = true} : memref<64xf32, #tpu.memory_space<vmem>>[vector<16xi32>], vector<16xf32>,
        %get3A_536 = arith.constant 2 : i32
        %get3A_537 = arith.index_cast %get3A_536 : i32 to index
        %get3A_538 = arith.constant 32 : index
        %get3A_539 = tpu.vector_load %arg5[%get3A_537, %get3A_538] {strides = array<i32>} : memref<5x80xi32, #tpu.memory_space<vmem>>, vector<16xi32>,
        tpu.vector_store_idx %arg13[%get3A_539], %broadcast_in_dim3A_5 {add = true} : memref<64xf32, #tpu.memory_space<vmem>>[vector<16xi32>], vector<16xf32>,
        %get3A_540 = arith.constant 2 : i32
        %get3A_541 = arith.index_cast %get3A_540 : i32 to index
        %get3A_542 = arith.constant 48 : index
        %get3A_543 = tpu.vector_load %arg5[%get3A_541, %get3A_542] {strides = array<i32>} : memref<5x80xi32, #tpu.memory_space<vmem>>, vector<16xi32>,
        tpu.vector_store_idx %arg13[%get3A_543], %broadcast_in_dim3A_5 {add = true} : memref<64xf32, #tpu.memory_space<vmem>>[vector<16xi32>], vector<16xf32>,
        %get3A_544 = arith.constant 2 : i32
        %get3A_545 = arith.index_cast %get3A_544 : i32 to index
        %get3A_546 = arith.constant 64 : index
        %get3A_547 = tpu.vector_load %arg5[%get3A_545, %get3A_546] {strides = array<i32>} : memref<5x80xi32, #tpu.memory_space<vmem>>, vector<16xi32>,
        tpu.vector_store_idx %arg13[%get3A_547], %broadcast_in_dim3A_5 {add = true} : memref<64xf32, #tpu.memory_space<vmem>>[vector<16xi32>], vector<16xf32>,
        %get3A_548 = arith.constant 3 : i32
        %get3A_549 = arith.index_cast %get3A_548 : i32 to index
        %get3A_550 = arith.constant 0 : index
        %get3A_551 = tpu.vector_load %arg5[%get3A_549, %get3A_550] {strides = array<i32>} : memref<5x80xi32, #tpu.memory_space<vmem>>, vector<16xi32>,
        tpu.vector_store_idx %arg13[%get3A_551], %broadcast_in_dim3A_5 {add = true} : memref<64xf32, #tpu.memory_space<vmem>>[vector<16xi32>], vector<16xf32>,
        %get3A_552 = arith.constant 3 : i32
        %get3A_553 = arith.index_cast %get3A_552 : i32 to index
        %get3A_554 = arith.constant 16 : index
        %get3A_555 = tpu.vector_load %arg5[%get3A_553, %get3A_554] {strides = array<i32>} : memref<5x80xi32, #tpu.memory_space<vmem>>, vector<16xi32>,
        tpu.vector_store_idx %arg13[%get3A_555], %broadcast_in_dim3A_5 {add = true} : memref<64xf32, #tpu.memory_space<vmem>>[vector<16xi32>], vector<16xf32>,
        %get3A_556 = arith.constant 3 : i32
        %get3A_557 = arith.index_cast %get3A_556 : i32 to index
        %get3A_558 = arith.constant 32 : index
        %get3A_559 = tpu.vector_load %arg5[%get3A_557, %get3A_558] {strides = array<i32>} : memref<5x80xi32, #tpu.memory_space<vmem>>, vector<16xi32>,
        tpu.vector_store_idx %arg13[%get3A_559], %broadcast_in_dim3A_5 {add = true} : memref<64xf32, #tpu.memory_space<vmem>>[vector<16xi32>], vector<16xf32>,
        %get3A_560 = arith.constant 3 : i32
        %get3A_561 = arith.index_cast %get3A_560 : i32 to index
        %get3A_562 = arith.constant 48 : index
        %get3A_563 = tpu.vector_load %arg5[%get3A_561, %get3A_562] {strides = array<i32>} : memref<5x80xi32, #tpu.memory_space<vmem>>, vector<16xi32>,
        tpu.vector_store_idx %arg13[%get3A_563], %broadcast_in_dim3A_5 {add = true} : memref<64xf32, #tpu.memory_space<vmem>>[vector<16xi32>], vector<16xf32>,
        %get3A_564 = arith.constant 3 : i32
        %get3A_565 = arith.index_cast %get3A_564 : i32 to index
        %get3A_566 = arith.constant 64 : index
        %get3A_567 = tpu.vector_load %arg5[%get3A_565, %get3A_566] {strides = array<i32>} : memref<5x80xi32, #tpu.memory_space<vmem>>, vector<16xi32>,
        tpu.vector_store_idx %arg13[%get3A_567], %broadcast_in_dim3A_5 {add = true} : memref<64xf32, #tpu.memory_space<vmem>>[vector<16xi32>], vector<16xf32>,
        %get3A_568 = arith.constant 4 : i32
        %get3A_569 = arith.index_cast %get3A_568 : i32 to index
        %get3A_570 = arith.constant 0 : index
        %get3A_571 = tpu.vector_load %arg5[%get3A_569, %get3A_570] {strides = array<i32>} : memref<5x80xi32, #tpu.memory_space<vmem>>, vector<16xi32>,
        tpu.vector_store_idx %arg13[%get3A_571], %broadcast_in_dim3A_5 {add = true} : memref<64xf32, #tpu.memory_space<vmem>>[vector<16xi32>], vector<16xf32>,
        %get3A_572 = arith.constant 4 : i32
        %get3A_573 = arith.index_cast %get3A_572 : i32 to index
        %get3A_574 = arith.constant 16 : index
        %get3A_575 = tpu.vector_load %arg5[%get3A_573, %get3A_574] {strides = array<i32>} : memref<5x80xi32, #tpu.memory_space<vmem>>, vector<16xi32>,
        tpu.vector_store_idx %arg13[%get3A_575], %broadcast_in_dim3A_5 {add = true} : memref<64xf32, #tpu.memory_space<vmem>>[vector<16xi32>], vector<16xf32>,
        %get3A_576 = arith.constant 4 : i32
        %get3A_577 = arith.index_cast %get3A_576 : i32 to index
        %get3A_578 = arith.constant 32 : index
        %get3A_579 = tpu.vector_load %arg5[%get3A_577, %get3A_578] {strides = array<i32>} : memref<5x80xi32, #tpu.memory_space<vmem>>, vector<16xi32>,
        tpu.vector_store_idx %arg13[%get3A_579], %broadcast_in_dim3A_5 {add = true} : memref<64xf32, #tpu.memory_space<vmem>>[vector<16xi32>], vector<16xf32>,
        %get3A_580 = arith.constant 4 : i32
        %get3A_581 = arith.index_cast %get3A_580 : i32 to index
        %get3A_582 = arith.constant 48 : index
        %get3A_583 = tpu.vector_load %arg5[%get3A_581, %get3A_582] {strides = array<i32>} : memref<5x80xi32, #tpu.memory_space<vmem>>, vector<16xi32>,
        tpu.vector_store_idx %arg13[%get3A_583], %broadcast_in_dim3A_5 {add = true} : memref<64xf32, #tpu.memory_space<vmem>>[vector<16xi32>], vector<16xf32>,
        %get3A_584 = arith.constant 4 : i32
        %get3A_585 = arith.index_cast %get3A_584 : i32 to index
        %get3A_586 = arith.constant 64 : index
        %get3A_587 = tpu.vector_load %arg5[%get3A_585, %get3A_586] {strides = array<i32>} : memref<5x80xi32, #tpu.memory_space<vmem>>, vector<16xi32>,
        tpu.vector_store_idx %arg13[%get3A_587], %broadcast_in_dim3A_5 {add = true} : memref<64xf32, #tpu.memory_space<vmem>>[vector<16xi32>], vector<16xf32>,
      } else {
      }
      %sub3A = arith.constant 1 : i32
      %sub3A_304 = arith.subi %add3A_295, %sub3A : i32
      %mul3A_305 = arith.constant 16 : i32
      %mul3A_306 = arith.muli %sub3A_304, %mul3A_305 : i32
      %add3A_307 = arith.addi %mul3A_306, %arg1 : i32
      %ge3A = arith.constant 0 : i32
      %ge3A_308 = arith.cmpi sge, %sub3A_304, %ge3A : i32
      %lt3A_309 = arith.constant 250 : i32
      %lt3A_310 = arith.cmpi slt, %add3A_307, %lt3A_309 : i32
      %and3A_311 = arith.andi %ge3A_308, %lt3A_310 : i1
      %convert_element_type3A_312 = arith.extui %and3A_311 : i1 to i32
      %cond3A_313 = arith.constant 0 : i32
      %cond3A_314 = arith.cmpi ne, %convert_element_type3A_312, %cond3A_313 : i32
      scf.if %cond3A_314 {
        %dma_wait3A = arith.constant 0 : i32
        %dma_wait3A_430 = arith.constant 0 : i32
        %dma_wait3A_431 = arith.constant 0 : i32
        %dma_wait3A_432 = tpu.memref_slice %arg12[%dma_wait3A_430, %dma_wait3A_431] : memref<400x64xf32, #tpu.memory_space<vmem>> -> memref<80x64xf32, #tpu.memory_space<vmem>>
        %dma_wait3A_433 = arith.constant 0 : i32
        %dma_wait3A_434 = tpu.memref_slice %arg8[%dma_wait3A, %dma_wait3A_433] : memref<5x80xi32, #tpu.memory_space<vmem>> -> memref<1x80xi32, #tpu.memory_space<vmem>>
        %dma_wait3A_435 = tpu.memref_squeeze %dma_wait3A_434 : memref<1x80xi32, #tpu.memory_space<vmem>> -> memref<80xi32, #tpu.memory_space<vmem>>
        %dma_wait3A_436 = arith.constant 0 : i32
        %dma_wait3A_437 = arith.constant 0 : i32
        %dma_wait3A_438 = tpu.memref_slice %arg19[%dma_wait3A_436, %dma_wait3A_437] : memref<64x64xf32, #tpu.memory_space<vmem_shared>> -> memref<64x64xf32, #tpu.memory_space<vmem_shared>>
        tpu.wait_indirect_dma semaphore(%arg28 : memref<!tpu.dma_semaphore, #tpu.memory_space<semaphore_mem>>) src(%dma_wait3A_432 : memref<80x64xf32, #tpu.memory_space<vmem>>) dst(%dma_wait3A_438 : memref<64x64xf32, #tpu.memory_space<vmem_shared>>)
        %dma_wait3A_439 = arith.constant 1 : i32
        %dma_wait3A_440 = arith.constant 80 : i32
        %dma_wait3A_441 = arith.constant 0 : i32
        %dma_wait3A_442 = tpu.memref_slice %arg12[%dma_wait3A_440, %dma_wait3A_441] : memref<400x64xf32, #tpu.memory_space<vmem>> -> memref<80x64xf32, #tpu.memory_space<vmem>>
        %dma_wait3A_443 = arith.constant 0 : i32
        %dma_wait3A_444 = tpu.memref_slice %arg8[%dma_wait3A_439, %dma_wait3A_443] : memref<5x80xi32, #tpu.memory_space<vmem>> -> memref<1x80xi32, #tpu.memory_space<vmem>>
        %dma_wait3A_445 = tpu.memref_squeeze %dma_wait3A_444 : memref<1x80xi32, #tpu.memory_space<vmem>> -> memref<80xi32, #tpu.memory_space<vmem>>
        %dma_wait3A_446 = arith.constant 0 : i32
        %dma_wait3A_447 = arith.constant 0 : i32
        %dma_wait3A_448 = tpu.memref_slice %arg19[%dma_wait3A_446, %dma_wait3A_447] : memref<64x64xf32, #tpu.memory_space<vmem_shared>> -> memref<64x64xf32, #tpu.memory_space<vmem_shared>>
        tpu.wait_indirect_dma semaphore(%arg28 : memref<!tpu.dma_semaphore, #tpu.memory_space<semaphore_mem>>) src(%dma_wait3A_442 : memref<80x64xf32, #tpu.memory_space<vmem>>) dst(%dma_wait3A_448 : memref<64x64xf32, #tpu.memory_space<vmem_shared>>)
        %dma_wait3A_449 = arith.constant 2 : i32
        %dma_wait3A_450 = arith.constant 160 : i32
        %dma_wait3A_451 = arith.constant 0 : i32
        %dma_wait3A_452 = tpu.memref_slice %arg12[%dma_wait3A_450, %dma_wait3A_451] : memref<400x64xf32, #tpu.memory_space<vmem>> -> memref<80x64xf32, #tpu.memory_space<vmem>>
        %dma_wait3A_453 = arith.constant 0 : i32
        %dma_wait3A_454 = tpu.memref_slice %arg8[%dma_wait3A_449, %dma_wait3A_453] : memref<5x80xi32, #tpu.memory_space<vmem>> -> memref<1x80xi32, #tpu.memory_space<vmem>>
        %dma_wait3A_455 = tpu.memref_squeeze %dma_wait3A_454 : memref<1x80xi32, #tpu.memory_space<vmem>> -> memref<80xi32, #tpu.memory_space<vmem>>
        %dma_wait3A_456 = arith.constant 0 : i32
        %dma_wait3A_457 = arith.constant 0 : i32
        %dma_wait3A_458 = tpu.memref_slice %arg19[%dma_wait3A_456, %dma_wait3A_457] : memref<64x64xf32, #tpu.memory_space<vmem_shared>> -> memref<64x64xf32, #tpu.memory_space<vmem_shared>>
        tpu.wait_indirect_dma semaphore(%arg28 : memref<!tpu.dma_semaphore, #tpu.memory_space<semaphore_mem>>) src(%dma_wait3A_452 : memref<80x64xf32, #tpu.memory_space<vmem>>) dst(%dma_wait3A_458 : memref<64x64xf32, #tpu.memory_space<vmem_shared>>)
        %dma_wait3A_459 = arith.constant 3 : i32
        %dma_wait3A_460 = arith.constant 240 : i32
        %dma_wait3A_461 = arith.constant 0 : i32
        %dma_wait3A_462 = tpu.memref_slice %arg12[%dma_wait3A_460, %dma_wait3A_461] : memref<400x64xf32, #tpu.memory_space<vmem>> -> memref<80x64xf32, #tpu.memory_space<vmem>>
        %dma_wait3A_463 = arith.constant 0 : i32
        %dma_wait3A_464 = tpu.memref_slice %arg8[%dma_wait3A_459, %dma_wait3A_463] : memref<5x80xi32, #tpu.memory_space<vmem>> -> memref<1x80xi32, #tpu.memory_space<vmem>>
        %dma_wait3A_465 = tpu.memref_squeeze %dma_wait3A_464 : memref<1x80xi32, #tpu.memory_space<vmem>> -> memref<80xi32, #tpu.memory_space<vmem>>
        %dma_wait3A_466 = arith.constant 0 : i32
        %dma_wait3A_467 = arith.constant 0 : i32
        %dma_wait3A_468 = tpu.memref_slice %arg19[%dma_wait3A_466, %dma_wait3A_467] : memref<64x64xf32, #tpu.memory_space<vmem_shared>> -> memref<64x64xf32, #tpu.memory_space<vmem_shared>>
        tpu.wait_indirect_dma semaphore(%arg28 : memref<!tpu.dma_semaphore, #tpu.memory_space<semaphore_mem>>) src(%dma_wait3A_462 : memref<80x64xf32, #tpu.memory_space<vmem>>) dst(%dma_wait3A_468 : memref<64x64xf32, #tpu.memory_space<vmem_shared>>)
        %dma_wait3A_469 = arith.constant 4 : i32
        %dma_wait3A_470 = arith.constant 320 : i32
        %dma_wait3A_471 = arith.constant 0 : i32
        %dma_wait3A_472 = tpu.memref_slice %arg12[%dma_wait3A_470, %dma_wait3A_471] : memref<400x64xf32, #tpu.memory_space<vmem>> -> memref<80x64xf32, #tpu.memory_space<vmem>>
        %dma_wait3A_473 = arith.constant 0 : i32
        %dma_wait3A_474 = tpu.memref_slice %arg8[%dma_wait3A_469, %dma_wait3A_473] : memref<5x80xi32, #tpu.memory_space<vmem>> -> memref<1x80xi32, #tpu.memory_space<vmem>>
        %dma_wait3A_475 = tpu.memref_squeeze %dma_wait3A_474 : memref<1x80xi32, #tpu.memory_space<vmem>> -> memref<80xi32, #tpu.memory_space<vmem>>
        %dma_wait3A_476 = arith.constant 0 : i32
        %dma_wait3A_477 = arith.constant 0 : i32
        %dma_wait3A_478 = tpu.memref_slice %arg19[%dma_wait3A_476, %dma_wait3A_477] : memref<64x64xf32, #tpu.memory_space<vmem_shared>> -> memref<64x64xf32, #tpu.memory_space<vmem_shared>>
        tpu.wait_indirect_dma semaphore(%arg28 : memref<!tpu.dma_semaphore, #tpu.memory_space<semaphore_mem>>) src(%dma_wait3A_472 : memref<80x64xf32, #tpu.memory_space<vmem>>) dst(%dma_wait3A_478 : memref<64x64xf32, #tpu.memory_space<vmem_shared>>)
      } else {
      }
      %add3A_315 = arith.constant 3 : i32
      %add3A_316 = arith.addi %add3A_295, %add3A_315 : i32
      %mul3A_317 = arith.constant 16 : i32
      %mul3A_318 = arith.muli %add3A_316, %mul3A_317 : i32
      %add3A_319 = arith.addi %mul3A_318, %arg1 : i32
      %lt3A_320 = arith.constant 250 : i32
      %lt3A_321 = arith.cmpi slt, %add3A_319, %lt3A_320 : i32
      %convert_element_type3A_322 = arith.extui %lt3A_321 : i1 to i32
      %cond3A_323 = arith.constant 0 : i32
      %cond3A_324 = arith.cmpi ne, %convert_element_type3A_322, %cond3A_323 : i32
      scf.if %cond3A_324 {
        %mul3A_430 = arith.constant 5 : i32
        %mul3A_431 = arith.muli %add3A_319, %mul3A_430 : i32
        %dma_start3A = arith.constant 0 : i32
        %dma_start3A_432 = tpu.memref_slice %arg3[%mul3A_431, %dma_start3A] : memref<1250x80xi32, #tpu.memory_space<hbm>> -> memref<5x80xi32, #tpu.memory_space<hbm>>
        %dma_start3A_433 = arith.constant 0 : i32
        %dma_start3A_434 = tpu.memref_slice %arg3[%mul3A_431, %dma_start3A_433] : memref<1250x80xi32, #tpu.memory_space<hbm>> -> memref<5x80xi32, #tpu.memory_space<hbm>>
        tpu.enqueue_dma source(%dma_start3A_434 : memref<5x80xi32, #tpu.memory_space<hbm>>) target(%arg8 : memref<5x80xi32, #tpu.memory_space<vmem>>) target_semaphore(%arg24 : memref<!tpu.dma_semaphore, #tpu.memory_space<semaphore_mem>>)
        %mul3A_435 = arith.constant 400 : i32
        %mul3A_436 = arith.muli %add3A_319, %mul3A_435 : i32
        %dma_start3A_437 = tpu.memref_slice %arg2[%mul3A_436, %mul3A_0] : memref<100000x128xf32, #tpu.memory_space<hbm>> -> memref<400x64xf32, #tpu.memory_space<hbm>>
        %dma_start3A_438 = tpu.memref_slice %arg2[%mul3A_436, %mul3A_0] : memref<100000x128xf32, #tpu.memory_space<hbm>> -> memref<400x64xf32, #tpu.memory_space<hbm>>
        tpu.enqueue_dma source(%dma_start3A_438 : memref<400x64xf32, #tpu.memory_space<hbm>>) target(%arg12 : memref<400x64xf32, #tpu.memory_space<vmem>>) target_semaphore(%arg24 : memref<!tpu.dma_semaphore, #tpu.memory_space<semaphore_mem>>)
      } else {
      }
      %mul3A_325 = arith.constant 4 : i32
      %mul3A_326 = arith.muli %scan3A_291, %mul3A_325 : i32
      %add3A_327 = arith.constant 1 : i32
      %add3A_328 = arith.addi %mul3A_326, %add3A_327 : i32
      %mul3A_329 = arith.constant 16 : i32
      %mul3A_330 = arith.muli %add3A_328, %mul3A_329 : i32
      %add3A_331 = arith.addi %mul3A_330, %arg1 : i32
      %lt3A_332 = arith.constant 250 : i32
      %lt3A_333 = arith.cmpi slt, %add3A_331, %lt3A_332 : i32
      %convert_element_type3A_334 = arith.extui %lt3A_333 : i1 to i32
      %cond3A_335 = arith.constant 0 : i32
      %cond3A_336 = arith.cmpi ne, %convert_element_type3A_334, %cond3A_335 : i32
      scf.if %cond3A_336 {
        %mul3A_430 = arith.constant 5 : i32
        %mul3A_431 = arith.muli %add3A_331, %mul3A_430 : i32
        %dma_wait3A = arith.constant 0 : i32
        %dma_wait3A_432 = tpu.memref_slice %arg3[%mul3A_431, %dma_wait3A] : memref<1250x80xi32, #tpu.memory_space<hbm>> -> memref<5x80xi32, #tpu.memory_space<hbm>>
        %dma_wait3A_433 = arith.constant 0 : i32
        %dma_wait3A_434 = tpu.memref_slice %arg3[%mul3A_431, %dma_wait3A_433] : memref<1250x80xi32, #tpu.memory_space<hbm>> -> memref<5x80xi32, #tpu.memory_space<hbm>>
        tpu.wait_dma2 semaphore(%arg22 : memref<!tpu.dma_semaphore, #tpu.memory_space<semaphore_mem>>) src(%dma_wait3A_434 : memref<5x80xi32, #tpu.memory_space<hbm>>) dst(%arg6 : memref<5x80xi32, #tpu.memory_space<vmem>>)
        %mul3A_435 = arith.constant 400 : i32
        %mul3A_436 = arith.muli %add3A_331, %mul3A_435 : i32
        %dma_wait3A_437 = tpu.memref_slice %arg2[%mul3A_436, %mul3A_0] : memref<100000x128xf32, #tpu.memory_space<hbm>> -> memref<400x64xf32, #tpu.memory_space<hbm>>
        %dma_wait3A_438 = tpu.memref_slice %arg2[%mul3A_436, %mul3A_0] : memref<100000x128xf32, #tpu.memory_space<hbm>> -> memref<400x64xf32, #tpu.memory_space<hbm>>
        tpu.wait_dma2 semaphore(%arg22 : memref<!tpu.dma_semaphore, #tpu.memory_space<semaphore_mem>>) src(%dma_wait3A_438 : memref<400x64xf32, #tpu.memory_space<hbm>>) dst(%arg10 : memref<400x64xf32, #tpu.memory_space<vmem>>)
        %dma_start3A = arith.constant 0 : i32
        %dma_start3A_439 = arith.constant 0 : i32
        %dma_start3A_440 = arith.constant 0 : i32
        %dma_start3A_441 = tpu.memref_slice %arg10[%dma_start3A_439, %dma_start3A_440] : memref<400x64xf32, #tpu.memory_space<vmem>> -> memref<80x64xf32, #tpu.memory_space<vmem>>
        %dma_start3A_442 = arith.constant 0 : i32
        %dma_start3A_443 = tpu.memref_slice %arg6[%dma_start3A, %dma_start3A_442] : memref<5x80xi32, #tpu.memory_space<vmem>> -> memref<1x80xi32, #tpu.memory_space<vmem>>
        %dma_start3A_444 = tpu.memref_squeeze %dma_start3A_443 : memref<1x80xi32, #tpu.memory_space<vmem>> -> memref<80xi32, #tpu.memory_space<vmem>>
        %dma_start3A_445 = arith.constant 0 : i32
        %dma_start3A_446 = arith.constant 0 : i32
        %dma_start3A_447 = tpu.memref_slice %arg19[%dma_start3A_445, %dma_start3A_446] : memref<64x64xf32, #tpu.memory_space<vmem_shared>> -> memref<64x64xf32, #tpu.memory_space<vmem_shared>>
        tpu.enqueue_indirect_dma source(%dma_start3A_441 : memref<80x64xf32, #tpu.memory_space<vmem>>) target(%dma_start3A_447 : memref<64x64xf32, #tpu.memory_space<vmem_shared>>) offsets(%dma_start3A_444 : memref<80xi32, #tpu.memory_space<vmem>>) semaphore(%arg26 : memref<!tpu.dma_semaphore, #tpu.memory_space<semaphore_mem>>) {add = true}
        %dma_start3A_448 = arith.constant 1 : i32
        %dma_start3A_449 = arith.constant 80 : i32
        %dma_start3A_450 = arith.constant 0 : i32
        %dma_start3A_451 = tpu.memref_slice %arg10[%dma_start3A_449, %dma_start3A_450] : memref<400x64xf32, #tpu.memory_space<vmem>> -> memref<80x64xf32, #tpu.memory_space<vmem>>
        %dma_start3A_452 = arith.constant 0 : i32
        %dma_start3A_453 = tpu.memref_slice %arg6[%dma_start3A_448, %dma_start3A_452] : memref<5x80xi32, #tpu.memory_space<vmem>> -> memref<1x80xi32, #tpu.memory_space<vmem>>
        %dma_start3A_454 = tpu.memref_squeeze %dma_start3A_453 : memref<1x80xi32, #tpu.memory_space<vmem>> -> memref<80xi32, #tpu.memory_space<vmem>>
        %dma_start3A_455 = arith.constant 0 : i32
        %dma_start3A_456 = arith.constant 0 : i32
        %dma_start3A_457 = tpu.memref_slice %arg19[%dma_start3A_455, %dma_start3A_456] : memref<64x64xf32, #tpu.memory_space<vmem_shared>> -> memref<64x64xf32, #tpu.memory_space<vmem_shared>>
        tpu.enqueue_indirect_dma source(%dma_start3A_451 : memref<80x64xf32, #tpu.memory_space<vmem>>) target(%dma_start3A_457 : memref<64x64xf32, #tpu.memory_space<vmem_shared>>) offsets(%dma_start3A_454 : memref<80xi32, #tpu.memory_space<vmem>>) semaphore(%arg26 : memref<!tpu.dma_semaphore, #tpu.memory_space<semaphore_mem>>) {add = true}
        %dma_start3A_458 = arith.constant 2 : i32
        %dma_start3A_459 = arith.constant 160 : i32
        %dma_start3A_460 = arith.constant 0 : i32
        %dma_start3A_461 = tpu.memref_slice %arg10[%dma_start3A_459, %dma_start3A_460] : memref<400x64xf32, #tpu.memory_space<vmem>> -> memref<80x64xf32, #tpu.memory_space<vmem>>
        %dma_start3A_462 = arith.constant 0 : i32
        %dma_start3A_463 = tpu.memref_slice %arg6[%dma_start3A_458, %dma_start3A_462] : memref<5x80xi32, #tpu.memory_space<vmem>> -> memref<1x80xi32, #tpu.memory_space<vmem>>
        %dma_start3A_464 = tpu.memref_squeeze %dma_start3A_463 : memref<1x80xi32, #tpu.memory_space<vmem>> -> memref<80xi32, #tpu.memory_space<vmem>>
        %dma_start3A_465 = arith.constant 0 : i32
        %dma_start3A_466 = arith.constant 0 : i32
        %dma_start3A_467 = tpu.memref_slice %arg19[%dma_start3A_465, %dma_start3A_466] : memref<64x64xf32, #tpu.memory_space<vmem_shared>> -> memref<64x64xf32, #tpu.memory_space<vmem_shared>>
        tpu.enqueue_indirect_dma source(%dma_start3A_461 : memref<80x64xf32, #tpu.memory_space<vmem>>) target(%dma_start3A_467 : memref<64x64xf32, #tpu.memory_space<vmem_shared>>) offsets(%dma_start3A_464 : memref<80xi32, #tpu.memory_space<vmem>>) semaphore(%arg26 : memref<!tpu.dma_semaphore, #tpu.memory_space<semaphore_mem>>) {add = true}
        %dma_start3A_468 = arith.constant 3 : i32
        %dma_start3A_469 = arith.constant 240 : i32
        %dma_start3A_470 = arith.constant 0 : i32
        %dma_start3A_471 = tpu.memref_slice %arg10[%dma_start3A_469, %dma_start3A_470] : memref<400x64xf32, #tpu.memory_space<vmem>> -> memref<80x64xf32, #tpu.memory_space<vmem>>
        %dma_start3A_472 = arith.constant 0 : i32
        %dma_start3A_473 = tpu.memref_slice %arg6[%dma_start3A_468, %dma_start3A_472] : memref<5x80xi32, #tpu.memory_space<vmem>> -> memref<1x80xi32, #tpu.memory_space<vmem>>
        %dma_start3A_474 = tpu.memref_squeeze %dma_start3A_473 : memref<1x80xi32, #tpu.memory_space<vmem>> -> memref<80xi32, #tpu.memory_space<vmem>>
        %dma_start3A_475 = arith.constant 0 : i32
        %dma_start3A_476 = arith.constant 0 : i32
        %dma_start3A_477 = tpu.memref_slice %arg19[%dma_start3A_475, %dma_start3A_476] : memref<64x64xf32, #tpu.memory_space<vmem_shared>> -> memref<64x64xf32, #tpu.memory_space<vmem_shared>>
        tpu.enqueue_indirect_dma source(%dma_start3A_471 : memref<80x64xf32, #tpu.memory_space<vmem>>) target(%dma_start3A_477 : memref<64x64xf32, #tpu.memory_space<vmem_shared>>) offsets(%dma_start3A_474 : memref<80xi32, #tpu.memory_space<vmem>>) semaphore(%arg26 : memref<!tpu.dma_semaphore, #tpu.memory_space<semaphore_mem>>) {add = true}
        %dma_start3A_478 = arith.constant 4 : i32
        %dma_start3A_479 = arith.constant 320 : i32
        %dma_start3A_480 = arith.constant 0 : i32
        %dma_start3A_481 = tpu.memref_slice %arg10[%dma_start3A_479, %dma_start3A_480] : memref<400x64xf32, #tpu.memory_space<vmem>> -> memref<80x64xf32, #tpu.memory_space<vmem>>
        %dma_start3A_482 = arith.constant 0 : i32
        %dma_start3A_483 = tpu.memref_slice %arg6[%dma_start3A_478, %dma_start3A_482] : memref<5x80xi32, #tpu.memory_space<vmem>> -> memref<1x80xi32, #tpu.memory_space<vmem>>
        %dma_start3A_484 = tpu.memref_squeeze %dma_start3A_483 : memref<1x80xi32, #tpu.memory_space<vmem>> -> memref<80xi32, #tpu.memory_space<vmem>>
        %dma_start3A_485 = arith.constant 0 : i32
        %dma_start3A_486 = arith.constant 0 : i32
        %dma_start3A_487 = tpu.memref_slice %arg19[%dma_start3A_485, %dma_start3A_486] : memref<64x64xf32, #tpu.memory_space<vmem_shared>> -> memref<64x64xf32, #tpu.memory_space<vmem_shared>>
        tpu.enqueue_indirect_dma source(%dma_start3A_481 : memref<80x64xf32, #tpu.memory_space<vmem>>) target(%dma_start3A_487 : memref<64x64xf32, #tpu.memory_space<vmem_shared>>) offsets(%dma_start3A_484 : memref<80xi32, #tpu.memory_space<vmem>>) semaphore(%arg26 : memref<!tpu.dma_semaphore, #tpu.memory_space<semaphore_mem>>) {add = true}
        %get3A_488 = arith.constant 0 : i32
        %get3A_489 = arith.index_cast %get3A_488 : i32 to index
        %get3A_490 = arith.constant 0 : index
        %get3A_491 = tpu.vector_load %arg6[%get3A_489, %get3A_490] {strides = array<i32>} : memref<5x80xi32, #tpu.memory_space<vmem>>, vector<16xi32>,
        tpu.vector_store_idx %arg13[%get3A_491], %broadcast_in_dim3A_5 {add = true} : memref<64xf32, #tpu.memory_space<vmem>>[vector<16xi32>], vector<16xf32>,
        %get3A_492 = arith.constant 0 : i32
        %get3A_493 = arith.index_cast %get3A_492 : i32 to index
        %get3A_494 = arith.constant 16 : index
        %get3A_495 = tpu.vector_load %arg6[%get3A_493, %get3A_494] {strides = array<i32>} : memref<5x80xi32, #tpu.memory_space<vmem>>, vector<16xi32>,
        tpu.vector_store_idx %arg13[%get3A_495], %broadcast_in_dim3A_5 {add = true} : memref<64xf32, #tpu.memory_space<vmem>>[vector<16xi32>], vector<16xf32>,
        %get3A_496 = arith.constant 0 : i32
        %get3A_497 = arith.index_cast %get3A_496 : i32 to index
        %get3A_498 = arith.constant 32 : index
        %get3A_499 = tpu.vector_load %arg6[%get3A_497, %get3A_498] {strides = array<i32>} : memref<5x80xi32, #tpu.memory_space<vmem>>, vector<16xi32>,
        tpu.vector_store_idx %arg13[%get3A_499], %broadcast_in_dim3A_5 {add = true} : memref<64xf32, #tpu.memory_space<vmem>>[vector<16xi32>], vector<16xf32>,
        %get3A_500 = arith.constant 0 : i32
        %get3A_501 = arith.index_cast %get3A_500 : i32 to index
        %get3A_502 = arith.constant 48 : index
        %get3A_503 = tpu.vector_load %arg6[%get3A_501, %get3A_502] {strides = array<i32>} : memref<5x80xi32, #tpu.memory_space<vmem>>, vector<16xi32>,
        tpu.vector_store_idx %arg13[%get3A_503], %broadcast_in_dim3A_5 {add = true} : memref<64xf32, #tpu.memory_space<vmem>>[vector<16xi32>], vector<16xf32>,
        %get3A_504 = arith.constant 0 : i32
        %get3A_505 = arith.index_cast %get3A_504 : i32 to index
        %get3A_506 = arith.constant 64 : index
        %get3A_507 = tpu.vector_load %arg6[%get3A_505, %get3A_506] {strides = array<i32>} : memref<5x80xi32, #tpu.memory_space<vmem>>, vector<16xi32>,
        tpu.vector_store_idx %arg13[%get3A_507], %broadcast_in_dim3A_5 {add = true} : memref<64xf32, #tpu.memory_space<vmem>>[vector<16xi32>], vector<16xf32>,
        %get3A_508 = arith.constant 1 : i32
        %get3A_509 = arith.index_cast %get3A_508 : i32 to index
        %get3A_510 = arith.constant 0 : index
        %get3A_511 = tpu.vector_load %arg6[%get3A_509, %get3A_510] {strides = array<i32>} : memref<5x80xi32, #tpu.memory_space<vmem>>, vector<16xi32>,
        tpu.vector_store_idx %arg13[%get3A_511], %broadcast_in_dim3A_5 {add = true} : memref<64xf32, #tpu.memory_space<vmem>>[vector<16xi32>], vector<16xf32>,
        %get3A_512 = arith.constant 1 : i32
        %get3A_513 = arith.index_cast %get3A_512 : i32 to index
        %get3A_514 = arith.constant 16 : index
        %get3A_515 = tpu.vector_load %arg6[%get3A_513, %get3A_514] {strides = array<i32>} : memref<5x80xi32, #tpu.memory_space<vmem>>, vector<16xi32>,
        tpu.vector_store_idx %arg13[%get3A_515], %broadcast_in_dim3A_5 {add = true} : memref<64xf32, #tpu.memory_space<vmem>>[vector<16xi32>], vector<16xf32>,
        %get3A_516 = arith.constant 1 : i32
        %get3A_517 = arith.index_cast %get3A_516 : i32 to index
        %get3A_518 = arith.constant 32 : index
        %get3A_519 = tpu.vector_load %arg6[%get3A_517, %get3A_518] {strides = array<i32>} : memref<5x80xi32, #tpu.memory_space<vmem>>, vector<16xi32>,
        tpu.vector_store_idx %arg13[%get3A_519], %broadcast_in_dim3A_5 {add = true} : memref<64xf32, #tpu.memory_space<vmem>>[vector<16xi32>], vector<16xf32>,
        %get3A_520 = arith.constant 1 : i32
        %get3A_521 = arith.index_cast %get3A_520 : i32 to index
        %get3A_522 = arith.constant 48 : index
        %get3A_523 = tpu.vector_load %arg6[%get3A_521, %get3A_522] {strides = array<i32>} : memref<5x80xi32, #tpu.memory_space<vmem>>, vector<16xi32>,
        tpu.vector_store_idx %arg13[%get3A_523], %broadcast_in_dim3A_5 {add = true} : memref<64xf32, #tpu.memory_space<vmem>>[vector<16xi32>], vector<16xf32>,
        %get3A_524 = arith.constant 1 : i32
        %get3A_525 = arith.index_cast %get3A_524 : i32 to index
        %get3A_526 = arith.constant 64 : index
        %get3A_527 = tpu.vector_load %arg6[%get3A_525, %get3A_526] {strides = array<i32>} : memref<5x80xi32, #tpu.memory_space<vmem>>, vector<16xi32>,
        tpu.vector_store_idx %arg13[%get3A_527], %broadcast_in_dim3A_5 {add = true} : memref<64xf32, #tpu.memory_space<vmem>>[vector<16xi32>], vector<16xf32>,
        %get3A_528 = arith.constant 2 : i32
        %get3A_529 = arith.index_cast %get3A_528 : i32 to index
        %get3A_530 = arith.constant 0 : index
        %get3A_531 = tpu.vector_load %arg6[%get3A_529, %get3A_530] {strides = array<i32>} : memref<5x80xi32, #tpu.memory_space<vmem>>, vector<16xi32>,
        tpu.vector_store_idx %arg13[%get3A_531], %broadcast_in_dim3A_5 {add = true} : memref<64xf32, #tpu.memory_space<vmem>>[vector<16xi32>], vector<16xf32>,
        %get3A_532 = arith.constant 2 : i32
        %get3A_533 = arith.index_cast %get3A_532 : i32 to index
        %get3A_534 = arith.constant 16 : index
        %get3A_535 = tpu.vector_load %arg6[%get3A_533, %get3A_534] {strides = array<i32>} : memref<5x80xi32, #tpu.memory_space<vmem>>, vector<16xi32>,
        tpu.vector_store_idx %arg13[%get3A_535], %broadcast_in_dim3A_5 {add = true} : memref<64xf32, #tpu.memory_space<vmem>>[vector<16xi32>], vector<16xf32>,
        %get3A_536 = arith.constant 2 : i32
        %get3A_537 = arith.index_cast %get3A_536 : i32 to index
        %get3A_538 = arith.constant 32 : index
        %get3A_539 = tpu.vector_load %arg6[%get3A_537, %get3A_538] {strides = array<i32>} : memref<5x80xi32, #tpu.memory_space<vmem>>, vector<16xi32>,
        tpu.vector_store_idx %arg13[%get3A_539], %broadcast_in_dim3A_5 {add = true} : memref<64xf32, #tpu.memory_space<vmem>>[vector<16xi32>], vector<16xf32>,
        %get3A_540 = arith.constant 2 : i32
        %get3A_541 = arith.index_cast %get3A_540 : i32 to index
        %get3A_542 = arith.constant 48 : index
        %get3A_543 = tpu.vector_load %arg6[%get3A_541, %get3A_542] {strides = array<i32>} : memref<5x80xi32, #tpu.memory_space<vmem>>, vector<16xi32>,
        tpu.vector_store_idx %arg13[%get3A_543], %broadcast_in_dim3A_5 {add = true} : memref<64xf32, #tpu.memory_space<vmem>>[vector<16xi32>], vector<16xf32>,
        %get3A_544 = arith.constant 2 : i32
        %get3A_545 = arith.index_cast %get3A_544 : i32 to index
        %get3A_546 = arith.constant 64 : index
        %get3A_547 = tpu.vector_load %arg6[%get3A_545, %get3A_546] {strides = array<i32>} : memref<5x80xi32, #tpu.memory_space<vmem>>, vector<16xi32>,
        tpu.vector_store_idx %arg13[%get3A_547], %broadcast_in_dim3A_5 {add = true} : memref<64xf32, #tpu.memory_space<vmem>>[vector<16xi32>], vector<16xf32>,
        %get3A_548 = arith.constant 3 : i32
        %get3A_549 = arith.index_cast %get3A_548 : i32 to index
        %get3A_550 = arith.constant 0 : index
        %get3A_551 = tpu.vector_load %arg6[%get3A_549, %get3A_550] {strides = array<i32>} : memref<5x80xi32, #tpu.memory_space<vmem>>, vector<16xi32>,
        tpu.vector_store_idx %arg13[%get3A_551], %broadcast_in_dim3A_5 {add = true} : memref<64xf32, #tpu.memory_space<vmem>>[vector<16xi32>], vector<16xf32>,
        %get3A_552 = arith.constant 3 : i32
        %get3A_553 = arith.index_cast %get3A_552 : i32 to index
        %get3A_554 = arith.constant 16 : index
        %get3A_555 = tpu.vector_load %arg6[%get3A_553, %get3A_554] {strides = array<i32>} : memref<5x80xi32, #tpu.memory_space<vmem>>, vector<16xi32>,
        tpu.vector_store_idx %arg13[%get3A_555], %broadcast_in_dim3A_5 {add = true} : memref<64xf32, #tpu.memory_space<vmem>>[vector<16xi32>], vector<16xf32>,
        %get3A_556 = arith.constant 3 : i32
        %get3A_557 = arith.index_cast %get3A_556 : i32 to index
        %get3A_558 = arith.constant 32 : index
        %get3A_559 = tpu.vector_load %arg6[%get3A_557, %get3A_558] {strides = array<i32>} : memref<5x80xi32, #tpu.memory_space<vmem>>, vector<16xi32>,
        tpu.vector_store_idx %arg13[%get3A_559], %broadcast_in_dim3A_5 {add = true} : memref<64xf32, #tpu.memory_space<vmem>>[vector<16xi32>], vector<16xf32>,
        %get3A_560 = arith.constant 3 : i32
        %get3A_561 = arith.index_cast %get3A_560 : i32 to index
        %get3A_562 = arith.constant 48 : index
        %get3A_563 = tpu.vector_load %arg6[%get3A_561, %get3A_562] {strides = array<i32>} : memref<5x80xi32, #tpu.memory_space<vmem>>, vector<16xi32>,
        tpu.vector_store_idx %arg13[%get3A_563], %broadcast_in_dim3A_5 {add = true} : memref<64xf32, #tpu.memory_space<vmem>>[vector<16xi32>], vector<16xf32>,
        %get3A_564 = arith.constant 3 : i32
        %get3A_565 = arith.index_cast %get3A_564 : i32 to index
        %get3A_566 = arith.constant 64 : index
        %get3A_567 = tpu.vector_load %arg6[%get3A_565, %get3A_566] {strides = array<i32>} : memref<5x80xi32, #tpu.memory_space<vmem>>, vector<16xi32>,
        tpu.vector_store_idx %arg13[%get3A_567], %broadcast_in_dim3A_5 {add = true} : memref<64xf32, #tpu.memory_space<vmem>>[vector<16xi32>], vector<16xf32>,
        %get3A_568 = arith.constant 4 : i32
        %get3A_569 = arith.index_cast %get3A_568 : i32 to index
        %get3A_570 = arith.constant 0 : index
        %get3A_571 = tpu.vector_load %arg6[%get3A_569, %get3A_570] {strides = array<i32>} : memref<5x80xi32, #tpu.memory_space<vmem>>, vector<16xi32>,
        tpu.vector_store_idx %arg13[%get3A_571], %broadcast_in_dim3A_5 {add = true} : memref<64xf32, #tpu.memory_space<vmem>>[vector<16xi32>], vector<16xf32>,
        %get3A_572 = arith.constant 4 : i32
        %get3A_573 = arith.index_cast %get3A_572 : i32 to index
        %get3A_574 = arith.constant 16 : index
        %get3A_575 = tpu.vector_load %arg6[%get3A_573, %get3A_574] {strides = array<i32>} : memref<5x80xi32, #tpu.memory_space<vmem>>, vector<16xi32>,
        tpu.vector_store_idx %arg13[%get3A_575], %broadcast_in_dim3A_5 {add = true} : memref<64xf32, #tpu.memory_space<vmem>>[vector<16xi32>], vector<16xf32>,
        %get3A_576 = arith.constant 4 : i32
        %get3A_577 = arith.index_cast %get3A_576 : i32 to index
        %get3A_578 = arith.constant 32 : index
        %get3A_579 = tpu.vector_load %arg6[%get3A_577, %get3A_578] {strides = array<i32>} : memref<5x80xi32, #tpu.memory_space<vmem>>, vector<16xi32>,
        tpu.vector_store_idx %arg13[%get3A_579], %broadcast_in_dim3A_5 {add = true} : memref<64xf32, #tpu.memory_space<vmem>>[vector<16xi32>], vector<16xf32>,
        %get3A_580 = arith.constant 4 : i32
        %get3A_581 = arith.index_cast %get3A_580 : i32 to index
        %get3A_582 = arith.constant 48 : index
        %get3A_583 = tpu.vector_load %arg6[%get3A_581, %get3A_582] {strides = array<i32>} : memref<5x80xi32, #tpu.memory_space<vmem>>, vector<16xi32>,
        tpu.vector_store_idx %arg13[%get3A_583], %broadcast_in_dim3A_5 {add = true} : memref<64xf32, #tpu.memory_space<vmem>>[vector<16xi32>], vector<16xf32>,
        %get3A_584 = arith.constant 4 : i32
        %get3A_585 = arith.index_cast %get3A_584 : i32 to index
        %get3A_586 = arith.constant 64 : index
        %get3A_587 = tpu.vector_load %arg6[%get3A_585, %get3A_586] {strides = array<i32>} : memref<5x80xi32, #tpu.memory_space<vmem>>, vector<16xi32>,
        tpu.vector_store_idx %arg13[%get3A_587], %broadcast_in_dim3A_5 {add = true} : memref<64xf32, #tpu.memory_space<vmem>>[vector<16xi32>], vector<16xf32>,
      } else {
      }
      %sub3A_337 = arith.constant 1 : i32
      %sub3A_338 = arith.subi %add3A_328, %sub3A_337 : i32
      %mul3A_339 = arith.constant 16 : i32
      %mul3A_340 = arith.muli %sub3A_338, %mul3A_339 : i32
      %add3A_341 = arith.addi %mul3A_340, %arg1 : i32
      %ge3A_342 = arith.constant 0 : i32
      %ge3A_343 = arith.cmpi sge, %sub3A_338, %ge3A_342 : i32
      %lt3A_344 = arith.constant 250 : i32
      %lt3A_345 = arith.cmpi slt, %add3A_341, %lt3A_344 : i32
      %and3A_346 = arith.andi %ge3A_343, %lt3A_345 : i1
      %convert_element_type3A_347 = arith.extui %and3A_346 : i1 to i32
      %cond3A_348 = arith.constant 0 : i32
      %cond3A_349 = arith.cmpi ne, %convert_element_type3A_347, %cond3A_348 : i32
      scf.if %cond3A_349 {
        %dma_wait3A = arith.constant 0 : i32
        %dma_wait3A_430 = arith.constant 0 : i32
        %dma_wait3A_431 = arith.constant 0 : i32
        %dma_wait3A_432 = tpu.memref_slice %arg9[%dma_wait3A_430, %dma_wait3A_431] : memref<400x64xf32, #tpu.memory_space<vmem>> -> memref<80x64xf32, #tpu.memory_space<vmem>>
        %dma_wait3A_433 = arith.constant 0 : i32
        %dma_wait3A_434 = tpu.memref_slice %arg5[%dma_wait3A, %dma_wait3A_433] : memref<5x80xi32, #tpu.memory_space<vmem>> -> memref<1x80xi32, #tpu.memory_space<vmem>>
        %dma_wait3A_435 = tpu.memref_squeeze %dma_wait3A_434 : memref<1x80xi32, #tpu.memory_space<vmem>> -> memref<80xi32, #tpu.memory_space<vmem>>
        %dma_wait3A_436 = arith.constant 0 : i32
        %dma_wait3A_437 = arith.constant 0 : i32
        %dma_wait3A_438 = tpu.memref_slice %arg19[%dma_wait3A_436, %dma_wait3A_437] : memref<64x64xf32, #tpu.memory_space<vmem_shared>> -> memref<64x64xf32, #tpu.memory_space<vmem_shared>>
        tpu.wait_indirect_dma semaphore(%arg25 : memref<!tpu.dma_semaphore, #tpu.memory_space<semaphore_mem>>) src(%dma_wait3A_432 : memref<80x64xf32, #tpu.memory_space<vmem>>) dst(%dma_wait3A_438 : memref<64x64xf32, #tpu.memory_space<vmem_shared>>)
        %dma_wait3A_439 = arith.constant 1 : i32
        %dma_wait3A_440 = arith.constant 80 : i32
        %dma_wait3A_441 = arith.constant 0 : i32
        %dma_wait3A_442 = tpu.memref_slice %arg9[%dma_wait3A_440, %dma_wait3A_441] : memref<400x64xf32, #tpu.memory_space<vmem>> -> memref<80x64xf32, #tpu.memory_space<vmem>>
        %dma_wait3A_443 = arith.constant 0 : i32
        %dma_wait3A_444 = tpu.memref_slice %arg5[%dma_wait3A_439, %dma_wait3A_443] : memref<5x80xi32, #tpu.memory_space<vmem>> -> memref<1x80xi32, #tpu.memory_space<vmem>>
        %dma_wait3A_445 = tpu.memref_squeeze %dma_wait3A_444 : memref<1x80xi32, #tpu.memory_space<vmem>> -> memref<80xi32, #tpu.memory_space<vmem>>
        %dma_wait3A_446 = arith.constant 0 : i32
        %dma_wait3A_447 = arith.constant 0 : i32
        %dma_wait3A_448 = tpu.memref_slice %arg19[%dma_wait3A_446, %dma_wait3A_447] : memref<64x64xf32, #tpu.memory_space<vmem_shared>> -> memref<64x64xf32, #tpu.memory_space<vmem_shared>>
        tpu.wait_indirect_dma semaphore(%arg25 : memref<!tpu.dma_semaphore, #tpu.memory_space<semaphore_mem>>) src(%dma_wait3A_442 : memref<80x64xf32, #tpu.memory_space<vmem>>) dst(%dma_wait3A_448 : memref<64x64xf32, #tpu.memory_space<vmem_shared>>)
        %dma_wait3A_449 = arith.constant 2 : i32
        %dma_wait3A_450 = arith.constant 160 : i32
        %dma_wait3A_451 = arith.constant 0 : i32
        %dma_wait3A_452 = tpu.memref_slice %arg9[%dma_wait3A_450, %dma_wait3A_451] : memref<400x64xf32, #tpu.memory_space<vmem>> -> memref<80x64xf32, #tpu.memory_space<vmem>>
        %dma_wait3A_453 = arith.constant 0 : i32
        %dma_wait3A_454 = tpu.memref_slice %arg5[%dma_wait3A_449, %dma_wait3A_453] : memref<5x80xi32, #tpu.memory_space<vmem>> -> memref<1x80xi32, #tpu.memory_space<vmem>>
        %dma_wait3A_455 = tpu.memref_squeeze %dma_wait3A_454 : memref<1x80xi32, #tpu.memory_space<vmem>> -> memref<80xi32, #tpu.memory_space<vmem>>
        %dma_wait3A_456 = arith.constant 0 : i32
        %dma_wait3A_457 = arith.constant 0 : i32
        %dma_wait3A_458 = tpu.memref_slice %arg19[%dma_wait3A_456, %dma_wait3A_457] : memref<64x64xf32, #tpu.memory_space<vmem_shared>> -> memref<64x64xf32, #tpu.memory_space<vmem_shared>>
        tpu.wait_indirect_dma semaphore(%arg25 : memref<!tpu.dma_semaphore, #tpu.memory_space<semaphore_mem>>) src(%dma_wait3A_452 : memref<80x64xf32, #tpu.memory_space<vmem>>) dst(%dma_wait3A_458 : memref<64x64xf32, #tpu.memory_space<vmem_shared>>)
        %dma_wait3A_459 = arith.constant 3 : i32
        %dma_wait3A_460 = arith.constant 240 : i32
        %dma_wait3A_461 = arith.constant 0 : i32
        %dma_wait3A_462 = tpu.memref_slice %arg9[%dma_wait3A_460, %dma_wait3A_461] : memref<400x64xf32, #tpu.memory_space<vmem>> -> memref<80x64xf32, #tpu.memory_space<vmem>>
        %dma_wait3A_463 = arith.constant 0 : i32
        %dma_wait3A_464 = tpu.memref_slice %arg5[%dma_wait3A_459, %dma_wait3A_463] : memref<5x80xi32, #tpu.memory_space<vmem>> -> memref<1x80xi32, #tpu.memory_space<vmem>>
        %dma_wait3A_465 = tpu.memref_squeeze %dma_wait3A_464 : memref<1x80xi32, #tpu.memory_space<vmem>> -> memref<80xi32, #tpu.memory_space<vmem>>
        %dma_wait3A_466 = arith.constant 0 : i32
        %dma_wait3A_467 = arith.constant 0 : i32
        %dma_wait3A_468 = tpu.memref_slice %arg19[%dma_wait3A_466, %dma_wait3A_467] : memref<64x64xf32, #tpu.memory_space<vmem_shared>> -> memref<64x64xf32, #tpu.memory_space<vmem_shared>>
        tpu.wait_indirect_dma semaphore(%arg25 : memref<!tpu.dma_semaphore, #tpu.memory_space<semaphore_mem>>) src(%dma_wait3A_462 : memref<80x64xf32, #tpu.memory_space<vmem>>) dst(%dma_wait3A_468 : memref<64x64xf32, #tpu.memory_space<vmem_shared>>)
        %dma_wait3A_469 = arith.constant 4 : i32
        %dma_wait3A_470 = arith.constant 320 : i32
        %dma_wait3A_471 = arith.constant 0 : i32
        %dma_wait3A_472 = tpu.memref_slice %arg9[%dma_wait3A_470, %dma_wait3A_471] : memref<400x64xf32, #tpu.memory_space<vmem>> -> memref<80x64xf32, #tpu.memory_space<vmem>>
        %dma_wait3A_473 = arith.constant 0 : i32
        %dma_wait3A_474 = tpu.memref_slice %arg5[%dma_wait3A_469, %dma_wait3A_473] : memref<5x80xi32, #tpu.memory_space<vmem>> -> memref<1x80xi32, #tpu.memory_space<vmem>>
        %dma_wait3A_475 = tpu.memref_squeeze %dma_wait3A_474 : memref<1x80xi32, #tpu.memory_space<vmem>> -> memref<80xi32, #tpu.memory_space<vmem>>
        %dma_wait3A_476 = arith.constant 0 : i32
        %dma_wait3A_477 = arith.constant 0 : i32
        %dma_wait3A_478 = tpu.memref_slice %arg19[%dma_wait3A_476, %dma_wait3A_477] : memref<64x64xf32, #tpu.memory_space<vmem_shared>> -> memref<64x64xf32, #tpu.memory_space<vmem_shared>>
        tpu.wait_indirect_dma semaphore(%arg25 : memref<!tpu.dma_semaphore, #tpu.memory_space<semaphore_mem>>) src(%dma_wait3A_472 : memref<80x64xf32, #tpu.memory_space<vmem>>) dst(%dma_wait3A_478 : memref<64x64xf32, #tpu.memory_space<vmem_shared>>)
      } else {
      }
      %add3A_350 = arith.constant 3 : i32
      %add3A_351 = arith.addi %add3A_328, %add3A_350 : i32
      %mul3A_352 = arith.constant 16 : i32
      %mul3A_353 = arith.muli %add3A_351, %mul3A_352 : i32
      %add3A_354 = arith.addi %mul3A_353, %arg1 : i32
      %lt3A_355 = arith.constant 250 : i32
      %lt3A_356 = arith.cmpi slt, %add3A_354, %lt3A_355 : i32
      %convert_element_type3A_357 = arith.extui %lt3A_356 : i1 to i32
      %cond3A_358 = arith.constant 0 : i32
      %cond3A_359 = arith.cmpi ne, %convert_element_type3A_357, %cond3A_358 : i32
      scf.if %cond3A_359 {
        %mul3A_430 = arith.constant 5 : i32
        %mul3A_431 = arith.muli %add3A_354, %mul3A_430 : i32
        %dma_start3A = arith.constant 0 : i32
        %dma_start3A_432 = tpu.memref_slice %arg3[%mul3A_431, %dma_start3A] : memref<1250x80xi32, #tpu.memory_space<hbm>> -> memref<5x80xi32, #tpu.memory_space<hbm>>
        %dma_start3A_433 = arith.constant 0 : i32
        %dma_start3A_434 = tpu.memref_slice %arg3[%mul3A_431, %dma_start3A_433] : memref<1250x80xi32, #tpu.memory_space<hbm>> -> memref<5x80xi32, #tpu.memory_space<hbm>>
        tpu.enqueue_dma source(%dma_start3A_434 : memref<5x80xi32, #tpu.memory_space<hbm>>) target(%arg5 : memref<5x80xi32, #tpu.memory_space<vmem>>) target_semaphore(%arg21 : memref<!tpu.dma_semaphore, #tpu.memory_space<semaphore_mem>>)
        %mul3A_435 = arith.constant 400 : i32
        %mul3A_436 = arith.muli %add3A_354, %mul3A_435 : i32
        %dma_start3A_437 = tpu.memref_slice %arg2[%mul3A_436, %mul3A_0] : memref<100000x128xf32, #tpu.memory_space<hbm>> -> memref<400x64xf32, #tpu.memory_space<hbm>>
        %dma_start3A_438 = tpu.memref_slice %arg2[%mul3A_436, %mul3A_0] : memref<100000x128xf32, #tpu.memory_space<hbm>> -> memref<400x64xf32, #tpu.memory_space<hbm>>
        tpu.enqueue_dma source(%dma_start3A_438 : memref<400x64xf32, #tpu.memory_space<hbm>>) target(%arg9 : memref<400x64xf32, #tpu.memory_space<vmem>>) target_semaphore(%arg21 : memref<!tpu.dma_semaphore, #tpu.memory_space<semaphore_mem>>)
      } else {
      }
      %mul3A_360 = arith.constant 4 : i32
      %mul3A_361 = arith.muli %scan3A_291, %mul3A_360 : i32
      %add3A_362 = arith.constant 2 : i32
      %add3A_363 = arith.addi %mul3A_361, %add3A_362 : i32
      %mul3A_364 = arith.constant 16 : i32
      %mul3A_365 = arith.muli %add3A_363, %mul3A_364 : i32
      %add3A_366 = arith.addi %mul3A_365, %arg1 : i32
      %lt3A_367 = arith.constant 250 : i32
      %lt3A_368 = arith.cmpi slt, %add3A_366, %lt3A_367 : i32
      %convert_element_type3A_369 = arith.extui %lt3A_368 : i1 to i32
      %cond3A_370 = arith.constant 0 : i32
      %cond3A_371 = arith.cmpi ne, %convert_element_type3A_369, %cond3A_370 : i32
      scf.if %cond3A_371 {
        %mul3A_430 = arith.constant 5 : i32
        %mul3A_431 = arith.muli %add3A_366, %mul3A_430 : i32
        %dma_wait3A = arith.constant 0 : i32
        %dma_wait3A_432 = tpu.memref_slice %arg3[%mul3A_431, %dma_wait3A] : memref<1250x80xi32, #tpu.memory_space<hbm>> -> memref<5x80xi32, #tpu.memory_space<hbm>>
        %dma_wait3A_433 = arith.constant 0 : i32
        %dma_wait3A_434 = tpu.memref_slice %arg3[%mul3A_431, %dma_wait3A_433] : memref<1250x80xi32, #tpu.memory_space<hbm>> -> memref<5x80xi32, #tpu.memory_space<hbm>>
        tpu.wait_dma2 semaphore(%arg23 : memref<!tpu.dma_semaphore, #tpu.memory_space<semaphore_mem>>) src(%dma_wait3A_434 : memref<5x80xi32, #tpu.memory_space<hbm>>) dst(%arg7 : memref<5x80xi32, #tpu.memory_space<vmem>>)
        %mul3A_435 = arith.constant 400 : i32
        %mul3A_436 = arith.muli %add3A_366, %mul3A_435 : i32
        %dma_wait3A_437 = tpu.memref_slice %arg2[%mul3A_436, %mul3A_0] : memref<100000x128xf32, #tpu.memory_space<hbm>> -> memref<400x64xf32, #tpu.memory_space<hbm>>
        %dma_wait3A_438 = tpu.memref_slice %arg2[%mul3A_436, %mul3A_0] : memref<100000x128xf32, #tpu.memory_space<hbm>> -> memref<400x64xf32, #tpu.memory_space<hbm>>
        tpu.wait_dma2 semaphore(%arg23 : memref<!tpu.dma_semaphore, #tpu.memory_space<semaphore_mem>>) src(%dma_wait3A_438 : memref<400x64xf32, #tpu.memory_space<hbm>>) dst(%arg11 : memref<400x64xf32, #tpu.memory_space<vmem>>)
        %dma_start3A = arith.constant 0 : i32
        %dma_start3A_439 = arith.constant 0 : i32
        %dma_start3A_440 = arith.constant 0 : i32
        %dma_start3A_441 = tpu.memref_slice %arg11[%dma_start3A_439, %dma_start3A_440] : memref<400x64xf32, #tpu.memory_space<vmem>> -> memref<80x64xf32, #tpu.memory_space<vmem>>
        %dma_start3A_442 = arith.constant 0 : i32
        %dma_start3A_443 = tpu.memref_slice %arg7[%dma_start3A, %dma_start3A_442] : memref<5x80xi32, #tpu.memory_space<vmem>> -> memref<1x80xi32, #tpu.memory_space<vmem>>
        %dma_start3A_444 = tpu.memref_squeeze %dma_start3A_443 : memref<1x80xi32, #tpu.memory_space<vmem>> -> memref<80xi32, #tpu.memory_space<vmem>>
        %dma_start3A_445 = arith.constant 0 : i32
        %dma_start3A_446 = arith.constant 0 : i32
        %dma_start3A_447 = tpu.memref_slice %arg19[%dma_start3A_445, %dma_start3A_446] : memref<64x64xf32, #tpu.memory_space<vmem_shared>> -> memref<64x64xf32, #tpu.memory_space<vmem_shared>>
        tpu.enqueue_indirect_dma source(%dma_start3A_441 : memref<80x64xf32, #tpu.memory_space<vmem>>) target(%dma_start3A_447 : memref<64x64xf32, #tpu.memory_space<vmem_shared>>) offsets(%dma_start3A_444 : memref<80xi32, #tpu.memory_space<vmem>>) semaphore(%arg27 : memref<!tpu.dma_semaphore, #tpu.memory_space<semaphore_mem>>) {add = true}
        %dma_start3A_448 = arith.constant 1 : i32
        %dma_start3A_449 = arith.constant 80 : i32
        %dma_start3A_450 = arith.constant 0 : i32
        %dma_start3A_451 = tpu.memref_slice %arg11[%dma_start3A_449, %dma_start3A_450] : memref<400x64xf32, #tpu.memory_space<vmem>> -> memref<80x64xf32, #tpu.memory_space<vmem>>
        %dma_start3A_452 = arith.constant 0 : i32
        %dma_start3A_453 = tpu.memref_slice %arg7[%dma_start3A_448, %dma_start3A_452] : memref<5x80xi32, #tpu.memory_space<vmem>> -> memref<1x80xi32, #tpu.memory_space<vmem>>
        %dma_start3A_454 = tpu.memref_squeeze %dma_start3A_453 : memref<1x80xi32, #tpu.memory_space<vmem>> -> memref<80xi32, #tpu.memory_space<vmem>>
        %dma_start3A_455 = arith.constant 0 : i32
        %dma_start3A_456 = arith.constant 0 : i32
        %dma_start3A_457 = tpu.memref_slice %arg19[%dma_start3A_455, %dma_start3A_456] : memref<64x64xf32, #tpu.memory_space<vmem_shared>> -> memref<64x64xf32, #tpu.memory_space<vmem_shared>>
        tpu.enqueue_indirect_dma source(%dma_start3A_451 : memref<80x64xf32, #tpu.memory_space<vmem>>) target(%dma_start3A_457 : memref<64x64xf32, #tpu.memory_space<vmem_shared>>) offsets(%dma_start3A_454 : memref<80xi32, #tpu.memory_space<vmem>>) semaphore(%arg27 : memref<!tpu.dma_semaphore, #tpu.memory_space<semaphore_mem>>) {add = true}
        %dma_start3A_458 = arith.constant 2 : i32
        %dma_start3A_459 = arith.constant 160 : i32
        %dma_start3A_460 = arith.constant 0 : i32
        %dma_start3A_461 = tpu.memref_slice %arg11[%dma_start3A_459, %dma_start3A_460] : memref<400x64xf32, #tpu.memory_space<vmem>> -> memref<80x64xf32, #tpu.memory_space<vmem>>
        %dma_start3A_462 = arith.constant 0 : i32
        %dma_start3A_463 = tpu.memref_slice %arg7[%dma_start3A_458, %dma_start3A_462] : memref<5x80xi32, #tpu.memory_space<vmem>> -> memref<1x80xi32, #tpu.memory_space<vmem>>
        %dma_start3A_464 = tpu.memref_squeeze %dma_start3A_463 : memref<1x80xi32, #tpu.memory_space<vmem>> -> memref<80xi32, #tpu.memory_space<vmem>>
        %dma_start3A_465 = arith.constant 0 : i32
        %dma_start3A_466 = arith.constant 0 : i32
        %dma_start3A_467 = tpu.memref_slice %arg19[%dma_start3A_465, %dma_start3A_466] : memref<64x64xf32, #tpu.memory_space<vmem_shared>> -> memref<64x64xf32, #tpu.memory_space<vmem_shared>>
        tpu.enqueue_indirect_dma source(%dma_start3A_461 : memref<80x64xf32, #tpu.memory_space<vmem>>) target(%dma_start3A_467 : memref<64x64xf32, #tpu.memory_space<vmem_shared>>) offsets(%dma_start3A_464 : memref<80xi32, #tpu.memory_space<vmem>>) semaphore(%arg27 : memref<!tpu.dma_semaphore, #tpu.memory_space<semaphore_mem>>) {add = true}
        %dma_start3A_468 = arith.constant 3 : i32
        %dma_start3A_469 = arith.constant 240 : i32
        %dma_start3A_470 = arith.constant 0 : i32
        %dma_start3A_471 = tpu.memref_slice %arg11[%dma_start3A_469, %dma_start3A_470] : memref<400x64xf32, #tpu.memory_space<vmem>> -> memref<80x64xf32, #tpu.memory_space<vmem>>
        %dma_start3A_472 = arith.constant 0 : i32
        %dma_start3A_473 = tpu.memref_slice %arg7[%dma_start3A_468, %dma_start3A_472] : memref<5x80xi32, #tpu.memory_space<vmem>> -> memref<1x80xi32, #tpu.memory_space<vmem>>
        %dma_start3A_474 = tpu.memref_squeeze %dma_start3A_473 : memref<1x80xi32, #tpu.memory_space<vmem>> -> memref<80xi32, #tpu.memory_space<vmem>>
        %dma_start3A_475 = arith.constant 0 : i32
        %dma_start3A_476 = arith.constant 0 : i32
        %dma_start3A_477 = tpu.memref_slice %arg19[%dma_start3A_475, %dma_start3A_476] : memref<64x64xf32, #tpu.memory_space<vmem_shared>> -> memref<64x64xf32, #tpu.memory_space<vmem_shared>>
        tpu.enqueue_indirect_dma source(%dma_start3A_471 : memref<80x64xf32, #tpu.memory_space<vmem>>) target(%dma_start3A_477 : memref<64x64xf32, #tpu.memory_space<vmem_shared>>) offsets(%dma_start3A_474 : memref<80xi32, #tpu.memory_space<vmem>>) semaphore(%arg27 : memref<!tpu.dma_semaphore, #tpu.memory_space<semaphore_mem>>) {add = true}
        %dma_start3A_478 = arith.constant 4 : i32
        %dma_start3A_479 = arith.constant 320 : i32
        %dma_start3A_480 = arith.constant 0 : i32
        %dma_start3A_481 = tpu.memref_slice %arg11[%dma_start3A_479, %dma_start3A_480] : memref<400x64xf32, #tpu.memory_space<vmem>> -> memref<80x64xf32, #tpu.memory_space<vmem>>
        %dma_start3A_482 = arith.constant 0 : i32
        %dma_start3A_483 = tpu.memref_slice %arg7[%dma_start3A_478, %dma_start3A_482] : memref<5x80xi32, #tpu.memory_space<vmem>> -> memref<1x80xi32, #tpu.memory_space<vmem>>
        %dma_start3A_484 = tpu.memref_squeeze %dma_start3A_483 : memref<1x80xi32, #tpu.memory_space<vmem>> -> memref<80xi32, #tpu.memory_space<vmem>>
        %dma_start3A_485 = arith.constant 0 : i32
        %dma_start3A_486 = arith.constant 0 : i32
        %dma_start3A_487 = tpu.memref_slice %arg19[%dma_start3A_485, %dma_start3A_486] : memref<64x64xf32, #tpu.memory_space<vmem_shared>> -> memref<64x64xf32, #tpu.memory_space<vmem_shared>>
        tpu.enqueue_indirect_dma source(%dma_start3A_481 : memref<80x64xf32, #tpu.memory_space<vmem>>) target(%dma_start3A_487 : memref<64x64xf32, #tpu.memory_space<vmem_shared>>) offsets(%dma_start3A_484 : memref<80xi32, #tpu.memory_space<vmem>>) semaphore(%arg27 : memref<!tpu.dma_semaphore, #tpu.memory_space<semaphore_mem>>) {add = true}
        %get3A_488 = arith.constant 0 : i32
        %get3A_489 = arith.index_cast %get3A_488 : i32 to index
        %get3A_490 = arith.constant 0 : index
        %get3A_491 = tpu.vector_load %arg7[%get3A_489, %get3A_490] {strides = array<i32>} : memref<5x80xi32, #tpu.memory_space<vmem>>, vector<16xi32>,
        tpu.vector_store_idx %arg13[%get3A_491], %broadcast_in_dim3A_5 {add = true} : memref<64xf32, #tpu.memory_space<vmem>>[vector<16xi32>], vector<16xf32>,
        %get3A_492 = arith.constant 0 : i32
        %get3A_493 = arith.index_cast %get3A_492 : i32 to index
        %get3A_494 = arith.constant 16 : index
        %get3A_495 = tpu.vector_load %arg7[%get3A_493, %get3A_494] {strides = array<i32>} : memref<5x80xi32, #tpu.memory_space<vmem>>, vector<16xi32>,
        tpu.vector_store_idx %arg13[%get3A_495], %broadcast_in_dim3A_5 {add = true} : memref<64xf32, #tpu.memory_space<vmem>>[vector<16xi32>], vector<16xf32>,
        %get3A_496 = arith.constant 0 : i32
        %get3A_497 = arith.index_cast %get3A_496 : i32 to index
        %get3A_498 = arith.constant 32 : index
        %get3A_499 = tpu.vector_load %arg7[%get3A_497, %get3A_498] {strides = array<i32>} : memref<5x80xi32, #tpu.memory_space<vmem>>, vector<16xi32>,
        tpu.vector_store_idx %arg13[%get3A_499], %broadcast_in_dim3A_5 {add = true} : memref<64xf32, #tpu.memory_space<vmem>>[vector<16xi32>], vector<16xf32>,
        %get3A_500 = arith.constant 0 : i32
        %get3A_501 = arith.index_cast %get3A_500 : i32 to index
        %get3A_502 = arith.constant 48 : index
        %get3A_503 = tpu.vector_load %arg7[%get3A_501, %get3A_502] {strides = array<i32>} : memref<5x80xi32, #tpu.memory_space<vmem>>, vector<16xi32>,
        tpu.vector_store_idx %arg13[%get3A_503], %broadcast_in_dim3A_5 {add = true} : memref<64xf32, #tpu.memory_space<vmem>>[vector<16xi32>], vector<16xf32>,
        %get3A_504 = arith.constant 0 : i32
        %get3A_505 = arith.index_cast %get3A_504 : i32 to index
        %get3A_506 = arith.constant 64 : index
        %get3A_507 = tpu.vector_load %arg7[%get3A_505, %get3A_506] {strides = array<i32>} : memref<5x80xi32, #tpu.memory_space<vmem>>, vector<16xi32>,
        tpu.vector_store_idx %arg13[%get3A_507], %broadcast_in_dim3A_5 {add = true} : memref<64xf32, #tpu.memory_space<vmem>>[vector<16xi32>], vector<16xf32>,
        %get3A_508 = arith.constant 1 : i32
        %get3A_509 = arith.index_cast %get3A_508 : i32 to index
        %get3A_510 = arith.constant 0 : index
        %get3A_511 = tpu.vector_load %arg7[%get3A_509, %get3A_510] {strides = array<i32>} : memref<5x80xi32, #tpu.memory_space<vmem>>, vector<16xi32>,
        tpu.vector_store_idx %arg13[%get3A_511], %broadcast_in_dim3A_5 {add = true} : memref<64xf32, #tpu.memory_space<vmem>>[vector<16xi32>], vector<16xf32>,
        %get3A_512 = arith.constant 1 : i32
        %get3A_513 = arith.index_cast %get3A_512 : i32 to index
        %get3A_514 = arith.constant 16 : index
        %get3A_515 = tpu.vector_load %arg7[%get3A_513, %get3A_514] {strides = array<i32>} : memref<5x80xi32, #tpu.memory_space<vmem>>, vector<16xi32>,
        tpu.vector_store_idx %arg13[%get3A_515], %broadcast_in_dim3A_5 {add = true} : memref<64xf32, #tpu.memory_space<vmem>>[vector<16xi32>], vector<16xf32>,
        %get3A_516 = arith.constant 1 : i32
        %get3A_517 = arith.index_cast %get3A_516 : i32 to index
        %get3A_518 = arith.constant 32 : index
        %get3A_519 = tpu.vector_load %arg7[%get3A_517, %get3A_518] {strides = array<i32>} : memref<5x80xi32, #tpu.memory_space<vmem>>, vector<16xi32>,
        tpu.vector_store_idx %arg13[%get3A_519], %broadcast_in_dim3A_5 {add = true} : memref<64xf32, #tpu.memory_space<vmem>>[vector<16xi32>], vector<16xf32>,
        %get3A_520 = arith.constant 1 : i32
        %get3A_521 = arith.index_cast %get3A_520 : i32 to index
        %get3A_522 = arith.constant 48 : index
        %get3A_523 = tpu.vector_load %arg7[%get3A_521, %get3A_522] {strides = array<i32>} : memref<5x80xi32, #tpu.memory_space<vmem>>, vector<16xi32>,
        tpu.vector_store_idx %arg13[%get3A_523], %broadcast_in_dim3A_5 {add = true} : memref<64xf32, #tpu.memory_space<vmem>>[vector<16xi32>], vector<16xf32>,
        %get3A_524 = arith.constant 1 : i32
        %get3A_525 = arith.index_cast %get3A_524 : i32 to index
        %get3A_526 = arith.constant 64 : index
        %get3A_527 = tpu.vector_load %arg7[%get3A_525, %get3A_526] {strides = array<i32>} : memref<5x80xi32, #tpu.memory_space<vmem>>, vector<16xi32>,
        tpu.vector_store_idx %arg13[%get3A_527], %broadcast_in_dim3A_5 {add = true} : memref<64xf32, #tpu.memory_space<vmem>>[vector<16xi32>], vector<16xf32>,
        %get3A_528 = arith.constant 2 : i32
        %get3A_529 = arith.index_cast %get3A_528 : i32 to index
        %get3A_530 = arith.constant 0 : index
        %get3A_531 = tpu.vector_load %arg7[%get3A_529, %get3A_530] {strides = array<i32>} : memref<5x80xi32, #tpu.memory_space<vmem>>, vector<16xi32>,
        tpu.vector_store_idx %arg13[%get3A_531], %broadcast_in_dim3A_5 {add = true} : memref<64xf32, #tpu.memory_space<vmem>>[vector<16xi32>], vector<16xf32>,
        %get3A_532 = arith.constant 2 : i32
        %get3A_533 = arith.index_cast %get3A_532 : i32 to index
        %get3A_534 = arith.constant 16 : index
        %get3A_535 = tpu.vector_load %arg7[%get3A_533, %get3A_534] {strides = array<i32>} : memref<5x80xi32, #tpu.memory_space<vmem>>, vector<16xi32>,
        tpu.vector_store_idx %arg13[%get3A_535], %broadcast_in_dim3A_5 {add = true} : memref<64xf32, #tpu.memory_space<vmem>>[vector<16xi32>], vector<16xf32>,
        %get3A_536 = arith.constant 2 : i32
        %get3A_537 = arith.index_cast %get3A_536 : i32 to index
        %get3A_538 = arith.constant 32 : index
        %get3A_539 = tpu.vector_load %arg7[%get3A_537, %get3A_538] {strides = array<i32>} : memref<5x80xi32, #tpu.memory_space<vmem>>, vector<16xi32>,
        tpu.vector_store_idx %arg13[%get3A_539], %broadcast_in_dim3A_5 {add = true} : memref<64xf32, #tpu.memory_space<vmem>>[vector<16xi32>], vector<16xf32>,
        %get3A_540 = arith.constant 2 : i32
        %get3A_541 = arith.index_cast %get3A_540 : i32 to index
        %get3A_542 = arith.constant 48 : index
        %get3A_543 = tpu.vector_load %arg7[%get3A_541, %get3A_542] {strides = array<i32>} : memref<5x80xi32, #tpu.memory_space<vmem>>, vector<16xi32>,
        tpu.vector_store_idx %arg13[%get3A_543], %broadcast_in_dim3A_5 {add = true} : memref<64xf32, #tpu.memory_space<vmem>>[vector<16xi32>], vector<16xf32>,
        %get3A_544 = arith.constant 2 : i32
        %get3A_545 = arith.index_cast %get3A_544 : i32 to index
        %get3A_546 = arith.constant 64 : index
        %get3A_547 = tpu.vector_load %arg7[%get3A_545, %get3A_546] {strides = array<i32>} : memref<5x80xi32, #tpu.memory_space<vmem>>, vector<16xi32>,
        tpu.vector_store_idx %arg13[%get3A_547], %broadcast_in_dim3A_5 {add = true} : memref<64xf32, #tpu.memory_space<vmem>>[vector<16xi32>], vector<16xf32>,
        %get3A_548 = arith.constant 3 : i32
        %get3A_549 = arith.index_cast %get3A_548 : i32 to index
        %get3A_550 = arith.constant 0 : index
        %get3A_551 = tpu.vector_load %arg7[%get3A_549, %get3A_550] {strides = array<i32>} : memref<5x80xi32, #tpu.memory_space<vmem>>, vector<16xi32>,
        tpu.vector_store_idx %arg13[%get3A_551], %broadcast_in_dim3A_5 {add = true} : memref<64xf32, #tpu.memory_space<vmem>>[vector<16xi32>], vector<16xf32>,
        %get3A_552 = arith.constant 3 : i32
        %get3A_553 = arith.index_cast %get3A_552 : i32 to index
        %get3A_554 = arith.constant 16 : index
        %get3A_555 = tpu.vector_load %arg7[%get3A_553, %get3A_554] {strides = array<i32>} : memref<5x80xi32, #tpu.memory_space<vmem>>, vector<16xi32>,
        tpu.vector_store_idx %arg13[%get3A_555], %broadcast_in_dim3A_5 {add = true} : memref<64xf32, #tpu.memory_space<vmem>>[vector<16xi32>], vector<16xf32>,
        %get3A_556 = arith.constant 3 : i32
        %get3A_557 = arith.index_cast %get3A_556 : i32 to index
        %get3A_558 = arith.constant 32 : index
        %get3A_559 = tpu.vector_load %arg7[%get3A_557, %get3A_558] {strides = array<i32>} : memref<5x80xi32, #tpu.memory_space<vmem>>, vector<16xi32>,
        tpu.vector_store_idx %arg13[%get3A_559], %broadcast_in_dim3A_5 {add = true} : memref<64xf32, #tpu.memory_space<vmem>>[vector<16xi32>], vector<16xf32>,
        %get3A_560 = arith.constant 3 : i32
        %get3A_561 = arith.index_cast %get3A_560 : i32 to index
        %get3A_562 = arith.constant 48 : index
        %get3A_563 = tpu.vector_load %arg7[%get3A_561, %get3A_562] {strides = array<i32>} : memref<5x80xi32, #tpu.memory_space<vmem>>, vector<16xi32>,
        tpu.vector_store_idx %arg13[%get3A_563], %broadcast_in_dim3A_5 {add = true} : memref<64xf32, #tpu.memory_space<vmem>>[vector<16xi32>], vector<16xf32>,
        %get3A_564 = arith.constant 3 : i32
        %get3A_565 = arith.index_cast %get3A_564 : i32 to index
        %get3A_566 = arith.constant 64 : index
        %get3A_567 = tpu.vector_load %arg7[%get3A_565, %get3A_566] {strides = array<i32>} : memref<5x80xi32, #tpu.memory_space<vmem>>, vector<16xi32>,
        tpu.vector_store_idx %arg13[%get3A_567], %broadcast_in_dim3A_5 {add = true} : memref<64xf32, #tpu.memory_space<vmem>>[vector<16xi32>], vector<16xf32>,
        %get3A_568 = arith.constant 4 : i32
        %get3A_569 = arith.index_cast %get3A_568 : i32 to index
        %get3A_570 = arith.constant 0 : index
        %get3A_571 = tpu.vector_load %arg7[%get3A_569, %get3A_570] {strides = array<i32>} : memref<5x80xi32, #tpu.memory_space<vmem>>, vector<16xi32>,
        tpu.vector_store_idx %arg13[%get3A_571], %broadcast_in_dim3A_5 {add = true} : memref<64xf32, #tpu.memory_space<vmem>>[vector<16xi32>], vector<16xf32>,
        %get3A_572 = arith.constant 4 : i32
        %get3A_573 = arith.index_cast %get3A_572 : i32 to index
        %get3A_574 = arith.constant 16 : index
        %get3A_575 = tpu.vector_load %arg7[%get3A_573, %get3A_574] {strides = array<i32>} : memref<5x80xi32, #tpu.memory_space<vmem>>, vector<16xi32>,
        tpu.vector_store_idx %arg13[%get3A_575], %broadcast_in_dim3A_5 {add = true} : memref<64xf32, #tpu.memory_space<vmem>>[vector<16xi32>], vector<16xf32>,
        %get3A_576 = arith.constant 4 : i32
        %get3A_577 = arith.index_cast %get3A_576 : i32 to index
        %get3A_578 = arith.constant 32 : index
        %get3A_579 = tpu.vector_load %arg7[%get3A_577, %get3A_578] {strides = array<i32>} : memref<5x80xi32, #tpu.memory_space<vmem>>, vector<16xi32>,
        tpu.vector_store_idx %arg13[%get3A_579], %broadcast_in_dim3A_5 {add = true} : memref<64xf32, #tpu.memory_space<vmem>>[vector<16xi32>], vector<16xf32>,
        %get3A_580 = arith.constant 4 : i32
        %get3A_581 = arith.index_cast %get3A_580 : i32 to index
        %get3A_582 = arith.constant 48 : index
        %get3A_583 = tpu.vector_load %arg7[%get3A_581, %get3A_582] {strides = array<i32>} : memref<5x80xi32, #tpu.memory_space<vmem>>, vector<16xi32>,
        tpu.vector_store_idx %arg13[%get3A_583], %broadcast_in_dim3A_5 {add = true} : memref<64xf32, #tpu.memory_space<vmem>>[vector<16xi32>], vector<16xf32>,
        %get3A_584 = arith.constant 4 : i32
        %get3A_585 = arith.index_cast %get3A_584 : i32 to index
        %get3A_586 = arith.constant 64 : index
        %get3A_587 = tpu.vector_load %arg7[%get3A_585, %get3A_586] {strides = array<i32>} : memref<5x80xi32, #tpu.memory_space<vmem>>, vector<16xi32>,
        tpu.vector_store_idx %arg13[%get3A_587], %broadcast_in_dim3A_5 {add = true} : memref<64xf32, #tpu.memory_space<vmem>>[vector<16xi32>], vector<16xf32>,
      } else {
      }
      %sub3A_372 = arith.constant 1 : i32
      %sub3A_373 = arith.subi %add3A_363, %sub3A_372 : i32
      %mul3A_374 = arith.constant 16 : i32
      %mul3A_375 = arith.muli %sub3A_373, %mul3A_374 : i32
      %add3A_376 = arith.addi %mul3A_375, %arg1 : i32
      %ge3A_377 = arith.constant 0 : i32
      %ge3A_378 = arith.cmpi sge, %sub3A_373, %ge3A_377 : i32
      %lt3A_379 = arith.constant 250 : i32
      %lt3A_380 = arith.cmpi slt, %add3A_376, %lt3A_379 : i32
      %and3A_381 = arith.andi %ge3A_378, %lt3A_380 : i1
      %convert_element_type3A_382 = arith.extui %and3A_381 : i1 to i32
      %cond3A_383 = arith.constant 0 : i32
      %cond3A_384 = arith.cmpi ne, %convert_element_type3A_382, %cond3A_383 : i32
      scf.if %cond3A_384 {
        %dma_wait3A = arith.constant 0 : i32
        %dma_wait3A_430 = arith.constant 0 : i32
        %dma_wait3A_431 = arith.constant 0 : i32
        %dma_wait3A_432 = tpu.memref_slice %arg10[%dma_wait3A_430, %dma_wait3A_431] : memref<400x64xf32, #tpu.memory_space<vmem>> -> memref<80x64xf32, #tpu.memory_space<vmem>>
        %dma_wait3A_433 = arith.constant 0 : i32
        %dma_wait3A_434 = tpu.memref_slice %arg6[%dma_wait3A, %dma_wait3A_433] : memref<5x80xi32, #tpu.memory_space<vmem>> -> memref<1x80xi32, #tpu.memory_space<vmem>>
        %dma_wait3A_435 = tpu.memref_squeeze %dma_wait3A_434 : memref<1x80xi32, #tpu.memory_space<vmem>> -> memref<80xi32, #tpu.memory_space<vmem>>
        %dma_wait3A_436 = arith.constant 0 : i32
        %dma_wait3A_437 = arith.constant 0 : i32
        %dma_wait3A_438 = tpu.memref_slice %arg19[%dma_wait3A_436, %dma_wait3A_437] : memref<64x64xf32, #tpu.memory_space<vmem_shared>> -> memref<64x64xf32, #tpu.memory_space<vmem_shared>>
        tpu.wait_indirect_dma semaphore(%arg26 : memref<!tpu.dma_semaphore, #tpu.memory_space<semaphore_mem>>) src(%dma_wait3A_432 : memref<80x64xf32, #tpu.memory_space<vmem>>) dst(%dma_wait3A_438 : memref<64x64xf32, #tpu.memory_space<vmem_shared>>)
        %dma_wait3A_439 = arith.constant 1 : i32
        %dma_wait3A_440 = arith.constant 80 : i32
        %dma_wait3A_441 = arith.constant 0 : i32
        %dma_wait3A_442 = tpu.memref_slice %arg10[%dma_wait3A_440, %dma_wait3A_441] : memref<400x64xf32, #tpu.memory_space<vmem>> -> memref<80x64xf32, #tpu.memory_space<vmem>>
        %dma_wait3A_443 = arith.constant 0 : i32
        %dma_wait3A_444 = tpu.memref_slice %arg6[%dma_wait3A_439, %dma_wait3A_443] : memref<5x80xi32, #tpu.memory_space<vmem>> -> memref<1x80xi32, #tpu.memory_space<vmem>>
        %dma_wait3A_445 = tpu.memref_squeeze %dma_wait3A_444 : memref<1x80xi32, #tpu.memory_space<vmem>> -> memref<80xi32, #tpu.memory_space<vmem>>
        %dma_wait3A_446 = arith.constant 0 : i32
        %dma_wait3A_447 = arith.constant 0 : i32
        %dma_wait3A_448 = tpu.memref_slice %arg19[%dma_wait3A_446, %dma_wait3A_447] : memref<64x64xf32, #tpu.memory_space<vmem_shared>> -> memref<64x64xf32, #tpu.memory_space<vmem_shared>>
        tpu.wait_indirect_dma semaphore(%arg26 : memref<!tpu.dma_semaphore, #tpu.memory_space<semaphore_mem>>) src(%dma_wait3A_442 : memref<80x64xf32, #tpu.memory_space<vmem>>) dst(%dma_wait3A_448 : memref<64x64xf32, #tpu.memory_space<vmem_shared>>)
        %dma_wait3A_449 = arith.constant 2 : i32
        %dma_wait3A_450 = arith.constant 160 : i32
        %dma_wait3A_451 = arith.constant 0 : i32
        %dma_wait3A_452 = tpu.memref_slice %arg10[%dma_wait3A_450, %dma_wait3A_451] : memref<400x64xf32, #tpu.memory_space<vmem>> -> memref<80x64xf32, #tpu.memory_space<vmem>>
        %dma_wait3A_453 = arith.constant 0 : i32
        %dma_wait3A_454 = tpu.memref_slice %arg6[%dma_wait3A_449, %dma_wait3A_453] : memref<5x80xi32, #tpu.memory_space<vmem>> -> memref<1x80xi32, #tpu.memory_space<vmem>>
        %dma_wait3A_455 = tpu.memref_squeeze %dma_wait3A_454 : memref<1x80xi32, #tpu.memory_space<vmem>> -> memref<80xi32, #tpu.memory_space<vmem>>
        %dma_wait3A_456 = arith.constant 0 : i32
        %dma_wait3A_457 = arith.constant 0 : i32
        %dma_wait3A_458 = tpu.memref_slice %arg19[%dma_wait3A_456, %dma_wait3A_457] : memref<64x64xf32, #tpu.memory_space<vmem_shared>> -> memref<64x64xf32, #tpu.memory_space<vmem_shared>>
        tpu.wait_indirect_dma semaphore(%arg26 : memref<!tpu.dma_semaphore, #tpu.memory_space<semaphore_mem>>) src(%dma_wait3A_452 : memref<80x64xf32, #tpu.memory_space<vmem>>) dst(%dma_wait3A_458 : memref<64x64xf32, #tpu.memory_space<vmem_shared>>)
        %dma_wait3A_459 = arith.constant 3 : i32
        %dma_wait3A_460 = arith.constant 240 : i32
        %dma_wait3A_461 = arith.constant 0 : i32
        %dma_wait3A_462 = tpu.memref_slice %arg10[%dma_wait3A_460, %dma_wait3A_461] : memref<400x64xf32, #tpu.memory_space<vmem>> -> memref<80x64xf32, #tpu.memory_space<vmem>>
        %dma_wait3A_463 = arith.constant 0 : i32
        %dma_wait3A_464 = tpu.memref_slice %arg6[%dma_wait3A_459, %dma_wait3A_463] : memref<5x80xi32, #tpu.memory_space<vmem>> -> memref<1x80xi32, #tpu.memory_space<vmem>>
        %dma_wait3A_465 = tpu.memref_squeeze %dma_wait3A_464 : memref<1x80xi32, #tpu.memory_space<vmem>> -> memref<80xi32, #tpu.memory_space<vmem>>
        %dma_wait3A_466 = arith.constant 0 : i32
        %dma_wait3A_467 = arith.constant 0 : i32
        %dma_wait3A_468 = tpu.memref_slice %arg19[%dma_wait3A_466, %dma_wait3A_467] : memref<64x64xf32, #tpu.memory_space<vmem_shared>> -> memref<64x64xf32, #tpu.memory_space<vmem_shared>>
        tpu.wait_indirect_dma semaphore(%arg26 : memref<!tpu.dma_semaphore, #tpu.memory_space<semaphore_mem>>) src(%dma_wait3A_462 : memref<80x64xf32, #tpu.memory_space<vmem>>) dst(%dma_wait3A_468 : memref<64x64xf32, #tpu.memory_space<vmem_shared>>)
        %dma_wait3A_469 = arith.constant 4 : i32
        %dma_wait3A_470 = arith.constant 320 : i32
        %dma_wait3A_471 = arith.constant 0 : i32
        %dma_wait3A_472 = tpu.memref_slice %arg10[%dma_wait3A_470, %dma_wait3A_471] : memref<400x64xf32, #tpu.memory_space<vmem>> -> memref<80x64xf32, #tpu.memory_space<vmem>>
        %dma_wait3A_473 = arith.constant 0 : i32
        %dma_wait3A_474 = tpu.memref_slice %arg6[%dma_wait3A_469, %dma_wait3A_473] : memref<5x80xi32, #tpu.memory_space<vmem>> -> memref<1x80xi32, #tpu.memory_space<vmem>>
        %dma_wait3A_475 = tpu.memref_squeeze %dma_wait3A_474 : memref<1x80xi32, #tpu.memory_space<vmem>> -> memref<80xi32, #tpu.memory_space<vmem>>
        %dma_wait3A_476 = arith.constant 0 : i32
        %dma_wait3A_477 = arith.constant 0 : i32
        %dma_wait3A_478 = tpu.memref_slice %arg19[%dma_wait3A_476, %dma_wait3A_477] : memref<64x64xf32, #tpu.memory_space<vmem_shared>> -> memref<64x64xf32, #tpu.memory_space<vmem_shared>>
        tpu.wait_indirect_dma semaphore(%arg26 : memref<!tpu.dma_semaphore, #tpu.memory_space<semaphore_mem>>) src(%dma_wait3A_472 : memref<80x64xf32, #tpu.memory_space<vmem>>) dst(%dma_wait3A_478 : memref<64x64xf32, #tpu.memory_space<vmem_shared>>)
      } else {
      }
      %add3A_385 = arith.constant 3 : i32
      %add3A_386 = arith.addi %add3A_363, %add3A_385 : i32
      %mul3A_387 = arith.constant 16 : i32
      %mul3A_388 = arith.muli %add3A_386, %mul3A_387 : i32
      %add3A_389 = arith.addi %mul3A_388, %arg1 : i32
      %lt3A_390 = arith.constant 250 : i32
      %lt3A_391 = arith.cmpi slt, %add3A_389, %lt3A_390 : i32
      %convert_element_type3A_392 = arith.extui %lt3A_391 : i1 to i32
      %cond3A_393 = arith.constant 0 : i32
      %cond3A_394 = arith.cmpi ne, %convert_element_type3A_392, %cond3A_393 : i32
      scf.if %cond3A_394 {
        %mul3A_430 = arith.constant 5 : i32
        %mul3A_431 = arith.muli %add3A_389, %mul3A_430 : i32
        %dma_start3A = arith.constant 0 : i32
        %dma_start3A_432 = tpu.memref_slice %arg3[%mul3A_431, %dma_start3A] : memref<1250x80xi32, #tpu.memory_space<hbm>> -> memref<5x80xi32, #tpu.memory_space<hbm>>
        %dma_start3A_433 = arith.constant 0 : i32
        %dma_start3A_434 = tpu.memref_slice %arg3[%mul3A_431, %dma_start3A_433] : memref<1250x80xi32, #tpu.memory_space<hbm>> -> memref<5x80xi32, #tpu.memory_space<hbm>>
        tpu.enqueue_dma source(%dma_start3A_434 : memref<5x80xi32, #tpu.memory_space<hbm>>) target(%arg6 : memref<5x80xi32, #tpu.memory_space<vmem>>) target_semaphore(%arg22 : memref<!tpu.dma_semaphore, #tpu.memory_space<semaphore_mem>>)
        %mul3A_435 = arith.constant 400 : i32
        %mul3A_436 = arith.muli %add3A_389, %mul3A_435 : i32
        %dma_start3A_437 = tpu.memref_slice %arg2[%mul3A_436, %mul3A_0] : memref<100000x128xf32, #tpu.memory_space<hbm>> -> memref<400x64xf32, #tpu.memory_space<hbm>>
        %dma_start3A_438 = tpu.memref_slice %arg2[%mul3A_436, %mul3A_0] : memref<100000x128xf32, #tpu.memory_space<hbm>> -> memref<400x64xf32, #tpu.memory_space<hbm>>
        tpu.enqueue_dma source(%dma_start3A_438 : memref<400x64xf32, #tpu.memory_space<hbm>>) target(%arg10 : memref<400x64xf32, #tpu.memory_space<vmem>>) target_semaphore(%arg22 : memref<!tpu.dma_semaphore, #tpu.memory_space<semaphore_mem>>)
      } else {
      }
      %mul3A_395 = arith.constant 4 : i32
      %mul3A_396 = arith.muli %scan3A_291, %mul3A_395 : i32
      %add3A_397 = arith.constant 3 : i32
      %add3A_398 = arith.addi %mul3A_396, %add3A_397 : i32
      %mul3A_399 = arith.constant 16 : i32
      %mul3A_400 = arith.muli %add3A_398, %mul3A_399 : i32
      %add3A_401 = arith.addi %mul3A_400, %arg1 : i32
      %lt3A_402 = arith.constant 250 : i32
      %lt3A_403 = arith.cmpi slt, %add3A_401, %lt3A_402 : i32
      %convert_element_type3A_404 = arith.extui %lt3A_403 : i1 to i32
      %cond3A_405 = arith.constant 0 : i32
      %cond3A_406 = arith.cmpi ne, %convert_element_type3A_404, %cond3A_405 : i32
      scf.if %cond3A_406 {
        %mul3A_430 = arith.constant 5 : i32
        %mul3A_431 = arith.muli %add3A_401, %mul3A_430 : i32
        %dma_wait3A = arith.constant 0 : i32
        %dma_wait3A_432 = tpu.memref_slice %arg3[%mul3A_431, %dma_wait3A] : memref<1250x80xi32, #tpu.memory_space<hbm>> -> memref<5x80xi32, #tpu.memory_space<hbm>>
        %dma_wait3A_433 = arith.constant 0 : i32
        %dma_wait3A_434 = tpu.memref_slice %arg3[%mul3A_431, %dma_wait3A_433] : memref<1250x80xi32, #tpu.memory_space<hbm>> -> memref<5x80xi32, #tpu.memory_space<hbm>>
        tpu.wait_dma2 semaphore(%arg24 : memref<!tpu.dma_semaphore, #tpu.memory_space<semaphore_mem>>) src(%dma_wait3A_434 : memref<5x80xi32, #tpu.memory_space<hbm>>) dst(%arg8 : memref<5x80xi32, #tpu.memory_space<vmem>>)
        %mul3A_435 = arith.constant 400 : i32
        %mul3A_436 = arith.muli %add3A_401, %mul3A_435 : i32
        %dma_wait3A_437 = tpu.memref_slice %arg2[%mul3A_436, %mul3A_0] : memref<100000x128xf32, #tpu.memory_space<hbm>> -> memref<400x64xf32, #tpu.memory_space<hbm>>
        %dma_wait3A_438 = tpu.memref_slice %arg2[%mul3A_436, %mul3A_0] : memref<100000x128xf32, #tpu.memory_space<hbm>> -> memref<400x64xf32, #tpu.memory_space<hbm>>
        tpu.wait_dma2 semaphore(%arg24 : memref<!tpu.dma_semaphore, #tpu.memory_space<semaphore_mem>>) src(%dma_wait3A_438 : memref<400x64xf32, #tpu.memory_space<hbm>>) dst(%arg12 : memref<400x64xf32, #tpu.memory_space<vmem>>)
        %dma_start3A = arith.constant 0 : i32
        %dma_start3A_439 = arith.constant 0 : i32
        %dma_start3A_440 = arith.constant 0 : i32
        %dma_start3A_441 = tpu.memref_slice %arg12[%dma_start3A_439, %dma_start3A_440] : memref<400x64xf32, #tpu.memory_space<vmem>> -> memref<80x64xf32, #tpu.memory_space<vmem>>
        %dma_start3A_442 = arith.constant 0 : i32
        %dma_start3A_443 = tpu.memref_slice %arg8[%dma_start3A, %dma_start3A_442] : memref<5x80xi32, #tpu.memory_space<vmem>> -> memref<1x80xi32, #tpu.memory_space<vmem>>
        %dma_start3A_444 = tpu.memref_squeeze %dma_start3A_443 : memref<1x80xi32, #tpu.memory_space<vmem>> -> memref<80xi32, #tpu.memory_space<vmem>>
        %dma_start3A_445 = arith.constant 0 : i32
        %dma_start3A_446 = arith.constant 0 : i32
        %dma_start3A_447 = tpu.memref_slice %arg19[%dma_start3A_445, %dma_start3A_446] : memref<64x64xf32, #tpu.memory_space<vmem_shared>> -> memref<64x64xf32, #tpu.memory_space<vmem_shared>>
        tpu.enqueue_indirect_dma source(%dma_start3A_441 : memref<80x64xf32, #tpu.memory_space<vmem>>) target(%dma_start3A_447 : memref<64x64xf32, #tpu.memory_space<vmem_shared>>) offsets(%dma_start3A_444 : memref<80xi32, #tpu.memory_space<vmem>>) semaphore(%arg28 : memref<!tpu.dma_semaphore, #tpu.memory_space<semaphore_mem>>) {add = true}
        %dma_start3A_448 = arith.constant 1 : i32
        %dma_start3A_449 = arith.constant 80 : i32
        %dma_start3A_450 = arith.constant 0 : i32
        %dma_start3A_451 = tpu.memref_slice %arg12[%dma_start3A_449, %dma_start3A_450] : memref<400x64xf32, #tpu.memory_space<vmem>> -> memref<80x64xf32, #tpu.memory_space<vmem>>
        %dma_start3A_452 = arith.constant 0 : i32
        %dma_start3A_453 = tpu.memref_slice %arg8[%dma_start3A_448, %dma_start3A_452] : memref<5x80xi32, #tpu.memory_space<vmem>> -> memref<1x80xi32, #tpu.memory_space<vmem>>
        %dma_start3A_454 = tpu.memref_squeeze %dma_start3A_453 : memref<1x80xi32, #tpu.memory_space<vmem>> -> memref<80xi32, #tpu.memory_space<vmem>>
        %dma_start3A_455 = arith.constant 0 : i32
        %dma_start3A_456 = arith.constant 0 : i32
        %dma_start3A_457 = tpu.memref_slice %arg19[%dma_start3A_455, %dma_start3A_456] : memref<64x64xf32, #tpu.memory_space<vmem_shared>> -> memref<64x64xf32, #tpu.memory_space<vmem_shared>>
        tpu.enqueue_indirect_dma source(%dma_start3A_451 : memref<80x64xf32, #tpu.memory_space<vmem>>) target(%dma_start3A_457 : memref<64x64xf32, #tpu.memory_space<vmem_shared>>) offsets(%dma_start3A_454 : memref<80xi32, #tpu.memory_space<vmem>>) semaphore(%arg28 : memref<!tpu.dma_semaphore, #tpu.memory_space<semaphore_mem>>) {add = true}
        %dma_start3A_458 = arith.constant 2 : i32
        %dma_start3A_459 = arith.constant 160 : i32
        %dma_start3A_460 = arith.constant 0 : i32
        %dma_start3A_461 = tpu.memref_slice %arg12[%dma_start3A_459, %dma_start3A_460] : memref<400x64xf32, #tpu.memory_space<vmem>> -> memref<80x64xf32, #tpu.memory_space<vmem>>
        %dma_start3A_462 = arith.constant 0 : i32
        %dma_start3A_463 = tpu.memref_slice %arg8[%dma_start3A_458, %dma_start3A_462] : memref<5x80xi32, #tpu.memory_space<vmem>> -> memref<1x80xi32, #tpu.memory_space<vmem>>
        %dma_start3A_464 = tpu.memref_squeeze %dma_start3A_463 : memref<1x80xi32, #tpu.memory_space<vmem>> -> memref<80xi32, #tpu.memory_space<vmem>>
        %dma_start3A_465 = arith.constant 0 : i32
        %dma_start3A_466 = arith.constant 0 : i32
        %dma_start3A_467 = tpu.memref_slice %arg19[%dma_start3A_465, %dma_start3A_466] : memref<64x64xf32, #tpu.memory_space<vmem_shared>> -> memref<64x64xf32, #tpu.memory_space<vmem_shared>>
        tpu.enqueue_indirect_dma source(%dma_start3A_461 : memref<80x64xf32, #tpu.memory_space<vmem>>) target(%dma_start3A_467 : memref<64x64xf32, #tpu.memory_space<vmem_shared>>) offsets(%dma_start3A_464 : memref<80xi32, #tpu.memory_space<vmem>>) semaphore(%arg28 : memref<!tpu.dma_semaphore, #tpu.memory_space<semaphore_mem>>) {add = true}
        %dma_start3A_468 = arith.constant 3 : i32
        %dma_start3A_469 = arith.constant 240 : i32
        %dma_start3A_470 = arith.constant 0 : i32
        %dma_start3A_471 = tpu.memref_slice %arg12[%dma_start3A_469, %dma_start3A_470] : memref<400x64xf32, #tpu.memory_space<vmem>> -> memref<80x64xf32, #tpu.memory_space<vmem>>
        %dma_start3A_472 = arith.constant 0 : i32
        %dma_start3A_473 = tpu.memref_slice %arg8[%dma_start3A_468, %dma_start3A_472] : memref<5x80xi32, #tpu.memory_space<vmem>> -> memref<1x80xi32, #tpu.memory_space<vmem>>
        %dma_start3A_474 = tpu.memref_squeeze %dma_start3A_473 : memref<1x80xi32, #tpu.memory_space<vmem>> -> memref<80xi32, #tpu.memory_space<vmem>>
        %dma_start3A_475 = arith.constant 0 : i32
        %dma_start3A_476 = arith.constant 0 : i32
        %dma_start3A_477 = tpu.memref_slice %arg19[%dma_start3A_475, %dma_start3A_476] : memref<64x64xf32, #tpu.memory_space<vmem_shared>> -> memref<64x64xf32, #tpu.memory_space<vmem_shared>>
        tpu.enqueue_indirect_dma source(%dma_start3A_471 : memref<80x64xf32, #tpu.memory_space<vmem>>) target(%dma_start3A_477 : memref<64x64xf32, #tpu.memory_space<vmem_shared>>) offsets(%dma_start3A_474 : memref<80xi32, #tpu.memory_space<vmem>>) semaphore(%arg28 : memref<!tpu.dma_semaphore, #tpu.memory_space<semaphore_mem>>) {add = true}
        %dma_start3A_478 = arith.constant 4 : i32
        %dma_start3A_479 = arith.constant 320 : i32
        %dma_start3A_480 = arith.constant 0 : i32
        %dma_start3A_481 = tpu.memref_slice %arg12[%dma_start3A_479, %dma_start3A_480] : memref<400x64xf32, #tpu.memory_space<vmem>> -> memref<80x64xf32, #tpu.memory_space<vmem>>
        %dma_start3A_482 = arith.constant 0 : i32
        %dma_start3A_483 = tpu.memref_slice %arg8[%dma_start3A_478, %dma_start3A_482] : memref<5x80xi32, #tpu.memory_space<vmem>> -> memref<1x80xi32, #tpu.memory_space<vmem>>
        %dma_start3A_484 = tpu.memref_squeeze %dma_start3A_483 : memref<1x80xi32, #tpu.memory_space<vmem>> -> memref<80xi32, #tpu.memory_space<vmem>>
        %dma_start3A_485 = arith.constant 0 : i32
        %dma_start3A_486 = arith.constant 0 : i32
        %dma_start3A_487 = tpu.memref_slice %arg19[%dma_start3A_485, %dma_start3A_486] : memref<64x64xf32, #tpu.memory_space<vmem_shared>> -> memref<64x64xf32, #tpu.memory_space<vmem_shared>>
        tpu.enqueue_indirect_dma source(%dma_start3A_481 : memref<80x64xf32, #tpu.memory_space<vmem>>) target(%dma_start3A_487 : memref<64x64xf32, #tpu.memory_space<vmem_shared>>) offsets(%dma_start3A_484 : memref<80xi32, #tpu.memory_space<vmem>>) semaphore(%arg28 : memref<!tpu.dma_semaphore, #tpu.memory_space<semaphore_mem>>) {add = true}
        %get3A_488 = arith.constant 0 : i32
        %get3A_489 = arith.index_cast %get3A_488 : i32 to index
        %get3A_490 = arith.constant 0 : index
        %get3A_491 = tpu.vector_load %arg8[%get3A_489, %get3A_490] {strides = array<i32>} : memref<5x80xi32, #tpu.memory_space<vmem>>, vector<16xi32>,
        tpu.vector_store_idx %arg13[%get3A_491], %broadcast_in_dim3A_5 {add = true} : memref<64xf32, #tpu.memory_space<vmem>>[vector<16xi32>], vector<16xf32>,
        %get3A_492 = arith.constant 0 : i32
        %get3A_493 = arith.index_cast %get3A_492 : i32 to index
        %get3A_494 = arith.constant 16 : index
        %get3A_495 = tpu.vector_load %arg8[%get3A_493, %get3A_494] {strides = array<i32>} : memref<5x80xi32, #tpu.memory_space<vmem>>, vector<16xi32>,
        tpu.vector_store_idx %arg13[%get3A_495], %broadcast_in_dim3A_5 {add = true} : memref<64xf32, #tpu.memory_space<vmem>>[vector<16xi32>], vector<16xf32>,
        %get3A_496 = arith.constant 0 : i32
        %get3A_497 = arith.index_cast %get3A_496 : i32 to index
        %get3A_498 = arith.constant 32 : index
        %get3A_499 = tpu.vector_load %arg8[%get3A_497, %get3A_498] {strides = array<i32>} : memref<5x80xi32, #tpu.memory_space<vmem>>, vector<16xi32>,
        tpu.vector_store_idx %arg13[%get3A_499], %broadcast_in_dim3A_5 {add = true} : memref<64xf32, #tpu.memory_space<vmem>>[vector<16xi32>], vector<16xf32>,
        %get3A_500 = arith.constant 0 : i32
        %get3A_501 = arith.index_cast %get3A_500 : i32 to index
        %get3A_502 = arith.constant 48 : index
        %get3A_503 = tpu.vector_load %arg8[%get3A_501, %get3A_502] {strides = array<i32>} : memref<5x80xi32, #tpu.memory_space<vmem>>, vector<16xi32>,
        tpu.vector_store_idx %arg13[%get3A_503], %broadcast_in_dim3A_5 {add = true} : memref<64xf32, #tpu.memory_space<vmem>>[vector<16xi32>], vector<16xf32>,
        %get3A_504 = arith.constant 0 : i32
        %get3A_505 = arith.index_cast %get3A_504 : i32 to index
        %get3A_506 = arith.constant 64 : index
        %get3A_507 = tpu.vector_load %arg8[%get3A_505, %get3A_506] {strides = array<i32>} : memref<5x80xi32, #tpu.memory_space<vmem>>, vector<16xi32>,
        tpu.vector_store_idx %arg13[%get3A_507], %broadcast_in_dim3A_5 {add = true} : memref<64xf32, #tpu.memory_space<vmem>>[vector<16xi32>], vector<16xf32>,
        %get3A_508 = arith.constant 1 : i32
        %get3A_509 = arith.index_cast %get3A_508 : i32 to index
        %get3A_510 = arith.constant 0 : index
        %get3A_511 = tpu.vector_load %arg8[%get3A_509, %get3A_510] {strides = array<i32>} : memref<5x80xi32, #tpu.memory_space<vmem>>, vector<16xi32>,
        tpu.vector_store_idx %arg13[%get3A_511], %broadcast_in_dim3A_5 {add = true} : memref<64xf32, #tpu.memory_space<vmem>>[vector<16xi32>], vector<16xf32>,
        %get3A_512 = arith.constant 1 : i32
        %get3A_513 = arith.index_cast %get3A_512 : i32 to index
        %get3A_514 = arith.constant 16 : index
        %get3A_515 = tpu.vector_load %arg8[%get3A_513, %get3A_514] {strides = array<i32>} : memref<5x80xi32, #tpu.memory_space<vmem>>, vector<16xi32>,
        tpu.vector_store_idx %arg13[%get3A_515], %broadcast_in_dim3A_5 {add = true} : memref<64xf32, #tpu.memory_space<vmem>>[vector<16xi32>], vector<16xf32>,
        %get3A_516 = arith.constant 1 : i32
        %get3A_517 = arith.index_cast %get3A_516 : i32 to index
        %get3A_518 = arith.constant 32 : index
        %get3A_519 = tpu.vector_load %arg8[%get3A_517, %get3A_518] {strides = array<i32>} : memref<5x80xi32, #tpu.memory_space<vmem>>, vector<16xi32>,
        tpu.vector_store_idx %arg13[%get3A_519], %broadcast_in_dim3A_5 {add = true} : memref<64xf32, #tpu.memory_space<vmem>>[vector<16xi32>], vector<16xf32>,
        %get3A_520 = arith.constant 1 : i32
        %get3A_521 = arith.index_cast %get3A_520 : i32 to index
        %get3A_522 = arith.constant 48 : index
        %get3A_523 = tpu.vector_load %arg8[%get3A_521, %get3A_522] {strides = array<i32>} : memref<5x80xi32, #tpu.memory_space<vmem>>, vector<16xi32>,
        tpu.vector_store_idx %arg13[%get3A_523], %broadcast_in_dim3A_5 {add = true} : memref<64xf32, #tpu.memory_space<vmem>>[vector<16xi32>], vector<16xf32>,
        %get3A_524 = arith.constant 1 : i32
        %get3A_525 = arith.index_cast %get3A_524 : i32 to index
        %get3A_526 = arith.constant 64 : index
        %get3A_527 = tpu.vector_load %arg8[%get3A_525, %get3A_526] {strides = array<i32>} : memref<5x80xi32, #tpu.memory_space<vmem>>, vector<16xi32>,
        tpu.vector_store_idx %arg13[%get3A_527], %broadcast_in_dim3A_5 {add = true} : memref<64xf32, #tpu.memory_space<vmem>>[vector<16xi32>], vector<16xf32>,
        %get3A_528 = arith.constant 2 : i32
        %get3A_529 = arith.index_cast %get3A_528 : i32 to index
        %get3A_530 = arith.constant 0 : index
        %get3A_531 = tpu.vector_load %arg8[%get3A_529, %get3A_530] {strides = array<i32>} : memref<5x80xi32, #tpu.memory_space<vmem>>, vector<16xi32>,
        tpu.vector_store_idx %arg13[%get3A_531], %broadcast_in_dim3A_5 {add = true} : memref<64xf32, #tpu.memory_space<vmem>>[vector<16xi32>], vector<16xf32>,
        %get3A_532 = arith.constant 2 : i32
        %get3A_533 = arith.index_cast %get3A_532 : i32 to index
        %get3A_534 = arith.constant 16 : index
        %get3A_535 = tpu.vector_load %arg8[%get3A_533, %get3A_534] {strides = array<i32>} : memref<5x80xi32, #tpu.memory_space<vmem>>, vector<16xi32>,
        tpu.vector_store_idx %arg13[%get3A_535], %broadcast_in_dim3A_5 {add = true} : memref<64xf32, #tpu.memory_space<vmem>>[vector<16xi32>], vector<16xf32>,
        %get3A_536 = arith.constant 2 : i32
        %get3A_537 = arith.index_cast %get3A_536 : i32 to index
        %get3A_538 = arith.constant 32 : index
        %get3A_539 = tpu.vector_load %arg8[%get3A_537, %get3A_538] {strides = array<i32>} : memref<5x80xi32, #tpu.memory_space<vmem>>, vector<16xi32>,
        tpu.vector_store_idx %arg13[%get3A_539], %broadcast_in_dim3A_5 {add = true} : memref<64xf32, #tpu.memory_space<vmem>>[vector<16xi32>], vector<16xf32>,
        %get3A_540 = arith.constant 2 : i32
        %get3A_541 = arith.index_cast %get3A_540 : i32 to index
        %get3A_542 = arith.constant 48 : index
        %get3A_543 = tpu.vector_load %arg8[%get3A_541, %get3A_542] {strides = array<i32>} : memref<5x80xi32, #tpu.memory_space<vmem>>, vector<16xi32>,
        tpu.vector_store_idx %arg13[%get3A_543], %broadcast_in_dim3A_5 {add = true} : memref<64xf32, #tpu.memory_space<vmem>>[vector<16xi32>], vector<16xf32>,
        %get3A_544 = arith.constant 2 : i32
        %get3A_545 = arith.index_cast %get3A_544 : i32 to index
        %get3A_546 = arith.constant 64 : index
        %get3A_547 = tpu.vector_load %arg8[%get3A_545, %get3A_546] {strides = array<i32>} : memref<5x80xi32, #tpu.memory_space<vmem>>, vector<16xi32>,
        tpu.vector_store_idx %arg13[%get3A_547], %broadcast_in_dim3A_5 {add = true} : memref<64xf32, #tpu.memory_space<vmem>>[vector<16xi32>], vector<16xf32>,
        %get3A_548 = arith.constant 3 : i32
        %get3A_549 = arith.index_cast %get3A_548 : i32 to index
        %get3A_550 = arith.constant 0 : index
        %get3A_551 = tpu.vector_load %arg8[%get3A_549, %get3A_550] {strides = array<i32>} : memref<5x80xi32, #tpu.memory_space<vmem>>, vector<16xi32>,
        tpu.vector_store_idx %arg13[%get3A_551], %broadcast_in_dim3A_5 {add = true} : memref<64xf32, #tpu.memory_space<vmem>>[vector<16xi32>], vector<16xf32>,
        %get3A_552 = arith.constant 3 : i32
        %get3A_553 = arith.index_cast %get3A_552 : i32 to index
        %get3A_554 = arith.constant 16 : index
        %get3A_555 = tpu.vector_load %arg8[%get3A_553, %get3A_554] {strides = array<i32>} : memref<5x80xi32, #tpu.memory_space<vmem>>, vector<16xi32>,
        tpu.vector_store_idx %arg13[%get3A_555], %broadcast_in_dim3A_5 {add = true} : memref<64xf32, #tpu.memory_space<vmem>>[vector<16xi32>], vector<16xf32>,
        %get3A_556 = arith.constant 3 : i32
        %get3A_557 = arith.index_cast %get3A_556 : i32 to index
        %get3A_558 = arith.constant 32 : index
        %get3A_559 = tpu.vector_load %arg8[%get3A_557, %get3A_558] {strides = array<i32>} : memref<5x80xi32, #tpu.memory_space<vmem>>, vector<16xi32>,
        tpu.vector_store_idx %arg13[%get3A_559], %broadcast_in_dim3A_5 {add = true} : memref<64xf32, #tpu.memory_space<vmem>>[vector<16xi32>], vector<16xf32>,
        %get3A_560 = arith.constant 3 : i32
        %get3A_561 = arith.index_cast %get3A_560 : i32 to index
        %get3A_562 = arith.constant 48 : index
        %get3A_563 = tpu.vector_load %arg8[%get3A_561, %get3A_562] {strides = array<i32>} : memref<5x80xi32, #tpu.memory_space<vmem>>, vector<16xi32>,
        tpu.vector_store_idx %arg13[%get3A_563], %broadcast_in_dim3A_5 {add = true} : memref<64xf32, #tpu.memory_space<vmem>>[vector<16xi32>], vector<16xf32>,
        %get3A_564 = arith.constant 3 : i32
        %get3A_565 = arith.index_cast %get3A_564 : i32 to index
        %get3A_566 = arith.constant 64 : index
        %get3A_567 = tpu.vector_load %arg8[%get3A_565, %get3A_566] {strides = array<i32>} : memref<5x80xi32, #tpu.memory_space<vmem>>, vector<16xi32>,
        tpu.vector_store_idx %arg13[%get3A_567], %broadcast_in_dim3A_5 {add = true} : memref<64xf32, #tpu.memory_space<vmem>>[vector<16xi32>], vector<16xf32>,
        %get3A_568 = arith.constant 4 : i32
        %get3A_569 = arith.index_cast %get3A_568 : i32 to index
        %get3A_570 = arith.constant 0 : index
        %get3A_571 = tpu.vector_load %arg8[%get3A_569, %get3A_570] {strides = array<i32>} : memref<5x80xi32, #tpu.memory_space<vmem>>, vector<16xi32>,
        tpu.vector_store_idx %arg13[%get3A_571], %broadcast_in_dim3A_5 {add = true} : memref<64xf32, #tpu.memory_space<vmem>>[vector<16xi32>], vector<16xf32>,
        %get3A_572 = arith.constant 4 : i32
        %get3A_573 = arith.index_cast %get3A_572 : i32 to index
        %get3A_574 = arith.constant 16 : index
        %get3A_575 = tpu.vector_load %arg8[%get3A_573, %get3A_574] {strides = array<i32>} : memref<5x80xi32, #tpu.memory_space<vmem>>, vector<16xi32>,
        tpu.vector_store_idx %arg13[%get3A_575], %broadcast_in_dim3A_5 {add = true} : memref<64xf32, #tpu.memory_space<vmem>>[vector<16xi32>], vector<16xf32>,
        %get3A_576 = arith.constant 4 : i32
        %get3A_577 = arith.index_cast %get3A_576 : i32 to index
        %get3A_578 = arith.constant 32 : index
        %get3A_579 = tpu.vector_load %arg8[%get3A_577, %get3A_578] {strides = array<i32>} : memref<5x80xi32, #tpu.memory_space<vmem>>, vector<16xi32>,
        tpu.vector_store_idx %arg13[%get3A_579], %broadcast_in_dim3A_5 {add = true} : memref<64xf32, #tpu.memory_space<vmem>>[vector<16xi32>], vector<16xf32>,
        %get3A_580 = arith.constant 4 : i32
        %get3A_581 = arith.index_cast %get3A_580 : i32 to index
        %get3A_582 = arith.constant 48 : index
        %get3A_583 = tpu.vector_load %arg8[%get3A_581, %get3A_582] {strides = array<i32>} : memref<5x80xi32, #tpu.memory_space<vmem>>, vector<16xi32>,
        tpu.vector_store_idx %arg13[%get3A_583], %broadcast_in_dim3A_5 {add = true} : memref<64xf32, #tpu.memory_space<vmem>>[vector<16xi32>], vector<16xf32>,
        %get3A_584 = arith.constant 4 : i32
        %get3A_585 = arith.index_cast %get3A_584 : i32 to index
        %get3A_586 = arith.constant 64 : index
        %get3A_587 = tpu.vector_load %arg8[%get3A_585, %get3A_586] {strides = array<i32>} : memref<5x80xi32, #tpu.memory_space<vmem>>, vector<16xi32>,
        tpu.vector_store_idx %arg13[%get3A_587], %broadcast_in_dim3A_5 {add = true} : memref<64xf32, #tpu.memory_space<vmem>>[vector<16xi32>], vector<16xf32>,
      } else {
      }
      %sub3A_407 = arith.constant 1 : i32
      %sub3A_408 = arith.subi %add3A_398, %sub3A_407 : i32
      %mul3A_409 = arith.constant 16 : i32
      %mul3A_410 = arith.muli %sub3A_408, %mul3A_409 : i32
      %add3A_411 = arith.addi %mul3A_410, %arg1 : i32
      %ge3A_412 = arith.constant 0 : i32
      %ge3A_413 = arith.cmpi sge, %sub3A_408, %ge3A_412 : i32
      %lt3A_414 = arith.constant 250 : i32
      %lt3A_415 = arith.cmpi slt, %add3A_411, %lt3A_414 : i32
      %and3A_416 = arith.andi %ge3A_413, %lt3A_415 : i1
      %convert_element_type3A_417 = arith.extui %and3A_416 : i1 to i32
      %cond3A_418 = arith.constant 0 : i32
      %cond3A_419 = arith.cmpi ne, %convert_element_type3A_417, %cond3A_418 : i32
      scf.if %cond3A_419 {
        %dma_wait3A = arith.constant 0 : i32
        %dma_wait3A_430 = arith.constant 0 : i32
        %dma_wait3A_431 = arith.constant 0 : i32
        %dma_wait3A_432 = tpu.memref_slice %arg11[%dma_wait3A_430, %dma_wait3A_431] : memref<400x64xf32, #tpu.memory_space<vmem>> -> memref<80x64xf32, #tpu.memory_space<vmem>>
        %dma_wait3A_433 = arith.constant 0 : i32
        %dma_wait3A_434 = tpu.memref_slice %arg7[%dma_wait3A, %dma_wait3A_433] : memref<5x80xi32, #tpu.memory_space<vmem>> -> memref<1x80xi32, #tpu.memory_space<vmem>>
        %dma_wait3A_435 = tpu.memref_squeeze %dma_wait3A_434 : memref<1x80xi32, #tpu.memory_space<vmem>> -> memref<80xi32, #tpu.memory_space<vmem>>
        %dma_wait3A_436 = arith.constant 0 : i32
        %dma_wait3A_437 = arith.constant 0 : i32
        %dma_wait3A_438 = tpu.memref_slice %arg19[%dma_wait3A_436, %dma_wait3A_437] : memref<64x64xf32, #tpu.memory_space<vmem_shared>> -> memref<64x64xf32, #tpu.memory_space<vmem_shared>>
        tpu.wait_indirect_dma semaphore(%arg27 : memref<!tpu.dma_semaphore, #tpu.memory_space<semaphore_mem>>) src(%dma_wait3A_432 : memref<80x64xf32, #tpu.memory_space<vmem>>) dst(%dma_wait3A_438 : memref<64x64xf32, #tpu.memory_space<vmem_shared>>)
        %dma_wait3A_439 = arith.constant 1 : i32
        %dma_wait3A_440 = arith.constant 80 : i32
        %dma_wait3A_441 = arith.constant 0 : i32
        %dma_wait3A_442 = tpu.memref_slice %arg11[%dma_wait3A_440, %dma_wait3A_441] : memref<400x64xf32, #tpu.memory_space<vmem>> -> memref<80x64xf32, #tpu.memory_space<vmem>>
        %dma_wait3A_443 = arith.constant 0 : i32
        %dma_wait3A_444 = tpu.memref_slice %arg7[%dma_wait3A_439, %dma_wait3A_443] : memref<5x80xi32, #tpu.memory_space<vmem>> -> memref<1x80xi32, #tpu.memory_space<vmem>>
        %dma_wait3A_445 = tpu.memref_squeeze %dma_wait3A_444 : memref<1x80xi32, #tpu.memory_space<vmem>> -> memref<80xi32, #tpu.memory_space<vmem>>
        %dma_wait3A_446 = arith.constant 0 : i32
        %dma_wait3A_447 = arith.constant 0 : i32
        %dma_wait3A_448 = tpu.memref_slice %arg19[%dma_wait3A_446, %dma_wait3A_447] : memref<64x64xf32, #tpu.memory_space<vmem_shared>> -> memref<64x64xf32, #tpu.memory_space<vmem_shared>>
        tpu.wait_indirect_dma semaphore(%arg27 : memref<!tpu.dma_semaphore, #tpu.memory_space<semaphore_mem>>) src(%dma_wait3A_442 : memref<80x64xf32, #tpu.memory_space<vmem>>) dst(%dma_wait3A_448 : memref<64x64xf32, #tpu.memory_space<vmem_shared>>)
        %dma_wait3A_449 = arith.constant 2 : i32
        %dma_wait3A_450 = arith.constant 160 : i32
        %dma_wait3A_451 = arith.constant 0 : i32
        %dma_wait3A_452 = tpu.memref_slice %arg11[%dma_wait3A_450, %dma_wait3A_451] : memref<400x64xf32, #tpu.memory_space<vmem>> -> memref<80x64xf32, #tpu.memory_space<vmem>>
        %dma_wait3A_453 = arith.constant 0 : i32
        %dma_wait3A_454 = tpu.memref_slice %arg7[%dma_wait3A_449, %dma_wait3A_453] : memref<5x80xi32, #tpu.memory_space<vmem>> -> memref<1x80xi32, #tpu.memory_space<vmem>>
        %dma_wait3A_455 = tpu.memref_squeeze %dma_wait3A_454 : memref<1x80xi32, #tpu.memory_space<vmem>> -> memref<80xi32, #tpu.memory_space<vmem>>
        %dma_wait3A_456 = arith.constant 0 : i32
        %dma_wait3A_457 = arith.constant 0 : i32
        %dma_wait3A_458 = tpu.memref_slice %arg19[%dma_wait3A_456, %dma_wait3A_457] : memref<64x64xf32, #tpu.memory_space<vmem_shared>> -> memref<64x64xf32, #tpu.memory_space<vmem_shared>>
        tpu.wait_indirect_dma semaphore(%arg27 : memref<!tpu.dma_semaphore, #tpu.memory_space<semaphore_mem>>) src(%dma_wait3A_452 : memref<80x64xf32, #tpu.memory_space<vmem>>) dst(%dma_wait3A_458 : memref<64x64xf32, #tpu.memory_space<vmem_shared>>)
        %dma_wait3A_459 = arith.constant 3 : i32
        %dma_wait3A_460 = arith.constant 240 : i32
        %dma_wait3A_461 = arith.constant 0 : i32
        %dma_wait3A_462 = tpu.memref_slice %arg11[%dma_wait3A_460, %dma_wait3A_461] : memref<400x64xf32, #tpu.memory_space<vmem>> -> memref<80x64xf32, #tpu.memory_space<vmem>>
        %dma_wait3A_463 = arith.constant 0 : i32
        %dma_wait3A_464 = tpu.memref_slice %arg7[%dma_wait3A_459, %dma_wait3A_463] : memref<5x80xi32, #tpu.memory_space<vmem>> -> memref<1x80xi32, #tpu.memory_space<vmem>>
        %dma_wait3A_465 = tpu.memref_squeeze %dma_wait3A_464 : memref<1x80xi32, #tpu.memory_space<vmem>> -> memref<80xi32, #tpu.memory_space<vmem>>
        %dma_wait3A_466 = arith.constant 0 : i32
        %dma_wait3A_467 = arith.constant 0 : i32
        %dma_wait3A_468 = tpu.memref_slice %arg19[%dma_wait3A_466, %dma_wait3A_467] : memref<64x64xf32, #tpu.memory_space<vmem_shared>> -> memref<64x64xf32, #tpu.memory_space<vmem_shared>>
        tpu.wait_indirect_dma semaphore(%arg27 : memref<!tpu.dma_semaphore, #tpu.memory_space<semaphore_mem>>) src(%dma_wait3A_462 : memref<80x64xf32, #tpu.memory_space<vmem>>) dst(%dma_wait3A_468 : memref<64x64xf32, #tpu.memory_space<vmem_shared>>)
        %dma_wait3A_469 = arith.constant 4 : i32
        %dma_wait3A_470 = arith.constant 320 : i32
        %dma_wait3A_471 = arith.constant 0 : i32
        %dma_wait3A_472 = tpu.memref_slice %arg11[%dma_wait3A_470, %dma_wait3A_471] : memref<400x64xf32, #tpu.memory_space<vmem>> -> memref<80x64xf32, #tpu.memory_space<vmem>>
        %dma_wait3A_473 = arith.constant 0 : i32
        %dma_wait3A_474 = tpu.memref_slice %arg7[%dma_wait3A_469, %dma_wait3A_473] : memref<5x80xi32, #tpu.memory_space<vmem>> -> memref<1x80xi32, #tpu.memory_space<vmem>>
        %dma_wait3A_475 = tpu.memref_squeeze %dma_wait3A_474 : memref<1x80xi32, #tpu.memory_space<vmem>> -> memref<80xi32, #tpu.memory_space<vmem>>
        %dma_wait3A_476 = arith.constant 0 : i32
        %dma_wait3A_477 = arith.constant 0 : i32
        %dma_wait3A_478 = tpu.memref_slice %arg19[%dma_wait3A_476, %dma_wait3A_477] : memref<64x64xf32, #tpu.memory_space<vmem_shared>> -> memref<64x64xf32, #tpu.memory_space<vmem_shared>>
        tpu.wait_indirect_dma semaphore(%arg27 : memref<!tpu.dma_semaphore, #tpu.memory_space<semaphore_mem>>) src(%dma_wait3A_472 : memref<80x64xf32, #tpu.memory_space<vmem>>) dst(%dma_wait3A_478 : memref<64x64xf32, #tpu.memory_space<vmem_shared>>)
      } else {
      }
      %add3A_420 = arith.constant 3 : i32
      %add3A_421 = arith.addi %add3A_398, %add3A_420 : i32
      %mul3A_422 = arith.constant 16 : i32
      %mul3A_423 = arith.muli %add3A_421, %mul3A_422 : i32
      %add3A_424 = arith.addi %mul3A_423, %arg1 : i32
      %lt3A_425 = arith.constant 250 : i32
      %lt3A_426 = arith.cmpi slt, %add3A_424, %lt3A_425 : i32
      %convert_element_type3A_427 = arith.extui %lt3A_426 : i1 to i32
      %cond3A_428 = arith.constant 0 : i32
      %cond3A_429 = arith.cmpi ne, %convert_element_type3A_427, %cond3A_428 : i32
      scf.if %cond3A_429 {
        %mul3A_430 = arith.constant 5 : i32
        %mul3A_431 = arith.muli %add3A_424, %mul3A_430 : i32
        %dma_start3A = arith.constant 0 : i32
        %dma_start3A_432 = tpu.memref_slice %arg3[%mul3A_431, %dma_start3A] : memref<1250x80xi32, #tpu.memory_space<hbm>> -> memref<5x80xi32, #tpu.memory_space<hbm>>
        %dma_start3A_433 = arith.constant 0 : i32
        %dma_start3A_434 = tpu.memref_slice %arg3[%mul3A_431, %dma_start3A_433] : memref<1250x80xi32, #tpu.memory_space<hbm>> -> memref<5x80xi32, #tpu.memory_space<hbm>>
        tpu.enqueue_dma source(%dma_start3A_434 : memref<5x80xi32, #tpu.memory_space<hbm>>) target(%arg7 : memref<5x80xi32, #tpu.memory_space<vmem>>) target_semaphore(%arg23 : memref<!tpu.dma_semaphore, #tpu.memory_space<semaphore_mem>>)
        %mul3A_435 = arith.constant 400 : i32
        %mul3A_436 = arith.muli %add3A_424, %mul3A_435 : i32
        %dma_start3A_437 = tpu.memref_slice %arg2[%mul3A_436, %mul3A_0] : memref<100000x128xf32, #tpu.memory_space<hbm>> -> memref<400x64xf32, #tpu.memory_space<hbm>>
        %dma_start3A_438 = tpu.memref_slice %arg2[%mul3A_436, %mul3A_0] : memref<100000x128xf32, #tpu.memory_space<hbm>> -> memref<400x64xf32, #tpu.memory_space<hbm>>
        tpu.enqueue_dma source(%dma_start3A_438 : memref<400x64xf32, #tpu.memory_space<hbm>>) target(%arg11 : memref<400x64xf32, #tpu.memory_space<vmem>>) target_semaphore(%arg23 : memref<!tpu.dma_semaphore, #tpu.memory_space<semaphore_mem>>)
      } else {
      }
    }
    %scan3A_124 = arith.constant 4 : i32
    %add3A_125 = arith.constant 240 : i32
    %add3A_126 = arith.addi %add3A_125, %arg1 : i32
    %lt3A_127 = arith.constant 250 : i32
    %lt3A_128 = arith.cmpi slt, %add3A_126, %lt3A_127 : i32
    %and3A = arith.constant true
    %and3A_129 = arith.andi %and3A, %lt3A_128 : i1
    %convert_element_type3A_130 = arith.extui %and3A_129 : i1 to i32
    %cond3A_131 = arith.constant 0 : i32
    %cond3A_132 = arith.cmpi ne, %convert_element_type3A_130, %cond3A_131 : i32
    scf.if %cond3A_132 {
      %dma_wait3A = arith.constant 0 : i32
      %dma_wait3A_291 = arith.constant 0 : i32
      %dma_wait3A_292 = arith.constant 0 : i32
      %dma_wait3A_293 = tpu.memref_slice %arg12[%dma_wait3A_291, %dma_wait3A_292] : memref<400x64xf32, #tpu.memory_space<vmem>> -> memref<80x64xf32, #tpu.memory_space<vmem>>
      %dma_wait3A_294 = arith.constant 0 : i32
      %dma_wait3A_295 = tpu.memref_slice %arg8[%dma_wait3A, %dma_wait3A_294] : memref<5x80xi32, #tpu.memory_space<vmem>> -> memref<1x80xi32, #tpu.memory_space<vmem>>
      %dma_wait3A_296 = tpu.memref_squeeze %dma_wait3A_295 : memref<1x80xi32, #tpu.memory_space<vmem>> -> memref<80xi32, #tpu.memory_space<vmem>>
      %dma_wait3A_297 = arith.constant 0 : i32
      %dma_wait3A_298 = arith.constant 0 : i32
      %dma_wait3A_299 = tpu.memref_slice %arg19[%dma_wait3A_297, %dma_wait3A_298] : memref<64x64xf32, #tpu.memory_space<vmem_shared>> -> memref<64x64xf32, #tpu.memory_space<vmem_shared>>
      tpu.wait_indirect_dma semaphore(%arg28 : memref<!tpu.dma_semaphore, #tpu.memory_space<semaphore_mem>>) src(%dma_wait3A_293 : memref<80x64xf32, #tpu.memory_space<vmem>>) dst(%dma_wait3A_299 : memref<64x64xf32, #tpu.memory_space<vmem_shared>>)
      %dma_wait3A_300 = arith.constant 1 : i32
      %dma_wait3A_301 = arith.constant 80 : i32
      %dma_wait3A_302 = arith.constant 0 : i32
      %dma_wait3A_303 = tpu.memref_slice %arg12[%dma_wait3A_301, %dma_wait3A_302] : memref<400x64xf32, #tpu.memory_space<vmem>> -> memref<80x64xf32, #tpu.memory_space<vmem>>
      %dma_wait3A_304 = arith.constant 0 : i32
      %dma_wait3A_305 = tpu.memref_slice %arg8[%dma_wait3A_300, %dma_wait3A_304] : memref<5x80xi32, #tpu.memory_space<vmem>> -> memref<1x80xi32, #tpu.memory_space<vmem>>
      %dma_wait3A_306 = tpu.memref_squeeze %dma_wait3A_305 : memref<1x80xi32, #tpu.memory_space<vmem>> -> memref<80xi32, #tpu.memory_space<vmem>>
      %dma_wait3A_307 = arith.constant 0 : i32
      %dma_wait3A_308 = arith.constant 0 : i32
      %dma_wait3A_309 = tpu.memref_slice %arg19[%dma_wait3A_307, %dma_wait3A_308] : memref<64x64xf32, #tpu.memory_space<vmem_shared>> -> memref<64x64xf32, #tpu.memory_space<vmem_shared>>
      tpu.wait_indirect_dma semaphore(%arg28 : memref<!tpu.dma_semaphore, #tpu.memory_space<semaphore_mem>>) src(%dma_wait3A_303 : memref<80x64xf32, #tpu.memory_space<vmem>>) dst(%dma_wait3A_309 : memref<64x64xf32, #tpu.memory_space<vmem_shared>>)
      %dma_wait3A_310 = arith.constant 2 : i32
      %dma_wait3A_311 = arith.constant 160 : i32
      %dma_wait3A_312 = arith.constant 0 : i32
      %dma_wait3A_313 = tpu.memref_slice %arg12[%dma_wait3A_311, %dma_wait3A_312] : memref<400x64xf32, #tpu.memory_space<vmem>> -> memref<80x64xf32, #tpu.memory_space<vmem>>
      %dma_wait3A_314 = arith.constant 0 : i32
      %dma_wait3A_315 = tpu.memref_slice %arg8[%dma_wait3A_310, %dma_wait3A_314] : memref<5x80xi32, #tpu.memory_space<vmem>> -> memref<1x80xi32, #tpu.memory_space<vmem>>
      %dma_wait3A_316 = tpu.memref_squeeze %dma_wait3A_315 : memref<1x80xi32, #tpu.memory_space<vmem>> -> memref<80xi32, #tpu.memory_space<vmem>>
      %dma_wait3A_317 = arith.constant 0 : i32
      %dma_wait3A_318 = arith.constant 0 : i32
      %dma_wait3A_319 = tpu.memref_slice %arg19[%dma_wait3A_317, %dma_wait3A_318] : memref<64x64xf32, #tpu.memory_space<vmem_shared>> -> memref<64x64xf32, #tpu.memory_space<vmem_shared>>
      tpu.wait_indirect_dma semaphore(%arg28 : memref<!tpu.dma_semaphore, #tpu.memory_space<semaphore_mem>>) src(%dma_wait3A_313 : memref<80x64xf32, #tpu.memory_space<vmem>>) dst(%dma_wait3A_319 : memref<64x64xf32, #tpu.memory_space<vmem_shared>>)
      %dma_wait3A_320 = arith.constant 3 : i32
      %dma_wait3A_321 = arith.constant 240 : i32
      %dma_wait3A_322 = arith.constant 0 : i32
      %dma_wait3A_323 = tpu.memref_slice %arg12[%dma_wait3A_321, %dma_wait3A_322] : memref<400x64xf32, #tpu.memory_space<vmem>> -> memref<80x64xf32, #tpu.memory_space<vmem>>
      %dma_wait3A_324 = arith.constant 0 : i32
      %dma_wait3A_325 = tpu.memref_slice %arg8[%dma_wait3A_320, %dma_wait3A_324] : memref<5x80xi32, #tpu.memory_space<vmem>> -> memref<1x80xi32, #tpu.memory_space<vmem>>
      %dma_wait3A_326 = tpu.memref_squeeze %dma_wait3A_325 : memref<1x80xi32, #tpu.memory_space<vmem>> -> memref<80xi32, #tpu.memory_space<vmem>>
      %dma_wait3A_327 = arith.constant 0 : i32
      %dma_wait3A_328 = arith.constant 0 : i32
      %dma_wait3A_329 = tpu.memref_slice %arg19[%dma_wait3A_327, %dma_wait3A_328] : memref<64x64xf32, #tpu.memory_space<vmem_shared>> -> memref<64x64xf32, #tpu.memory_space<vmem_shared>>
      tpu.wait_indirect_dma semaphore(%arg28 : memref<!tpu.dma_semaphore, #tpu.memory_space<semaphore_mem>>) src(%dma_wait3A_323 : memref<80x64xf32, #tpu.memory_space<vmem>>) dst(%dma_wait3A_329 : memref<64x64xf32, #tpu.memory_space<vmem_shared>>)
      %dma_wait3A_330 = arith.constant 4 : i32
      %dma_wait3A_331 = arith.constant 320 : i32
      %dma_wait3A_332 = arith.constant 0 : i32
      %dma_wait3A_333 = tpu.memref_slice %arg12[%dma_wait3A_331, %dma_wait3A_332] : memref<400x64xf32, #tpu.memory_space<vmem>> -> memref<80x64xf32, #tpu.memory_space<vmem>>
      %dma_wait3A_334 = arith.constant 0 : i32
      %dma_wait3A_335 = tpu.memref_slice %arg8[%dma_wait3A_330, %dma_wait3A_334] : memref<5x80xi32, #tpu.memory_space<vmem>> -> memref<1x80xi32, #tpu.memory_space<vmem>>
      %dma_wait3A_336 = tpu.memref_squeeze %dma_wait3A_335 : memref<1x80xi32, #tpu.memory_space<vmem>> -> memref<80xi32, #tpu.memory_space<vmem>>
      %dma_wait3A_337 = arith.constant 0 : i32
      %dma_wait3A_338 = arith.constant 0 : i32
      %dma_wait3A_339 = tpu.memref_slice %arg19[%dma_wait3A_337, %dma_wait3A_338] : memref<64x64xf32, #tpu.memory_space<vmem_shared>> -> memref<64x64xf32, #tpu.memory_space<vmem_shared>>
      tpu.wait_indirect_dma semaphore(%arg28 : memref<!tpu.dma_semaphore, #tpu.memory_space<semaphore_mem>>) src(%dma_wait3A_333 : memref<80x64xf32, #tpu.memory_space<vmem>>) dst(%dma_wait3A_339 : memref<64x64xf32, #tpu.memory_space<vmem_shared>>)
    } else {
    }
    "tpu.region"() ({
      %run_scoped3A = tpu.sem_alloc : memref<!tpu.dma_semaphore, #tpu.memory_space<semaphore_mem>>
      %dma_start3A = arith.constant 0 : i32
      %dma_start3A_291 = tpu.memref_slice %arg20[%dma_start3A] : memref<64xf32, #tpu.memory_space<vmem_shared>> -> memref<64xf32, #tpu.memory_space<vmem_shared>>
      tpu.enqueue_indirect_dma source(%arg13 : memref<64xf32, #tpu.memory_space<vmem>>) target(%dma_start3A_291 : memref<64xf32, #tpu.memory_space<vmem_shared>>) offsets(%arg14 : memref<64xi32, #tpu.memory_space<vmem>>) semaphore(%run_scoped3A : memref<!tpu.dma_semaphore, #tpu.memory_space<semaphore_mem>>) {add = true}
      %dma_wait3A = arith.constant 0 : i32
      %dma_wait3A_292 = tpu.memref_slice %arg20[%dma_wait3A] : memref<64xf32, #tpu.memory_space<vmem_shared>> -> memref<64xf32, #tpu.memory_space<vmem_shared>>
      tpu.wait_indirect_dma semaphore(%run_scoped3A : memref<!tpu.dma_semaphore, #tpu.memory_space<semaphore_mem>>) src(%arg13 : memref<64xf32, #tpu.memory_space<vmem>>) dst(%dma_wait3A_292 : memref<64xf32, #tpu.memory_space<vmem_shared>>)
      tpu.yield
    }) : () -> ()
    %barrier3A_133 = arith.constant 0 : index
    tpu.barrier barrier_id(%barrier3A_133)
    "tpu.region"() ({
      %run_scoped3A = tpu.sem_alloc : memref<!tpu.dma_semaphore, #tpu.memory_space<semaphore_mem>>
      %dma_start3A = arith.constant 0 : i32
      %dma_start3A_291 = tpu.memref_slice %arg19[%mul3A_2, %dma_start3A] : memref<64x64xf32, #tpu.memory_space<vmem_shared>> -> memref<4x64xf32, #tpu.memory_space<vmem_shared>>
      %dma_start3A_292 = arith.constant 0 : i32
      %dma_start3A_293 = tpu.memref_slice %arg19[%mul3A_2, %dma_start3A_292] : memref<64x64xf32, #tpu.memory_space<vmem_shared>> -> memref<4x64xf32, #tpu.memory_space<vmem_shared>>
      tpu.enqueue_dma source(%dma_start3A_293 : memref<4x64xf32, #tpu.memory_space<vmem_shared>>) target(%arg16 : memref<4x64xf32, #tpu.memory_space<vmem>>) target_semaphore(%run_scoped3A : memref<!tpu.dma_semaphore, #tpu.memory_space<semaphore_mem>>)
      %dma_wait3A = arith.constant 0 : i32
      %dma_wait3A_294 = tpu.memref_slice %arg19[%mul3A_2, %dma_wait3A] : memref<64x64xf32, #tpu.memory_space<vmem_shared>> -> memref<4x64xf32, #tpu.memory_space<vmem_shared>>
      %dma_wait3A_295 = arith.constant 0 : i32
      %dma_wait3A_296 = tpu.memref_slice %arg19[%mul3A_2, %dma_wait3A_295] : memref<64x64xf32, #tpu.memory_space<vmem_shared>> -> memref<4x64xf32, #tpu.memory_space<vmem_shared>>
      tpu.wait_dma2 semaphore(%run_scoped3A : memref<!tpu.dma_semaphore, #tpu.memory_space<semaphore_mem>>) src(%dma_wait3A_296 : memref<4x64xf32, #tpu.memory_space<vmem_shared>>) dst(%arg16 : memref<4x64xf32, #tpu.memory_space<vmem>>)
      tpu.yield
    }) : () -> ()
    "tpu.region"() ({
      %run_scoped3A = tpu.sem_alloc : memref<!tpu.dma_semaphore, #tpu.memory_space<semaphore_mem>>
      tpu.enqueue_dma source(%arg20 : memref<64xf32, #tpu.memory_space<vmem_shared>>) target(%arg17 : memref<64xf32, #tpu.memory_space<vmem>>) target_semaphore(%run_scoped3A : memref<!tpu.dma_semaphore, #tpu.memory_space<semaphore_mem>>)
      tpu.wait_dma2 semaphore(%run_scoped3A : memref<!tpu.dma_semaphore, #tpu.memory_space<semaphore_mem>>) src(%arg20 : memref<64xf32, #tpu.memory_space<vmem_shared>>) dst(%arg17 : memref<64xf32, #tpu.memory_space<vmem>>)
      tpu.yield
    }) : () -> ()
    %add3A_134 = arith.constant 0 : i32
    %add3A_135 = arith.addi %mul3A_2, %add3A_134 : i32
    %broadcast_in_dim3A_136 = vector.broadcast %add3A_135 : i32 to vector<16xi32>
    %gather3A = tpu.vector_load_idx %arg17[%broadcast_in_dim3A_136] : memref<64xf32, #tpu.memory_space<vmem>>[vector<16xi32>], vector<16xf32>,
    %get3A = arith.constant 0 : i32
    %get3A_137 = arith.index_cast %get3A : i32 to index
    %get3A_138 = arith.constant 0 : index
    %get3A_139 = tpu.vector_load %arg16[%get3A_137, %get3A_138] {strides = array<i32>} : memref<4x64xf32, #tpu.memory_space<vmem>>, vector<16xf32>,
    %div3A = arith.divf %get3A_139, %gather3A : vector<16xf32>
    %swap3A_140 = arith.constant 0 : i32
    %swap3A_141 = arith.index_cast %swap3A_140 : i32 to index
    %swap3A_142 = arith.constant 0 : index
    %swap3A_143 = tpu.vector_load %arg18[%swap3A_141, %swap3A_142] {strides = array<i32>} : memref<4x64xf32, #tpu.memory_space<vmem>>, vector<16xf32>,
    tpu.vector_store %arg18[%swap3A_141, %swap3A_142], %div3A {strides = array<i32>} : memref<4x64xf32, #tpu.memory_space<vmem>>, vector<16xf32>,
    %get3A_144 = arith.constant 0 : i32
    %get3A_145 = arith.index_cast %get3A_144 : i32 to index
    %get3A_146 = arith.constant 16 : index
    %get3A_147 = tpu.vector_load %arg16[%get3A_145, %get3A_146] {strides = array<i32>} : memref<4x64xf32, #tpu.memory_space<vmem>>, vector<16xf32>,
    %div3A_148 = arith.divf %get3A_147, %gather3A : vector<16xf32>
    %swap3A_149 = arith.constant 0 : i32
    %swap3A_150 = arith.index_cast %swap3A_149 : i32 to index
    %swap3A_151 = arith.constant 16 : index
    %swap3A_152 = tpu.vector_load %arg18[%swap3A_150, %swap3A_151] {strides = array<i32>} : memref<4x64xf32, #tpu.memory_space<vmem>>, vector<16xf32>,
    tpu.vector_store %arg18[%swap3A_150, %swap3A_151], %div3A_148 {strides = array<i32>} : memref<4x64xf32, #tpu.memory_space<vmem>>, vector<16xf32>,
    %get3A_153 = arith.constant 0 : i32
    %get3A_154 = arith.index_cast %get3A_153 : i32 to index
    %get3A_155 = arith.constant 32 : index
    %get3A_156 = tpu.vector_load %arg16[%get3A_154, %get3A_155] {strides = array<i32>} : memref<4x64xf32, #tpu.memory_space<vmem>>, vector<16xf32>,
    %div3A_157 = arith.divf %get3A_156, %gather3A : vector<16xf32>
    %swap3A_158 = arith.constant 0 : i32
    %swap3A_159 = arith.index_cast %swap3A_158 : i32 to index
    %swap3A_160 = arith.constant 32 : index
    %swap3A_161 = tpu.vector_load %arg18[%swap3A_159, %swap3A_160] {strides = array<i32>} : memref<4x64xf32, #tpu.memory_space<vmem>>, vector<16xf32>,
    tpu.vector_store %arg18[%swap3A_159, %swap3A_160], %div3A_157 {strides = array<i32>} : memref<4x64xf32, #tpu.memory_space<vmem>>, vector<16xf32>,
    %get3A_162 = arith.constant 0 : i32
    %get3A_163 = arith.index_cast %get3A_162 : i32 to index
    %get3A_164 = arith.constant 48 : index
    %get3A_165 = tpu.vector_load %arg16[%get3A_163, %get3A_164] {strides = array<i32>} : memref<4x64xf32, #tpu.memory_space<vmem>>, vector<16xf32>,
    %div3A_166 = arith.divf %get3A_165, %gather3A : vector<16xf32>
    %swap3A_167 = arith.constant 0 : i32
    %swap3A_168 = arith.index_cast %swap3A_167 : i32 to index
    %swap3A_169 = arith.constant 48 : index
    %swap3A_170 = tpu.vector_load %arg18[%swap3A_168, %swap3A_169] {strides = array<i32>} : memref<4x64xf32, #tpu.memory_space<vmem>>, vector<16xf32>,
    tpu.vector_store %arg18[%swap3A_168, %swap3A_169], %div3A_166 {strides = array<i32>} : memref<4x64xf32, #tpu.memory_space<vmem>>, vector<16xf32>,
    %add3A_171 = arith.constant 1 : i32
    %add3A_172 = arith.addi %mul3A_2, %add3A_171 : i32
    %broadcast_in_dim3A_173 = vector.broadcast %add3A_172 : i32 to vector<16xi32>
    %gather3A_174 = tpu.vector_load_idx %arg17[%broadcast_in_dim3A_173] : memref<64xf32, #tpu.memory_space<vmem>>[vector<16xi32>], vector<16xf32>,
    %get3A_175 = arith.constant 1 : i32
    %get3A_176 = arith.index_cast %get3A_175 : i32 to index
    %get3A_177 = arith.constant 0 : index
    %get3A_178 = tpu.vector_load %arg16[%get3A_176, %get3A_177] {strides = array<i32>} : memref<4x64xf32, #tpu.memory_space<vmem>>, vector<16xf32>,
    %div3A_179 = arith.divf %get3A_178, %gather3A_174 : vector<16xf32>
    %swap3A_180 = arith.constant 1 : i32
    %swap3A_181 = arith.index_cast %swap3A_180 : i32 to index
    %swap3A_182 = arith.constant 0 : index
    %swap3A_183 = tpu.vector_load %arg18[%swap3A_181, %swap3A_182] {strides = array<i32>} : memref<4x64xf32, #tpu.memory_space<vmem>>, vector<16xf32>,
    tpu.vector_store %arg18[%swap3A_181, %swap3A_182], %div3A_179 {strides = array<i32>} : memref<4x64xf32, #tpu.memory_space<vmem>>, vector<16xf32>,
    %get3A_184 = arith.constant 1 : i32
    %get3A_185 = arith.index_cast %get3A_184 : i32 to index
    %get3A_186 = arith.constant 16 : index
    %get3A_187 = tpu.vector_load %arg16[%get3A_185, %get3A_186] {strides = array<i32>} : memref<4x64xf32, #tpu.memory_space<vmem>>, vector<16xf32>,
    %div3A_188 = arith.divf %get3A_187, %gather3A_174 : vector<16xf32>
    %swap3A_189 = arith.constant 1 : i32
    %swap3A_190 = arith.index_cast %swap3A_189 : i32 to index
    %swap3A_191 = arith.constant 16 : index
    %swap3A_192 = tpu.vector_load %arg18[%swap3A_190, %swap3A_191] {strides = array<i32>} : memref<4x64xf32, #tpu.memory_space<vmem>>, vector<16xf32>,
    tpu.vector_store %arg18[%swap3A_190, %swap3A_191], %div3A_188 {strides = array<i32>} : memref<4x64xf32, #tpu.memory_space<vmem>>, vector<16xf32>,
    %get3A_193 = arith.constant 1 : i32
    %get3A_194 = arith.index_cast %get3A_193 : i32 to index
    %get3A_195 = arith.constant 32 : index
    %get3A_196 = tpu.vector_load %arg16[%get3A_194, %get3A_195] {strides = array<i32>} : memref<4x64xf32, #tpu.memory_space<vmem>>, vector<16xf32>,
    %div3A_197 = arith.divf %get3A_196, %gather3A_174 : vector<16xf32>
    %swap3A_198 = arith.constant 1 : i32
    %swap3A_199 = arith.index_cast %swap3A_198 : i32 to index
    %swap3A_200 = arith.constant 32 : index
    %swap3A_201 = tpu.vector_load %arg18[%swap3A_199, %swap3A_200] {strides = array<i32>} : memref<4x64xf32, #tpu.memory_space<vmem>>, vector<16xf32>,
    tpu.vector_store %arg18[%swap3A_199, %swap3A_200], %div3A_197 {strides = array<i32>} : memref<4x64xf32, #tpu.memory_space<vmem>>, vector<16xf32>,
    %get3A_202 = arith.constant 1 : i32
    %get3A_203 = arith.index_cast %get3A_202 : i32 to index
    %get3A_204 = arith.constant 48 : index
    %get3A_205 = tpu.vector_load %arg16[%get3A_203, %get3A_204] {strides = array<i32>} : memref<4x64xf32, #tpu.memory_space<vmem>>, vector<16xf32>,
    %div3A_206 = arith.divf %get3A_205, %gather3A_174 : vector<16xf32>
    %swap3A_207 = arith.constant 1 : i32
    %swap3A_208 = arith.index_cast %swap3A_207 : i32 to index
    %swap3A_209 = arith.constant 48 : index
    %swap3A_210 = tpu.vector_load %arg18[%swap3A_208, %swap3A_209] {strides = array<i32>} : memref<4x64xf32, #tpu.memory_space<vmem>>, vector<16xf32>,
    tpu.vector_store %arg18[%swap3A_208, %swap3A_209], %div3A_206 {strides = array<i32>} : memref<4x64xf32, #tpu.memory_space<vmem>>, vector<16xf32>,
    %add3A_211 = arith.constant 2 : i32
    %add3A_212 = arith.addi %mul3A_2, %add3A_211 : i32
    %broadcast_in_dim3A_213 = vector.broadcast %add3A_212 : i32 to vector<16xi32>
    %gather3A_214 = tpu.vector_load_idx %arg17[%broadcast_in_dim3A_213] : memref<64xf32, #tpu.memory_space<vmem>>[vector<16xi32>], vector<16xf32>,
    %get3A_215 = arith.constant 2 : i32
    %get3A_216 = arith.index_cast %get3A_215 : i32 to index
    %get3A_217 = arith.constant 0 : index
    %get3A_218 = tpu.vector_load %arg16[%get3A_216, %get3A_217] {strides = array<i32>} : memref<4x64xf32, #tpu.memory_space<vmem>>, vector<16xf32>,
    %div3A_219 = arith.divf %get3A_218, %gather3A_214 : vector<16xf32>
    %swap3A_220 = arith.constant 2 : i32
    %swap3A_221 = arith.index_cast %swap3A_220 : i32 to index
    %swap3A_222 = arith.constant 0 : index
    %swap3A_223 = tpu.vector_load %arg18[%swap3A_221, %swap3A_222] {strides = array<i32>} : memref<4x64xf32, #tpu.memory_space<vmem>>, vector<16xf32>,
    tpu.vector_store %arg18[%swap3A_221, %swap3A_222], %div3A_219 {strides = array<i32>} : memref<4x64xf32, #tpu.memory_space<vmem>>, vector<16xf32>,
    %get3A_224 = arith.constant 2 : i32
    %get3A_225 = arith.index_cast %get3A_224 : i32 to index
    %get3A_226 = arith.constant 16 : index
    %get3A_227 = tpu.vector_load %arg16[%get3A_225, %get3A_226] {strides = array<i32>} : memref<4x64xf32, #tpu.memory_space<vmem>>, vector<16xf32>,
    %div3A_228 = arith.divf %get3A_227, %gather3A_214 : vector<16xf32>
    %swap3A_229 = arith.constant 2 : i32
    %swap3A_230 = arith.index_cast %swap3A_229 : i32 to index
    %swap3A_231 = arith.constant 16 : index
    %swap3A_232 = tpu.vector_load %arg18[%swap3A_230, %swap3A_231] {strides = array<i32>} : memref<4x64xf32, #tpu.memory_space<vmem>>, vector<16xf32>,
    tpu.vector_store %arg18[%swap3A_230, %swap3A_231], %div3A_228 {strides = array<i32>} : memref<4x64xf32, #tpu.memory_space<vmem>>, vector<16xf32>,
    %get3A_233 = arith.constant 2 : i32
    %get3A_234 = arith.index_cast %get3A_233 : i32 to index
    %get3A_235 = arith.constant 32 : index
    %get3A_236 = tpu.vector_load %arg16[%get3A_234, %get3A_235] {strides = array<i32>} : memref<4x64xf32, #tpu.memory_space<vmem>>, vector<16xf32>,
    %div3A_237 = arith.divf %get3A_236, %gather3A_214 : vector<16xf32>
    %swap3A_238 = arith.constant 2 : i32
    %swap3A_239 = arith.index_cast %swap3A_238 : i32 to index
    %swap3A_240 = arith.constant 32 : index
    %swap3A_241 = tpu.vector_load %arg18[%swap3A_239, %swap3A_240] {strides = array<i32>} : memref<4x64xf32, #tpu.memory_space<vmem>>, vector<16xf32>,
    tpu.vector_store %arg18[%swap3A_239, %swap3A_240], %div3A_237 {strides = array<i32>} : memref<4x64xf32, #tpu.memory_space<vmem>>, vector<16xf32>,
    %get3A_242 = arith.constant 2 : i32
    %get3A_243 = arith.index_cast %get3A_242 : i32 to index
    %get3A_244 = arith.constant 48 : index
    %get3A_245 = tpu.vector_load %arg16[%get3A_243, %get3A_244] {strides = array<i32>} : memref<4x64xf32, #tpu.memory_space<vmem>>, vector<16xf32>,
    %div3A_246 = arith.divf %get3A_245, %gather3A_214 : vector<16xf32>
    %swap3A_247 = arith.constant 2 : i32
    %swap3A_248 = arith.index_cast %swap3A_247 : i32 to index
    %swap3A_249 = arith.constant 48 : index
    %swap3A_250 = tpu.vector_load %arg18[%swap3A_248, %swap3A_249] {strides = array<i32>} : memref<4x64xf32, #tpu.memory_space<vmem>>, vector<16xf32>,
    tpu.vector_store %arg18[%swap3A_248, %swap3A_249], %div3A_246 {strides = array<i32>} : memref<4x64xf32, #tpu.memory_space<vmem>>, vector<16xf32>,
    %add3A_251 = arith.constant 3 : i32
    %add3A_252 = arith.addi %mul3A_2, %add3A_251 : i32
    %broadcast_in_dim3A_253 = vector.broadcast %add3A_252 : i32 to vector<16xi32>
    %gather3A_254 = tpu.vector_load_idx %arg17[%broadcast_in_dim3A_253] : memref<64xf32, #tpu.memory_space<vmem>>[vector<16xi32>], vector<16xf32>,
    %get3A_255 = arith.constant 3 : i32
    %get3A_256 = arith.index_cast %get3A_255 : i32 to index
    %get3A_257 = arith.constant 0 : index
    %get3A_258 = tpu.vector_load %arg16[%get3A_256, %get3A_257] {strides = array<i32>} : memref<4x64xf32, #tpu.memory_space<vmem>>, vector<16xf32>,
    %div3A_259 = arith.divf %get3A_258, %gather3A_254 : vector<16xf32>
    %swap3A_260 = arith.constant 3 : i32
    %swap3A_261 = arith.index_cast %swap3A_260 : i32 to index
    %swap3A_262 = arith.constant 0 : index
    %swap3A_263 = tpu.vector_load %arg18[%swap3A_261, %swap3A_262] {strides = array<i32>} : memref<4x64xf32, #tpu.memory_space<vmem>>, vector<16xf32>,
    tpu.vector_store %arg18[%swap3A_261, %swap3A_262], %div3A_259 {strides = array<i32>} : memref<4x64xf32, #tpu.memory_space<vmem>>, vector<16xf32>,
    %get3A_264 = arith.constant 3 : i32
    %get3A_265 = arith.index_cast %get3A_264 : i32 to index
    %get3A_266 = arith.constant 16 : index
    %get3A_267 = tpu.vector_load %arg16[%get3A_265, %get3A_266] {strides = array<i32>} : memref<4x64xf32, #tpu.memory_space<vmem>>, vector<16xf32>,
    %div3A_268 = arith.divf %get3A_267, %gather3A_254 : vector<16xf32>
    %swap3A_269 = arith.constant 3 : i32
    %swap3A_270 = arith.index_cast %swap3A_269 : i32 to index
    %swap3A_271 = arith.constant 16 : index
    %swap3A_272 = tpu.vector_load %arg18[%swap3A_270, %swap3A_271] {strides = array<i32>} : memref<4x64xf32, #tpu.memory_space<vmem>>, vector<16xf32>,
    tpu.vector_store %arg18[%swap3A_270, %swap3A_271], %div3A_268 {strides = array<i32>} : memref<4x64xf32, #tpu.memory_space<vmem>>, vector<16xf32>,
    %get3A_273 = arith.constant 3 : i32
    %get3A_274 = arith.index_cast %get3A_273 : i32 to index
    %get3A_275 = arith.constant 32 : index
    %get3A_276 = tpu.vector_load %arg16[%get3A_274, %get3A_275] {strides = array<i32>} : memref<4x64xf32, #tpu.memory_space<vmem>>, vector<16xf32>,
    %div3A_277 = arith.divf %get3A_276, %gather3A_254 : vector<16xf32>
    %swap3A_278 = arith.constant 3 : i32
    %swap3A_279 = arith.index_cast %swap3A_278 : i32 to index
    %swap3A_280 = arith.constant 32 : index
    %swap3A_281 = tpu.vector_load %arg18[%swap3A_279, %swap3A_280] {strides = array<i32>} : memref<4x64xf32, #tpu.memory_space<vmem>>, vector<16xf32>,
    tpu.vector_store %arg18[%swap3A_279, %swap3A_280], %div3A_277 {strides = array<i32>} : memref<4x64xf32, #tpu.memory_space<vmem>>, vector<16xf32>,
    %get3A_282 = arith.constant 3 : i32
    %get3A_283 = arith.index_cast %get3A_282 : i32 to index
    %get3A_284 = arith.constant 48 : index
    %get3A_285 = tpu.vector_load %arg16[%get3A_283, %get3A_284] {strides = array<i32>} : memref<4x64xf32, #tpu.memory_space<vmem>>, vector<16xf32>,
    %div3A_286 = arith.divf %get3A_285, %gather3A_254 : vector<16xf32>
    %swap3A_287 = arith.constant 3 : i32
    %swap3A_288 = arith.index_cast %swap3A_287 : i32 to index
    %swap3A_289 = arith.constant 48 : index
    %swap3A_290 = tpu.vector_load %arg18[%swap3A_288, %swap3A_289] {strides = array<i32>} : memref<4x64xf32, #tpu.memory_space<vmem>>, vector<16xf32>,
    tpu.vector_store %arg18[%swap3A_288, %swap3A_289], %div3A_286 {strides = array<i32>} : memref<4x64xf32, #tpu.memory_space<vmem>>, vector<16xf32>,
    "tpu.region"() ({
      %run_scoped3A = tpu.sem_alloc : memref<!tpu.dma_semaphore, #tpu.memory_space<semaphore_mem>>
      %dma_start3A = tpu.memref_slice %arg4[%mul3A_2, %mul3A_0] : memref<64x128xf32, #tpu.memory_space<hbm>> -> memref<4x64xf32, #tpu.memory_space<hbm>>
      %dma_start3A_291 = tpu.memref_slice %arg4[%mul3A_2, %mul3A_0] : memref<64x128xf32, #tpu.memory_space<hbm>> -> memref<4x64xf32, #tpu.memory_space<hbm>>
      tpu.enqueue_dma source(%arg18 : memref<4x64xf32, #tpu.memory_space<vmem>>) target(%dma_start3A_291 : memref<4x64xf32, #tpu.memory_space<hbm>>) target_semaphore(%run_scoped3A : memref<!tpu.dma_semaphore, #tpu.memory_space<semaphore_mem>>)
      %dma_wait3A = tpu.memref_slice %arg4[%mul3A_2, %mul3A_0] : memref<64x128xf32, #tpu.memory_space<hbm>> -> memref<4x64xf32, #tpu.memory_space<hbm>>
      %dma_wait3A_292 = tpu.memref_slice %arg4[%mul3A_2, %mul3A_0] : memref<64x128xf32, #tpu.memory_space<hbm>> -> memref<4x64xf32, #tpu.memory_space<hbm>>
      tpu.wait_dma2 semaphore(%run_scoped3A : memref<!tpu.dma_semaphore, #tpu.memory_space<semaphore_mem>>) src(%arg18 : memref<4x64xf32, #tpu.memory_space<vmem>>) dst(%dma_wait3A_292 : memref<4x64xf32, #tpu.memory_space<hbm>>)
      tpu.yield
    }) : () -> ()
    return
  }
}

</mosaic_0001>

<sc_bundles>
// kernel: _pooling.3.cloned.1.call-start
scs
__scs_entry_jumppad:
0x0: {  	(pc) =	sbr.rel $0x88, $3  }
0x1: {  	(tag) =	ssettag $0x0;
	lr =	simm.s32 $0x1  }
0x2: {  	[smem:$0x3F9F] =	sst lr;
	_ =	strace $0xD0000000  }
0x3: {  	_ = 	snop  }
0x4: {  	_ = 	snop  }
0x5: {  	_ = 	snop  }
0x6: {  	_ = 	snop  }
0x7: {  	_ = 	snop  }
__scs_overlays_trampoline_lowered:
0x8: {  	[smem:$0x3FAE] =	sst s0  }
0x9: {  	[smem:$0x3FAF] =	sst s1  }
0xa: {  	[smem:$0x3FB0] =	sst s2  }
0xb: {  	[smem:$0x3FB1] =	sst s3  }
0xc: {  	[smem:$0x3FB2] =	sst s4  }
0xd: {  	[smem:$0x3FB3] =	sst s5  }
0xe: {  	[smem:$0x3FB4] =	sst s6  }
0xf: {  	[smem:$0x3FB5] =	sst s7  }
0x10: {  	[smem:$0x3FB6] =	sst s8  }
0x11: {  	[smem:$0x3FB7] =	sst s9;
	s0 =	simm.s32 @!p0 $0x0  }
0x12: {  	s1 =	sld [smem:$0x3F9D];
	s0 =	simm.s32 @p0 $0x1  }
0x13: {  	[smem:$0x3FB8] =	sst s0;
	s0 =	simm.s32 @!p1 $0x0  }
0x14: {  	s2 =	sld [smem:$0x3F9C];
	s0 =	simm.s32 @p1 $0x1  }
0x15: {  	[smem:$0x3FB9] =	sst s0;
	s0 =	simm.s32 @!p2 $0x0  }
0x16: {  	s3 =	sld [smem:$0x3FDB];
	s0 =	simm.s32 @p2 $0x1  }
0x17: {  	s4 =	simm.s32 $0x1BF5;
	[smem:$0x3FBB] =	sst s0  }
0x18: {  	s0 =	sld [smem:$0x3F9E];
	_ =	swait.ge [sflag:s4], $0x0  }
0x19: {  	s7 =	sld [smem:$0x3F9F]  }
0x1a: {  	s8 =	sadd.s32 $0xFFFFE003, lr  }
0x1b: {  	s9 =	sadd.s32 $0xFFFFFEF7, lr;
	s5 =	simm.s32 $0xFFFFFFFF;
	p2 =	slt.u32 s8, $0xFFFFF086  }
0x1c: {  	p1 =	slt.u32 s9, $0xF7A;
	s5 =	simm.s32 @!p2 $0x0  }
0x1d: {  	s5 =	simm.s32 @p1 $0x1;
	p0 =	seq.s32 s7, s2  }
0x1e: {  	s7 =	smul.u32 @!p0 $0xF7A, s2;
	p2 =	seq.s32 @!p0 s5, $0x0  }
0x1f: {  	s9 =	smul.u32 $0xF7A, s1;
	s8 =	simm.s32 @!p0 $0x1BF5;
	p2 =	por !p2, p0  }
0x20: {  	[sflag:s8] =	ssyncset.s32 @!p0 $0xFFFFF086;
	s6 =	sadd.s32 @!p0 s3, s7;
	s7 =	simm.s32 @!p0 $0x108  }
0x21: {  	s3 =	sadd.s32 s3, s9;
	s6 =	sadd.s32 @!p0 $0x88, s6;
	s7 =	simm.s32 @p2 $0x1082  }
0x22: {  	[simem:s7], [sflag:s8] =	dma.local @!p0 [hbm:s6], $0xF7A  }
0x23: {  	s9 =	sor.u32 $0xD0000000, s2;
	s6 =	simm.s32 $0x108;
	_ =	swait.ge @!p0 [sflag:s8], $0x0  }
0x24: {  	s3 =	sadd.s32 $0x88, s3;
	s6 =	simm.s32 @!p1 $0x1082;
	[sflag:s4] =	ssyncset.s32 $0xFFFFF086  }
0x25: {  	[simem:s6], [sflag:s4] =	dma.local [hbm:s3], $0xF7A  }
0x26: {  	[smem:$0x3F9F] =	sst s1;
	(tag) =	ssettag s2;
	_ =	strace s9  }
0x27: {  	s1 =	sld [smem:$0x3FAF]  }
0x28: {  	s2 =	sld [smem:$0x3FB0]  }
0x29: {  	s4 =	sld [smem:$0x3FB2]  }
0x2a: {  	p0 =	seq.s32 s5, $0x0;
	s5 =	sld [smem:$0x3FB3]  }
0x2b: {  	s6 =	sld [smem:$0x3FB4]  }
0x2c: {  	s7 =	sld [smem:$0x3FB5]  }
0x2d: {  	s3 =	simm.s32 $0x108;
	s8 =	sld [smem:$0x3FB6]  }
0x2e: {  	s3 =	simm.s32 @!p0 $0x1082;
	s9 =	sld [smem:$0x3FB7]  }
0x2f: {  	lr =	sadd.s32 s0, s3;
	s0 =	sld [smem:$0x3FAE]  }
0x30: {  	s3 =	sld [smem:$0x3FB1]  }
0x31: {  	[smem:$0x3FBA] =	sst s10  }
0x32: {  	s10 =	sld [smem:$0x3FB8];
	_ =	sdelay $0x3  }
0x33: {  	p0 =	seq.s32 s10, $0x1;
	s10 =	sld [smem:$0x3FBA];
	_ =	sdelay $0x3  }
0x34: {  	[smem:$0x3FBA] =	sst s10  }
0x35: {  	s10 =	sld [smem:$0x3FB9];
	_ =	sdelay $0x3  }
0x36: {  	p1 =	seq.s32 s10, $0x1;
	s10 =	sld [smem:$0x3FBA];
	_ =	sdelay $0x3  }
0x37: {  	[smem:$0x3FBA] =	sst s10  }
0x38: {  	s10 =	sld [smem:$0x3FBB]  }
0x39: {  	_ = 	snop;
	(pc) =	sbr.ind lr, $3  }
0x3a: {  	_ = 	snop  }
0x3b: {  	_ = 	snop  }
0x3c: {  	p2 =	seq.s32 s10, $0x1;
	s10 =	sld [smem:$0x3FBA]  }
0x3d: {  	_ =	shalt  }
0x3e: {  	_ =	shalt  }
0x3f: {  	_ =	shalt  }
0x40: {  	_ =	shalt  }
0x41: {  	_ =	shalt  }
0x42: {  	_ =	shalt  }
0x43: {  	_ =	shalt  }
0x44: {  	_ =	shalt  }
0x45: {  	_ =	shalt  }
0x46: {  	_ =	shalt  }
0x47: {  	_ =	shalt  }
0x48: {  	_ =	shalt  }
0x49: {  	_ =	shalt  }
0x4a: {  	_ =	shalt  }
0x4b: {  	_ =	shalt  }
0x4c: {  	_ =	shalt  }
0x4d: {  	_ =	shalt  }
0x4e: {  	_ =	shalt  }
0x4f: {  	_ =	shalt  }
0x50: {  	_ =	shalt  }
0x51: {  	_ =	shalt  }
0x52: {  	_ =	shalt  }
0x53: {  	_ =	shalt  }
0x54: {  	_ =	shalt  }
0x55: {  	_ =	shalt  }
0x56: {  	_ =	shalt  }
0x57: {  	_ =	shalt  }
0x58: {  	_ =	shalt  }
0x59: {  	_ =	shalt  }
0x5a: {  	_ =	shalt  }
0x5b: {  	_ =	shalt  }
0x5c: {  	_ =	shalt  }
0x5d: {  	_ =	shalt  }
0x5e: {  	_ =	shalt  }
0x5f: {  	_ =	shalt  }
0x60: {  	_ =	shalt  }
0x61: {  	_ =	shalt  }
0x62: {  	_ =	shalt  }
0x63: {  	_ =	shalt  }
0x64: {  	_ =	shalt  }
0x65: {  	_ =	shalt  }
0x66: {  	_ =	shalt  }
0x67: {  	_ =	shalt  }
0x68: {  	_ =	shalt  }
0x69: {  	_ =	shalt  }
0x6a: {  	_ =	shalt  }
0x6b: {  	_ =	shalt  }
0x6c: {  	_ =	shalt  }
0x6d: {  	_ =	shalt  }
0x6e: {  	_ =	shalt  }
0x6f: {  	_ =	shalt  }
0x70: {  	_ =	shalt  }
0x71: {  	_ =	shalt  }
0x72: {  	_ =	shalt  }
0x73: {  	_ =	shalt  }
0x74: {  	_ =	shalt  }
0x75: {  	_ =	shalt  }
0x76: {  	_ =	shalt  }
0x77: {  	_ =	shalt  }
0x78: {  	_ =	shalt  }
0x79: {  	_ =	shalt  }
0x7a: {  	_ =	shalt  }
0x7b: {  	_ =	shalt  }
0x7c: {  	_ =	shalt  }
0x7d: {  	_ =	shalt  }
0x7e: {  	_ =	shalt  }
0x7f: {  	_ =	shalt  }
0x80: {  	_ =	shalt  }
0x81: {  	_ =	shalt  }
0x82: {  	_ =	shalt  }
0x83: {  	_ =	shalt  }
0x84: {  	_ =	shalt  }
0x85: {  	_ =	shalt  }
0x86: {  	_ =	shalt  }
0x87: {  	_ =	shalt  }
.Lfunc_end0:
.L_simem_size_0:
called_computation_lowered:
.L_overlay_start_0:
0x88: {  	s2 =	sld [smem:$0x3FD9]  }
0x89: {  	s3 =	sld [smem:$0x3FFE];
	_ =	sdelay $0x1  }
0x8a: {  	s1 =	srdreg.scid  }
0x8b: {  	s0 =	sand.u32 $0x1, s1  }
0x8c: {  	s17 =	sshll.u32 s0, $0xA;
	s2 =	sadd.s32 s3, s2  }
0x8d: {  	s2 =	sadd.s32 s2, s17  }
0x8e: {  	[smem:$0x3FC6] =	sst s2  }
0x8f: {  	_ = 	snop  }
0x90: {  	s2 =	sld [smem:$0x3FC9]  }
0x91: {  	s18 =	sld [smem:$0x3FD0];
	(tm) =	ssettm $0x1  }
0x92: {  	s4 =	sld [smem:$0x3FFB];
	_ =	sdelay $0x3  }
0x93: {  	_ =	strace s4  }
0x94: {  	s4 =	sld [smem:$0x3FFC];
	_ =	sdelay $0x3  }
0x95: {  	_ =	strace s4  }
0x96: {  	s4 =	sld [smem:$0x3FFD];
	_ =	sdelay $0x3  }
0x97: {  	_ =	strace s4  }
0x98: {  	_ =	strace $0x8FFFFFFF  }
0x99: {  	s19 =	sld [smem:$0x3FDB];
	_ =	sdelay $0x1  }
0x9a: {  	s5 =	simm.s32 $_scs_section_size  }
0x9b: {  	s6 =	simm.s32 $_size__tile_overlayer_lowered;
	s7 =	simm.s32 $_tile_overlayer_lowered  }
0x9c: {  	s22 =	simm.s32 $0x1BFF;
	s21 =	sshll.u32 s7, $0x1;
	s4 =	sadd.s32 s5, s19  }
0x9d: {  	s8 =	simm.s32 $0x0;
	s20 =	sshll.u32 s6, $0x1;
	s6 =	sadd.s32 s21, s4  }
0x9e: {  	[timem:s8], [sflag:s22] =	dma.local [hbm:s6], s20  }
0x9f: {  	_ =	swait.ge [sflag:s22], s20  }
0xa0: {  	s5 =	ssub.s32 $0x0, s20;
	[sflag:s22] =	ssyncset.done $0x0  }
0xa1: {  	[sflag:s22] =	ssyncadd.s32 s5;
	_ =	sdelay $0x1  }
0xa2: {  	s23 =	simm.s32 $0x1B8B  }
0xa3: {  	_ =	swait.ge [sflag:s23], $0x1  }
0xa4: {  	[sflag:s23] =	ssyncset.done $0x0  }
0xa5: {  	s25 =	simm.s32 $0x1B8E;
	s24 =	sld [smem:$0x3FFE];
	[sflag:s23] =	ssyncadd.s32 $0xFFFFFFFF  }
0xa6: {  	s26 =	simm.s32 $execute0_lowered;
	[smem:$0x3FD2] =	sst s25  }
0xa7: {  	s6 =	sshll.u32 s26, $0x1;
	_ =	strace $0x80000046;
	[dreg:$0x1] =	wrdreg $0xFFFFFFFF  }
0xa8: {  	s28 =	simm.s32 $_size_execute0_lowered;
	s4 =	sadd.s32 s4, s6;
	[dreg:$0x0] =	wrdreg $0x0  }
0xa9: {  	s6 =	sshll.u32 s28, $0x1;
	[dreg:$0x2] =	wrdreg s4  }
0xaa: {  	[dreg:$0x3] =	wrdreg s6  }
0xab: {  	[dreg:$0x4] =	wrdreg $0xC0  }
0xac: {  	_ =	task [dreg:s8], $0x5FFFF  }
0xad: {  	[dreg:$0x1] =	wrdreg $0xFFFFFFFF  }
0xae: {  	[dreg:$0x0] =	wrdreg $0x60  }
0xaf: {  	[dreg:$0x2] =	wrdreg s2  }
0xb0: {  	[dreg:$0x3] =	wrdreg s24  }
0xb1: {  	[dreg:$0x4] =	wrdreg s18  }
0xb2: {  	[dreg:$0x5] =	wrdreg $0x19A000  }
0xb3: {  	[dreg:$0x6] =	wrdreg $0x19B000  }
0xb4: {  	[dreg:$0x7] =	wrdreg $0x9  }
0xb5: {  	_ =	task.clear_ibuf [dreg:s8], $0x8FFFF;
	_ =	strace $0x90000046  }
0xb6: {  	s29 =	simm.s32 $0x9;
	_ =	strace $0x80000048  }
0xb7: {  	_ =	swait.ge [sflag:s29], $0x1  }
0xb8: {  	[sflag:s29] =	ssyncadd.s32 $0xFFFFFFFF  }
0xb9: {  	_ =	strace $0x90000048  }
0xba: {  	_ =	sfence  }
0xbb: {  	s30 =	sld [smem:$0x0];
	_ =	sdelay $0x2  }
0xbc: {  	s31 =	sshll.u32 s1, $0xD;
	s1 =	sshrl.u32 s1, $0x2  }
0xbd: {  	s3 =	sand.u32 $0x4000, s31;
	s1 =	sadd.s32 s1, s30  }
0xbe: {  	s0 =	sor.u32 s3, s0;
	s1 =	sshll.u32 s1, $0x11  }
0xbf: {  	s0 =	sor.u32 s1, s0  }
0xc0: {  	s0 =	sadd.s32 $0x8F2B, s0  }
0xc1: {  	[sflag:s0] =	ssyncadd.remote.s32 $0x1  }
0xc2: {  	_ =	sfence.sel $0xFFFF  }
0xc3: {  	[dreg:$0x0] =	wrdreg $0xFFFFFFFF;
	(pc) =	sbr.abs _section_cstart, $3  }
0xc4: {  	[dreg:$0x1] =	wrdreg $0xFFFFFFFF  }
0xc5: {  	_ =	task.clear_ibuf [dreg:s8], $0x2FFFF;
	_ =	strace $0x9FFFFFFF  }
0xc6: {  	(tm) =	ssettm $0x7FFFFFFF  }
0xc7: {  	_ =	shalt  }
tec
execute0_lowered:
.L_overlay_start_1:
0x0: {  	(tag) =	ssettag $0x1  }
0x1: {  	s11 =	rddreg [dreg:$0x0]  }
0x2: {  	s0 =	rddreg [dreg:$0x1]  }
0x3: {  	s1 =	rddreg [dreg:$0x2]  }
0x4: {  	s2 =	rddreg [dreg:$0x3]  }
0x5: {  	s17 =	rddreg [dreg:$0x4];
	s4 =	simm.s32 $0x0;
	s3 =	srdreg.scid  }
0x6: {  	s13 =	stileid.u32;
	s30 =	simm.s32 $0x1;
	s31 =	simm.s32 $0x50  }
0x7: {  	[smem:$0x7FF] =	sst s4;
	s3 =	sand.u32 $0x1, s3;
	s26 =	smul.u32 $0x32, s13  }
0x8: {  	s0 =	sadd.s32 $0x400, s0;
	s6 =	sshll.u32 s13, $0x8;
	s7 =	smul.u32 $0xC800, s13  }
0x9: {  	s8 =	sor.u32 $0x10, s13;
	s12 =	sshll.u32 s13, $0x2;
	s9 =	sor.u32 $0x20, s13  }
0xa: {  	s15 =	sshll.u32 s13, $0x9;
	p0 =	sne.s32 s13, $0x0;
	s28 =	smul.u32 $0x32, s8  }
0xb: {  	p1 =	sgt.u32 s13, $0x9;
	_ =	strace $0x80000047;
	s8 =	smul.u32 $0xC800, s8  }
0xc: {  	s25 =	ssub.s32 $0x2, s3;
	s3 =	sshll.u32 s3, $0x6;
	s10 =	smul.u32 $0xC800, s9  }
0xd: {  	s18 =	sadd.s32 s6, s2;
	s9 =	smul.u32 $0x32, s9;
	s5 =	sshrl.u32 s25, $0x1  }
0xe: {  	s7 =	sor.u32 s3, s7;
	s19 =	sadd.s32 s0, s26;
	s20 =	sor.u32 s3, s15  }
0xf: {  	s15 =	sor.u32 $0x2, s12;
	[dreg:$0x6] =	wrdreg s18;
	s4 =	ssub.s32 s25, s5  }
0x10: {  	s29 =	sshrl.u32 s7, $0x3;
	s6 =	sadd.s32 s0, s28;
	s8 =	sor.u32 s3, s8  }
0x11: {  	s10 =	sor.u32 s3, s10;
	s0 =	sadd.s32 s0, s9;
	s21 =	sadd.s32 $0x258000, s7  }
0x12: {  	s23 =	sadd.s32 $0x4B0000, s7;
	s25 =	sadd.s32 $0x3E8000, s7;
	[dreg:$0x7] =	wrdreg s19  }
0x13: {  	s26 =	sadd.s32 $0x960, s19;
	s19 =	simm.s32 $0x9;
	s9 =	simm.s32 $0x11E40  }
0x14: {  	s5 =	sadd.s32 s11, s29;
	[dreg:$0x9] =	wrdreg s6;
	s14 =	sshrl.u32 s10, $0x3  }
0x15: {  	[dreg:$0xb] =	wrdreg s0;
	s0 =	sshrl.u32 s20, $0x3;
	s22 =	smax.u32 s4, $0x1  }
0x16: {  	s24 =	sshrl.u32 s23, $0x3;
	[dreg:$0x10] =	wrdreg s26;
	s28 =	sshrl.u32 s25, $0x3  }
0x17: {  	s29 =	sadd.s32 $0x320000, s7;
	s25 =	simm.s32 $0x80;
	s7 =	simm.s32 $0x19640  }
0x18: {  	s6 =	simm.s32 $0xBA40;
	s23 =	simm.s32 $0x5;
	s4 =	simm.s32 $0xF640  }
0x19: {  	s20 =	simm.s32 $0x10A40;
	s10 =	simm.s32 $0x6;
	[dreg:$0x8] =	wrdreg s5  }
0x1a: {  	s5 =	sshrl.u32 s8, $0x3;
	s16 =	sadd.s32 s11, s14;
	[dreg:$0xe] =	wrdreg s22  }
0x1b: {  	s14 =	sor.u32 $0x1, s12;
	s0 =	sadd.s32 s1, s0;
	[dreg:$0x13] =	wrdreg s29  }
0x1c: {  	s22 =	simm.s32 $0x3;
	s1 =	simm.s32 $0xE240;
	s8 =	simm.s32 $0x460  }
0x1d: {  	v1 =	vmov s12;
	s12 =	simm.s32 $0x7;
	s5 =	sadd.s32 s11, s5;
	[dreg:$0xc] =	wrdreg s16  }
0x1e: {  	s16 =	sshllo.u32 s13, $0x2;
	[dreg:$0xd] =	wrdreg s0;
	s0 =	sshrl.u32 s21, $0x3  }
.Ltmp0:
0x1f: {  	s13 =	simm.s32 $0x2;
	s21 =	simm.s32 $0x370;
	(pc) =	sbr.rel .LBB2_1-.Ltmp0, $4  }
0x20: {  	v3 =	vlaneseq.u32;
	v5 =	vimm.f32 $0.0e+00;
	v2 =	vmov s14;
	s14 =	simm.s32 $0x0;
	[dreg:$0xa] =	wrdreg s5;
	s0 =	sadd.s32 s0, s11  }
0x21: {  	v9 =	vimm.f32 $1.000000000e+00;
	v6 =	vor.u32 $0x10, v3;
	v7 =	vor.u32 $0x20, v3;
	s5 =	simm.s32 $0x3C0;
	[dreg:$0xf] =	wrdreg s0;
	s0 =	sadd.s32 s24, s11  }
0x22: {  	v8 =	vor.u32 $0x30, v3;
	v1 =	vbroadcast v1, $0x0;
	v4 =	vmov s15;
	s24 =	simm.s32 $0x40;
	[dreg:$0x11] =	wrdreg s0;
	s0 =	sadd.s32 s28, s11  }
0x23: {  	v4 =	vbroadcast v4, $0x0;
	v0 =	vmov s16;
	v2 =	vbroadcast v2, $0x0;
	s11 =	simm.s32 $0x4;
	[dreg:$0x12] =	wrdreg s0;
	s0 =	simm.s32 $0x410  }
.LBB2_5:
0x24: {  	s14 =	simm.s32 @!p1 $0x8  }
0x25: {  	_ =	swait.ge @!p1 [sflag:s14], $0x1400  }
0x26: {  	[sflag:s14] =	ssyncset.done @!p1 $0x0  }
0x27: {  	[sflag:s14] =	ssyncadd.s32 @!p1 $0xFFFFEC00  }
0x28: {  	_ =	swait.ge @!p1 [sflag:s14], $0x1400  }
0x29: {  	[sflag:s14] =	ssyncset.done @!p1 $0x0  }
0x2a: {  	[sflag:s14] =	ssyncadd.s32 @!p1 $0xFFFFEC00  }
0x2b: {  	_ =	swait.ge @!p1 [sflag:s14], $0x1400  }
0x2c: {  	[sflag:s14] =	ssyncset.done @!p1 $0x0  }
0x2d: {  	[sflag:s14] =	ssyncadd.s32 @!p1 $0xFFFFEC00  }
0x2e: {  	_ =	swait.ge @!p1 [sflag:s14], $0x1400  }
0x2f: {  	[sflag:s14] =	ssyncset.done @!p1 $0x0  }
0x30: {  	[sflag:s14] =	ssyncadd.s32 @!p1 $0xFFFFEC00  }
0x31: {  	_ =	swait.ge @!p1 [sflag:s14], $0x1400  }
0x32: {  	[sflag:s14] =	ssyncset.done @!p1 $0x0  }
0x33: {  	s24 =	simm.s32 $0x40;
	[sflag:s14] =	ssyncadd.s32 @!p1 $0xFFFFEC00  }
0x34: {  	s3 =	simm.s32 $0x19680;
	s19 =	simm.s32 $0x9;
	s17 =	rddreg [dreg:$0x4]  }
0x35: {  	[spmem:s17] =	stream.indirect.scatter.add.f32 [tilespmem:s7], [sflag:$0x9], $0x1, s3, s24, $0xb8;
	[tilespmem:$0x19B08] =	vst v63  }
0x36: {  	_ =	swait.ge [sflag:s19], $0x40  }
0x37: {  	[sflag:s19] =	ssyncset.done $0x0  }
0x38: {  	[sflag:s19] =	ssyncadd.s32 $0xFFFFFFC0  }
0x39: {  	[bflag:$0x0] =	sbarrier.arrive $0xFFFF  }
0x3a: {  	s14 =	simm.s32 $0x197C0;
	s18 =	rddreg [dreg:$0x6]  }
0x3b: {  	[tilespmem:s14], [sflag:$0x9] =	stream.linear.gather [spmem:s18], $0x100, $0x38;
	[tilespmem:$0x19B08] =	vst v63  }
0x3c: {  	_ =	swait.ge [sflag:s19], $0x100  }
0x3d: {  	[sflag:s19] =	ssyncset.done $0x0  }
0x3e: {  	s15 =	simm.s32 $0x198C0;
	[sflag:s19] =	ssyncadd.s32 $0xFFFFFF00  }
0x3f: {  	[tilespmem:s15], [sflag:$0x9] =	stream.linear.gather [spmem:s17], $0x40, $0x38;
	[tilespmem:$0x19B08] =	vst v63  }
0x40: {  	_ =	swait.ge [sflag:s19], $0x40  }
0x41: {  	[sflag:s19] =	ssyncset.done $0x0  }
0x42: {  	[sflag:s19] =	ssyncadd.s32 $0xFFFFFFC0  }
0x43: {  	v10 =	vld.idx.msk [tilespmem:v1+s15+$0x0], $0xffff;
	_ =	sdelay $0x4  }
0x44: {  	(erf) = vrcp.f32 v10;
	_ =	sdelay $0x4  }
0x45: {  	v10 =	vld [tilespmem:$0x197C0]  }
0x46: {  	v11 =	vld [tilespmem:$0x197D0]  }
0x47: {  	v12 =	vld [tilespmem:$0x197E0]  }
0x48: {  	v13 =	vld [tilespmem:$0x197F0]  }
0x49: {  	v14 =	vpop (erf)  }
0x4a: {  	v10 =	vmul.f32 v14, v10  }
0x4b: {  	v11 =	vmul.f32 v11, v14  }
0x4c: {  	[tilespmem:$0x19900] =	vst v10;
	v10 =	vmul.f32 v12, v14  }
0x4d: {  	[tilespmem:$0x19910] =	vst v11;
	v11 =	vmul.f32 v13, v14  }
0x4e: {  	[tilespmem:$0x19920] =	vst v10  }
0x4f: {  	[tilespmem:$0x19930] =	vst v11  }
0x50: {  	v10 =	vld.idx.msk [tilespmem:v2+s15+$0x0], $0xffff;
	_ =	sdelay $0x4  }
0x51: {  	(erf) = vrcp.f32 v10;
	_ =	sdelay $0x4  }
0x52: {  	v10 =	vld [tilespmem:$0x19800]  }
0x53: {  	v11 =	vld [tilespmem:$0x19810]  }
0x54: {  	v55 =	vld [tilespmem:$0x19820]  }
0x55: {  	v56 =	vld [tilespmem:$0x19830]  }
0x56: {  	v57 =	vpop (erf)  }
0x57: {  	v10 =	vmul.f32 v57, v10  }
0x58: {  	v11 =	vmul.f32 v11, v57  }
0x59: {  	[tilespmem:$0x19940] =	vst v10;
	v10 =	vmul.f32 v55, v57  }
0x5a: {  	[tilespmem:$0x19950] =	vst v11;
	v11 =	vmul.f32 v56, v57  }
0x5b: {  	[tilespmem:$0x19960] =	vst v10  }
0x5c: {  	[tilespmem:$0x19970] =	vst v11  }
0x5d: {  	v10 =	vld.idx.msk [tilespmem:v4+s15+$0x0], $0xffff;
	_ =	sdelay $0x4  }
0x5e: {  	(erf) = vrcp.f32 v10;
	_ =	sdelay $0x4  }
0x5f: {  	v10 =	vld [tilespmem:$0x19840]  }
0x60: {  	v11 =	vld [tilespmem:$0x19850]  }
0x61: {  	v58 =	vld [tilespmem:$0x19860]  }
0x62: {  	v59 =	vld [tilespmem:$0x19870]  }
0x63: {  	v60 =	vpop (erf)  }
0x64: {  	v10 =	vmul.f32 v60, v10  }
0x65: {  	v11 =	vmul.f32 v11, v60  }
0x66: {  	[tilespmem:$0x19980] =	vst v10;
	v10 =	vmul.f32 v58, v60  }
0x67: {  	[tilespmem:$0x19990] =	vst v11;
	v11 =	vmul.f32 v59, v60  }
0x68: {  	[tilespmem:$0x199A0] =	vst v10  }
0x69: {  	[tilespmem:$0x199B0] =	vst v11  }
0x6a: {  	v10 =	vld.idx.msk [tilespmem:v0+s15+$0x0], $0xffff;
	_ =	sdelay $0x4  }
0x6b: {  	(erf) = vrcp.f32 v10;
	_ =	sdelay $0x4  }
0x6c: {  	v10 =	vld [tilespmem:$0x19880]  }
0x6d: {  	v11 =	vld [tilespmem:$0x19890]  }
0x6e: {  	v61 =	vld [tilespmem:$0x198A0]  }
0x6f: {  	v62 =	vld [tilespmem:$0x198B0]  }
0x70: {  	v63 =	vpop (erf)  }
0x71: {  	v10 =	vmul.f32 v63, v10  }
0x72: {  	v11 =	vmul.f32 v11, v63  }
0x73: {  	[tilespmem:$0x199C0] =	vst v10;
	v10 =	vmul.f32 v61, v63  }
0x74: {  	[tilespmem:$0x199D0] =	vst v11;
	v11 =	vmul.f32 v62, v63  }
0x75: {  	[tilespmem:$0x199E0] =	vst v10  }
0x76: {  	s25 =	simm.s32 $0x80;
	s26 =	simm.s32 $0x19900;
	s16 =	rddreg [dreg:$0xd];
	[tilespmem:$0x199F0] =	vst v11  }
0x77: {  	[hbm4b:s16+s24] =	stream.strided.scatter [tilespmem:s26], [sflag:$0x9], $0x100, s25, s24, $0x38;
	[tilespmem:$0x19B08] =	vst v63  }
0x78: {  	_ =	swait.ge [sflag:s19], $0x100  }
0x79: {  	s28 =	rddreg [dreg:$0x14]  }
0x7a: {  	s29 =	rddreg [dreg:$0xe];
	s14 =	sadd.s32 $0x1, s28  }
0x7b: {  	p2 =	sne.s32 s14, s29  }
.Ltmp1:
0x7c: {  	_ = 	snop;
	(pc) =	sbr.rel @!p2 .LBB2_6-.Ltmp1, $3  }
0x7d: {  	_ =	sdelay $0x1  }
0x7e: {  	[sflag:s19] =	ssyncset.done $0x0  }
0x7f: {  	[sflag:s19] =	ssyncadd.s32 $0xFFFFFF00  }
.LBB2_1:
0x80: {  	[tilespmem:$0x196C0] =	vst v5  }
0x81: {  	[tilespmem:$0x196D0] =	vst v5  }
0x82: {  	[tilespmem:$0x196E0] =	vst v5  }
0x83: {  	[tilespmem:$0x196F0] =	vst v5  }
0x84: {  	[tilespmem:$0x19700] =	vst v5  }
0x85: {  	[tilespmem:$0x19710] =	vst v5  }
0x86: {  	[tilespmem:$0x19720] =	vst v5  }
0x87: {  	[tilespmem:$0x19730] =	vst v5  }
0x88: {  	[tilespmem:$0x19740] =	vst v5  }
0x89: {  	[tilespmem:$0x19750] =	vst v5  }
0x8a: {  	[tilespmem:$0x19760] =	vst v5  }
0x8b: {  	[tilespmem:$0x19770] =	vst v5  }
0x8c: {  	[tilespmem:$0x19780] =	vst v5  }
0x8d: {  	[tilespmem:$0x19790] =	vst v5  }
0x8e: {  	[tilespmem:$0x197A0] =	vst v5  }
0x8f: {  	[tilespmem:$0x197B0] =	vst v5  }
0x90: {  	[tilespmem:$0x19640] =	vst v5  }
0x91: {  	[tilespmem:$0x19680] =	vst v3  }
0x92: {  	[tilespmem:$0x19650] =	vst v5  }
0x93: {  	[tilespmem:$0x19690] =	vst v6  }
0x94: {  	[tilespmem:$0x19660] =	vst v5  }
0x95: {  	[tilespmem:$0x196A0] =	vst v7  }
0x96: {  	[tilespmem:$0x19670] =	vst v5  }
0x97: {  	[dreg:$0x14] =	wrdreg s14;
	[tilespmem:$0x196B0] =	vst v8;
	s3 =	simm.s32 $0x196C0  }
0x98: {  	[spmem:s18] =	stream.linear.scatter [tilespmem:s3], [sflag:$0x9], $0x100, $0x38;
	[tilespmem:$0x19B08] =	vst v63  }
0x99: {  	_ =	swait.ge [sflag:s19], $0x100  }
0x9a: {  	[sflag:s19] =	ssyncset.done $0x0  }
0x9b: {  	s14 =	simm.s32 @!p0 $0x196C0;
	[sflag:s19] =	ssyncadd.s32 $0xFFFFFF00  }
0x9c: {  	[spmem:s17] =	stream.linear.scatter @!p0 [tilespmem:s14], [sflag:$0x9], $0x40, $0x38;
	[tilespmem:$0x19B08] =	vst v63  }
0x9d: {  	s14 =	simm.s32 @!p0 $0x9  }
0x9e: {  	_ =	swait.ge @!p0 [sflag:s14], $0x40  }
0x9f: {  	[sflag:s14] =	ssyncset.done @!p0 $0x0  }
0xa0: {  	[sflag:s14] =	ssyncadd.s32 @!p0 $0xFFFFFFC0  }
0xa1: {  	[bflag:$0x0] =	sbarrier.arrive $0xFFFF  }
0xa2: {  	s28 =	rddreg [dreg:$0x7]  }
0xa3: {  	s29 =	rddreg [dreg:$0x8]  }
0xa4: {  	s14 =	simm.s32 $0x0;
	s16 =	rddreg [dreg:$0x9]  }
0xa5: {  	[tilespmem:s14], [sflag:$0x1] =	stream.linear.gather [hbm4b:s28+s14], $0x190, $0x38;
	[tilespmem:$0x19B08] =	vst v63  }
0xa6: {  	s15 =	simm.s32 $0x640;
	s18 =	rddreg [dreg:$0xa]  }
0xa7: {  	[tilespmem:s15], [sflag:$0x1] =	stream.strided.gather [hbm4b:s29+s24], $0x6400, s25, s24, $0x38;
	[tilespmem:$0x19B08] =	vst v63  }
0xa8: {  	s17 =	simm.s32 $0x190;
	s26 =	rddreg [dreg:$0xb]  }
0xa9: {  	[tilespmem:s17], [sflag:$0x2] =	stream.linear.gather [hbm4b:s16+s14], $0x190, $0x38;
	[tilespmem:$0x19B08] =	vst v63  }
0xaa: {  	s19 =	simm.s32 $0x6A40;
	s28 =	rddreg [dreg:$0xc]  }
0xab: {  	[tilespmem:s19], [sflag:$0x2] =	stream.strided.gather [hbm4b:s18+s24], $0x6400, s25, s24, $0x38;
	[tilespmem:$0x19B08] =	vst v63  }
0xac: {  	s15 =	rddreg [dreg:$0x12];
	s16 =	simm.s32 $0x320  }
0xad: {  	[tilespmem:s16], [sflag:$0x3] =	stream.linear.gather [hbm4b:s26+s14], $0x190, $0x38;
	[tilespmem:$0x19B08] =	vst v63  }
.Ltmp2:
0xae: {  	s17 =	rddreg [dreg:$0xf];
	(pc) =	sbr.rel .LBB2_2-.Ltmp2, $4  }
0xaf: {  	s14 =	rddreg [dreg:$0x13]  }
0xb0: {  	s29 =	simm.s32 $0xCE40;
	s16 =	rddreg [dreg:$0x11]  }
0xb1: {  	[tilespmem:s29], [sflag:$0x3] =	stream.strided.gather [hbm4b:s28+s24], $0x6400, s25, s24, $0x38;
	[tilespmem:$0x19B08] =	vst v63  }
0xb2: {  	s3 =	simm.s32 $0x0;
	s24 =	rddreg [dreg:$0x10];
	s25 =	simm.s32 $0x0  }
.LBB2_4:
0xb3: {  	_ =	swait.ge [sflag:s12], $0x1400  }
0xb4: {  	[sflag:s12] =	ssyncset.done $0x0  }
0xb5: {  	[sflag:s12] =	ssyncadd.s32 $0xFFFFEC00  }
0xb6: {  	_ =	swait.ge [sflag:s12], $0x1400  }
0xb7: {  	[sflag:s12] =	ssyncset.done $0x0  }
0xb8: {  	[sflag:s12] =	ssyncadd.s32 $0xFFFFEC00  }
0xb9: {  	_ =	swait.ge [sflag:s12], $0x1400  }
0xba: {  	[sflag:s12] =	ssyncset.done $0x0  }
0xbb: {  	[sflag:s12] =	ssyncadd.s32 $0xFFFFEC00  }
0xbc: {  	_ =	swait.ge [sflag:s12], $0x1400  }
0xbd: {  	[sflag:s12] =	ssyncset.done $0x0  }
0xbe: {  	s18 =	sadd.s32 $0x60, s18;
	[sflag:s12] =	ssyncadd.s32 $0xFFFFEC00  }
0xbf: {  	p2 =	sgt.u32 s18, $0xF9;
	_ =	swait.ge [sflag:s12], $0x1400  }
0xc0: {  	s25 =	sadd.s32 $0x40, s25;
	s18 =	sadd.s32 @!p2 $0x960, s24;
	[sflag:s12] =	ssyncset.done $0x0  }
0xc1: {  	s19 =	simm.s32 @!p2 $0x0;
	s26 =	simm.s32 @!p2 $0x320;
	[sflag:s12] =	ssyncadd.s32 $0xFFFFEC00  }
0xc2: {  	[tilespmem:s26], [sflag:$0x3] =	stream.linear.gather @!p2 [hbm4b:s18+s19], $0x190, $0x38;
	[tilespmem:$0x19B08] =	vst v63  }
0xc3: {  	s18 =	simm.s32 @!p2 $0x40;
	s19 =	simm.s32 @!p2 $0x80;
	s26 =	simm.s32 @!p2 $0xCE40  }
0xc4: {  	[tilespmem:s26], [sflag:$0x3] =	stream.strided.gather @!p2 [hbm4b:s16+s18], $0x6400, s19, s18, $0x38;
	[tilespmem:$0x19B08] =	vst v63  }
0xc5: {  	p2 =	sne.s32 s25, $0x100  }
.Ltmp3:
0xc6: {  	_ = 	snop;
	(pc) =	sbr.rel @!p2 .LBB2_5-.Ltmp3, $3  }
0xc7: {  	_ =	sdelay $0x1  }
0xc8: {  	s17 =	sadd.s32 $0x64000, s17;
	s15 =	sadd.s32 $0x64000, s15  }
0xc9: {  	s14 =	sadd.s32 $0x320000, s14;
	s24 =	sadd.s32 $0xC80, s24;
	s16 =	sadd.s32 $0x64000, s16  }
.LBB2_2:
0xca: {  	_ =	swait.ge [sflag:s30], $0x190  }
0xcb: {  	[sflag:s30] =	ssyncset.done $0x0  }
0xcc: {  	[sflag:s30] =	ssyncadd.s32 $0xFFFFFE70  }
0xcd: {  	_ =	swait.ge [sflag:s30], $0x6400  }
0xce: {  	[sflag:s30] =	ssyncset.done $0x0  }
0xcf: {  	s18 =	simm.s32 $0x640;
	[sflag:s30] =	ssyncadd.s32 $0xFFFF9C00  }
0xd0: {  	[spmem:s2] =	stream.indirect.scatter.add.f32 [tilespmem:s18], [sflag:$0x5], $0x40, s3, s31, $0xb8;
	[tilespmem:$0x19B08] =	vst v63  }
0xd1: {  	s28 =	simm.s32 $0x1A40  }
0xd2: {  	[spmem:s2] =	stream.indirect.scatter.add.f32 [tilespmem:s28], [sflag:$0x5], $0x40, s31, s31, $0xb8;
	[tilespmem:$0x19B08] =	vst v63  }
0xd3: {  	s29 =	simm.s32 $0xA0;
	s19 =	simm.s32 $0x2E40  }
0xd4: {  	[spmem:s2] =	stream.indirect.scatter.add.f32 [tilespmem:s19], [sflag:$0x5], $0x40, s29, s31, $0xb8;
	[tilespmem:$0x19B08] =	vst v63  }
0xd5: {  	s26 =	simm.s32 $0x4240;
	s19 =	simm.s32 $0xF0  }
0xd6: {  	[spmem:s2] =	stream.indirect.scatter.add.f32 [tilespmem:s26], [sflag:$0x5], $0x40, s19, s31, $0xb8;
	[tilespmem:$0x19B08] =	vst v63  }
0xd7: {  	s28 =	simm.s32 $0x140;
	s29 =	simm.s32 $0x5640  }
0xd8: {  	[spmem:s2] =	stream.indirect.scatter.add.f32 [tilespmem:s29], [sflag:$0x5], $0x40, s28, s31, $0xb8;
	[tilespmem:$0x19B08] =	vst v63  }
0xd9: {  	v10 =	vld [tilespmem:$0x0];
	_ =	sdelay $0x7  }
0xda: {  	[tilespmem:v10+s7+$0x0] =	vst.idx.add.f32.msk $0xffff, v9  }
0xdb: {  	v10 =	vld [tilespmem:$0x10];
	_ =	sdelay $0x7  }
0xdc: {  	[tilespmem:v10+s7+$0x0] =	vst.idx.add.f32.msk $0xffff, v9  }
0xdd: {  	v10 =	vld [tilespmem:$0x20];
	_ =	sdelay $0x7  }
0xde: {  	[tilespmem:v10+s7+$0x0] =	vst.idx.add.f32.msk $0xffff, v9  }
0xdf: {  	v10 =	vld [tilespmem:$0x30];
	_ =	sdelay $0x7  }
0xe0: {  	[tilespmem:v10+s7+$0x0] =	vst.idx.add.f32.msk $0xffff, v9  }
0xe1: {  	v10 =	vld [tilespmem:$0x40];
	_ =	sdelay $0x7  }
0xe2: {  	[tilespmem:v10+s7+$0x0] =	vst.idx.add.f32.msk $0xffff, v9  }
0xe3: {  	v10 =	vld [tilespmem:$0x50];
	_ =	sdelay $0x7  }
0xe4: {  	[tilespmem:v10+s7+$0x0] =	vst.idx.add.f32.msk $0xffff, v9  }
0xe5: {  	v10 =	vld [tilespmem:$0x60];
	_ =	sdelay $0x7  }
0xe6: {  	[tilespmem:v10+s7+$0x0] =	vst.idx.add.f32.msk $0xffff, v9  }
0xe7: {  	v10 =	vld [tilespmem:$0x70];
	_ =	sdelay $0x7  }
0xe8: {  	[tilespmem:v10+s7+$0x0] =	vst.idx.add.f32.msk $0xffff, v9  }
0xe9: {  	v10 =	vld [tilespmem:$0x80];
	_ =	sdelay $0x7  }
0xea: {  	[tilespmem:v10+s7+$0x0] =	vst.idx.add.f32.msk $0xffff, v9  }
0xeb: {  	v10 =	vld [tilespmem:$0x90];
	_ =	sdelay $0x7  }
0xec: {  	[tilespmem:v10+s7+$0x0] =	vst.idx.add.f32.msk $0xffff, v9  }
0xed: {  	v10 =	vld [tilespmem:$0xA0];
	_ =	sdelay $0x7  }
0xee: {  	[tilespmem:v10+s7+$0x0] =	vst.idx.add.f32.msk $0xffff, v9  }
0xef: {  	v10 =	vld [tilespmem:$0xB0];
	_ =	sdelay $0x7  }
0xf0: {  	[tilespmem:v10+s7+$0x0] =	vst.idx.add.f32.msk $0xffff, v9  }
0xf1: {  	v10 =	vld [tilespmem:$0xC0];
	_ =	sdelay $0x7  }
0xf2: {  	[tilespmem:v10+s7+$0x0] =	vst.idx.add.f32.msk $0xffff, v9  }
0xf3: {  	v10 =	vld [tilespmem:$0xD0];
	_ =	sdelay $0x7  }
0xf4: {  	[tilespmem:v10+s7+$0x0] =	vst.idx.add.f32.msk $0xffff, v9  }
0xf5: {  	v10 =	vld [tilespmem:$0xE0];
	_ =	sdelay $0x7  }
0xf6: {  	[tilespmem:v10+s7+$0x0] =	vst.idx.add.f32.msk $0xffff, v9  }
0xf7: {  	v10 =	vld [tilespmem:$0xF0];
	_ =	sdelay $0x7  }
0xf8: {  	[tilespmem:v10+s7+$0x0] =	vst.idx.add.f32.msk $0xffff, v9  }
0xf9: {  	v10 =	vld [tilespmem:$0x100];
	_ =	sdelay $0x7  }
0xfa: {  	[tilespmem:v10+s7+$0x0] =	vst.idx.add.f32.msk $0xffff, v9  }
0xfb: {  	v10 =	vld [tilespmem:$0x110];
	_ =	sdelay $0x7  }
0xfc: {  	[tilespmem:v10+s7+$0x0] =	vst.idx.add.f32.msk $0xffff, v9  }
0xfd: {  	v10 =	vld [tilespmem:$0x120];
	_ =	sdelay $0x7  }
0xfe: {  	[tilespmem:v10+s7+$0x0] =	vst.idx.add.f32.msk $0xffff, v9  }
0xff: {  	v10 =	vld [tilespmem:$0x130];
	_ =	sdelay $0x7  }
0x100: {  	[tilespmem:v10+s7+$0x0] =	vst.idx.add.f32.msk $0xffff, v9  }
0x101: {  	v10 =	vld [tilespmem:$0x140];
	_ =	sdelay $0x7  }
0x102: {  	[tilespmem:v10+s7+$0x0] =	vst.idx.add.f32.msk $0xffff, v9  }
0x103: {  	v10 =	vld [tilespmem:$0x150];
	_ =	sdelay $0x7  }
0x104: {  	[tilespmem:v10+s7+$0x0] =	vst.idx.add.f32.msk $0xffff, v9  }
0x105: {  	v10 =	vld [tilespmem:$0x160];
	_ =	sdelay $0x7  }
0x106: {  	[tilespmem:v10+s7+$0x0] =	vst.idx.add.f32.msk $0xffff, v9  }
0x107: {  	v10 =	vld [tilespmem:$0x170];
	_ =	sdelay $0x7  }
0x108: {  	[tilespmem:v10+s7+$0x0] =	vst.idx.add.f32.msk $0xffff, v9  }
0x109: {  	v10 =	vld [tilespmem:$0x180];
	_ =	sdelay $0x6  }
0x10a: {  	p3 =	seq.s32 s25, $0x0  }
0x10b: {  	s26 =	simm.s32 @!p3 $0x8;
	[tilespmem:v10+s7+$0x0] =	vst.idx.add.f32.msk $0xffff, v9  }
0x10c: {  	_ =	swait.ge @!p3 [sflag:s26], $0x1400  }
0x10d: {  	[sflag:s26] =	ssyncset.done @!p3 $0x0  }
0x10e: {  	[sflag:s26] =	ssyncadd.s32 @!p3 $0xFFFFEC00  }
0x10f: {  	_ =	swait.ge @!p3 [sflag:s26], $0x1400  }
0x110: {  	[sflag:s26] =	ssyncset.done @!p3 $0x0  }
0x111: {  	[sflag:s26] =	ssyncadd.s32 @!p3 $0xFFFFEC00  }
0x112: {  	_ =	swait.ge @!p3 [sflag:s26], $0x1400  }
0x113: {  	[sflag:s26] =	ssyncset.done @!p3 $0x0  }
0x114: {  	[sflag:s26] =	ssyncadd.s32 @!p3 $0xFFFFEC00  }
0x115: {  	_ =	swait.ge @!p3 [sflag:s26], $0x1400  }
0x116: {  	s19 =	stileid.u32;
	[sflag:s26] =	ssyncset.done @!p3 $0x0  }
0x117: {  	s18 =	sadd.s32 s25, s19;
	[sflag:s26] =	ssyncadd.s32 @!p3 $0xFFFFEC00  }
0x118: {  	s28 =	sadd.s32 $0x30, s18;
	_ =	swait.ge @!p3 [sflag:s26], $0x1400  }
0x119: {  	p2 =	sgt.u32 s28, $0xF9;
	[sflag:s26] =	ssyncset.done @!p3 $0x0  }
0x11a: {  	s28 =	simm.s32 @!p2 $0x4B0;
	[sflag:s26] =	ssyncadd.s32 @!p3 $0xFFFFEC00;
	s26 =	simm.s32 @!p2 $0x0  }
0x11b: {  	[tilespmem:s28], [sflag:$0x4] =	stream.linear.gather @!p2 [hbm4b:s24+s26], $0x190, $0x38;
	[tilespmem:$0x19B08] =	vst v63  }
0x11c: {  	s19 =	simm.s32 @!p2 $0x13240;
	s26 =	simm.s32 @!p2 $0x40;
	s28 =	simm.s32 @!p2 $0x80  }
0x11d: {  	[tilespmem:s19], [sflag:$0x4] =	stream.strided.gather @!p2 [hbm4b:s17+s26], $0x6400, s28, s26, $0x38;
	[tilespmem:$0x19B08] =	vst v63  }
0x11e: {  	_ =	swait.ge [sflag:s13], $0x190  }
0x11f: {  	[sflag:s13] =	ssyncset.done $0x0  }
0x120: {  	[sflag:s13] =	ssyncadd.s32 $0xFFFFFE70  }
0x121: {  	_ =	swait.ge [sflag:s13], $0x6400  }
0x122: {  	[sflag:s13] =	ssyncset.done $0x0  }
0x123: {  	s29 =	simm.s32 $0x6A40;
	s28 =	simm.s32 $0x190;
	[sflag:s13] =	ssyncadd.s32 $0xFFFF9C00  }
0x124: {  	[spmem:s2] =	stream.indirect.scatter.add.f32 [tilespmem:s29], [sflag:$0x6], $0x40, s28, s31, $0xb8;
	[tilespmem:$0x19B08] =	vst v63  }
0x125: {  	s28 =	simm.s32 $0x1E0;
	s29 =	simm.s32 $0x7E40  }
0x126: {  	[spmem:s2] =	stream.indirect.scatter.add.f32 [tilespmem:s29], [sflag:$0x6], $0x40, s28, s31, $0xb8;
	[tilespmem:$0x19B08] =	vst v63  }
0x127: {  	s28 =	simm.s32 $0x230;
	s29 =	simm.s32 $0x9240  }
0x128: {  	[spmem:s2] =	stream.indirect.scatter.add.f32 [tilespmem:s29], [sflag:$0x6], $0x40, s28, s31, $0xb8;
	[tilespmem:$0x19B08] =	vst v63  }
0x129: {  	s28 =	simm.s32 $0x280;
	s29 =	simm.s32 $0xA640  }
0x12a: {  	[spmem:s2] =	stream.indirect.scatter.add.f32 [tilespmem:s29], [sflag:$0x6], $0x40, s28, s31, $0xb8;
	[tilespmem:$0x19B08] =	vst v63  }
0x12b: {  	s28 =	simm.s32 $0x2D0  }
0x12c: {  	[spmem:s2] =	stream.indirect.scatter.add.f32 [tilespmem:s6], [sflag:$0x6], $0x40, s28, s31, $0xb8;
	[tilespmem:$0x19B08] =	vst v63  }
0x12d: {  	v10 =	vld [tilespmem:$0x190];
	_ =	sdelay $0x7  }
0x12e: {  	[tilespmem:v10+s7+$0x0] =	vst.idx.add.f32.msk $0xffff, v9  }
0x12f: {  	v10 =	vld [tilespmem:$0x1A0];
	_ =	sdelay $0x7  }
0x130: {  	[tilespmem:v10+s7+$0x0] =	vst.idx.add.f32.msk $0xffff, v9  }
0x131: {  	v10 =	vld [tilespmem:$0x1B0];
	_ =	sdelay $0x7  }
0x132: {  	[tilespmem:v10+s7+$0x0] =	vst.idx.add.f32.msk $0xffff, v9  }
0x133: {  	v10 =	vld [tilespmem:$0x1C0];
	_ =	sdelay $0x7  }
0x134: {  	[tilespmem:v10+s7+$0x0] =	vst.idx.add.f32.msk $0xffff, v9  }
0x135: {  	v10 =	vld [tilespmem:$0x1D0];
	_ =	sdelay $0x7  }
0x136: {  	[tilespmem:v10+s7+$0x0] =	vst.idx.add.f32.msk $0xffff, v9  }
0x137: {  	v10 =	vld [tilespmem:$0x1E0];
	_ =	sdelay $0x7  }
0x138: {  	[tilespmem:v10+s7+$0x0] =	vst.idx.add.f32.msk $0xffff, v9  }
0x139: {  	v10 =	vld [tilespmem:$0x1F0];
	_ =	sdelay $0x7  }
0x13a: {  	[tilespmem:v10+s7+$0x0] =	vst.idx.add.f32.msk $0xffff, v9  }
0x13b: {  	v10 =	vld [tilespmem:$0x200];
	_ =	sdelay $0x7  }
0x13c: {  	[tilespmem:v10+s7+$0x0] =	vst.idx.add.f32.msk $0xffff, v9  }
0x13d: {  	v10 =	vld [tilespmem:$0x210];
	_ =	sdelay $0x7  }
0x13e: {  	[tilespmem:v10+s7+$0x0] =	vst.idx.add.f32.msk $0xffff, v9  }
0x13f: {  	v10 =	vld [tilespmem:$0x220];
	_ =	sdelay $0x7  }
0x140: {  	[tilespmem:v10+s7+$0x0] =	vst.idx.add.f32.msk $0xffff, v9  }
0x141: {  	v10 =	vld [tilespmem:$0x230];
	_ =	sdelay $0x7  }
0x142: {  	[tilespmem:v10+s7+$0x0] =	vst.idx.add.f32.msk $0xffff, v9  }
0x143: {  	v10 =	vld [tilespmem:$0x240];
	_ =	sdelay $0x7  }
0x144: {  	[tilespmem:v10+s7+$0x0] =	vst.idx.add.f32.msk $0xffff, v9  }
0x145: {  	v10 =	vld [tilespmem:$0x250];
	_ =	sdelay $0x7  }
0x146: {  	[tilespmem:v10+s7+$0x0] =	vst.idx.add.f32.msk $0xffff, v9  }
0x147: {  	v10 =	vld [tilespmem:$0x260];
	_ =	sdelay $0x7  }
0x148: {  	[tilespmem:v10+s7+$0x0] =	vst.idx.add.f32.msk $0xffff, v9  }
0x149: {  	v10 =	vld [tilespmem:$0x270];
	_ =	sdelay $0x7  }
0x14a: {  	[tilespmem:v10+s7+$0x0] =	vst.idx.add.f32.msk $0xffff, v9  }
0x14b: {  	v10 =	vld [tilespmem:$0x280];
	_ =	sdelay $0x7  }
0x14c: {  	[tilespmem:v10+s7+$0x0] =	vst.idx.add.f32.msk $0xffff, v9  }
0x14d: {  	v10 =	vld [tilespmem:$0x290];
	_ =	sdelay $0x7  }
0x14e: {  	[tilespmem:v10+s7+$0x0] =	vst.idx.add.f32.msk $0xffff, v9  }
0x14f: {  	v10 =	vld [tilespmem:$0x2A0];
	_ =	sdelay $0x7  }
0x150: {  	[tilespmem:v10+s7+$0x0] =	vst.idx.add.f32.msk $0xffff, v9  }
0x151: {  	v10 =	vld [tilespmem:$0x2B0];
	_ =	sdelay $0x7  }
0x152: {  	[tilespmem:v10+s7+$0x0] =	vst.idx.add.f32.msk $0xffff, v9  }
0x153: {  	v10 =	vld [tilespmem:$0x2C0];
	_ =	sdelay $0x7  }
0x154: {  	[tilespmem:v10+s7+$0x0] =	vst.idx.add.f32.msk $0xffff, v9  }
0x155: {  	v10 =	vld [tilespmem:$0x2D0];
	_ =	sdelay $0x7  }
0x156: {  	[tilespmem:v10+s7+$0x0] =	vst.idx.add.f32.msk $0xffff, v9  }
0x157: {  	v10 =	vld [tilespmem:$0x2E0];
	_ =	sdelay $0x7  }
0x158: {  	[tilespmem:v10+s7+$0x0] =	vst.idx.add.f32.msk $0xffff, v9  }
0x159: {  	v10 =	vld [tilespmem:$0x2F0];
	_ =	sdelay $0x7  }
0x15a: {  	[tilespmem:v10+s7+$0x0] =	vst.idx.add.f32.msk $0xffff, v9  }
0x15b: {  	v10 =	vld [tilespmem:$0x300];
	_ =	sdelay $0x7  }
0x15c: {  	[tilespmem:v10+s7+$0x0] =	vst.idx.add.f32.msk $0xffff, v9  }
0x15d: {  	v10 =	vld [tilespmem:$0x310];
	_ =	sdelay $0x7  }
0x15e: {  	[tilespmem:v10+s7+$0x0] =	vst.idx.add.f32.msk $0xffff, v9  }
0x15f: {  	_ =	swait.ge [sflag:s23], $0x1400  }
0x160: {  	[sflag:s23] =	ssyncset.done $0x0  }
0x161: {  	[sflag:s23] =	ssyncadd.s32 $0xFFFFEC00  }
0x162: {  	_ =	swait.ge [sflag:s23], $0x1400  }
0x163: {  	[sflag:s23] =	ssyncset.done $0x0  }
0x164: {  	[sflag:s23] =	ssyncadd.s32 $0xFFFFEC00  }
0x165: {  	_ =	swait.ge [sflag:s23], $0x1400  }
0x166: {  	[sflag:s23] =	ssyncset.done $0x0  }
0x167: {  	[sflag:s23] =	ssyncadd.s32 $0xFFFFEC00  }
0x168: {  	_ =	swait.ge [sflag:s23], $0x1400  }
0x169: {  	[sflag:s23] =	ssyncset.done $0x0  }
0x16a: {  	[sflag:s23] =	ssyncadd.s32 $0xFFFFEC00  }
0x16b: {  	s29 =	sadd.s32 $0x40, s18;
	_ =	swait.ge [sflag:s23], $0x1400  }
0x16c: {  	p3 =	sgt.u32 s29, $0xF9;
	[sflag:s23] =	ssyncset.done $0x0  }
0x16d: {  	s19 =	sadd.s32 @!p3 $0x320, s24;
	s26 =	simm.s32 @!p3 $0x0;
	[sflag:s23] =	ssyncadd.s32 $0xFFFFEC00  }
0x16e: {  	[tilespmem:s26], [sflag:$0x1] =	stream.linear.gather @!p3 [hbm4b:s19+s26], $0x190, $0x38;
	[tilespmem:$0x19B08] =	vst v63  }
0x16f: {  	s28 =	simm.s32 @!p3 $0x80;
	s19 =	sshrl.u32 @!p3 s14, $0x3;
	s26 =	rddreg [dreg:$0x0]  }
0x170: {  	s29 =	simm.s32 @!p3 $0x640;
	s19 =	sadd.s32 @!p3 s26, s19;
	s26 =	simm.s32 @!p3 $0x40  }
0x171: {  	[tilespmem:s29], [sflag:$0x1] =	stream.strided.gather @!p3 [hbm4b:s19+s26], $0x6400, s28, s26, $0x38;
	[tilespmem:$0x19B08] =	vst v63  }
0x172: {  	_ =	swait.ge [sflag:s22], $0x190  }
0x173: {  	[sflag:s22] =	ssyncset.done $0x0  }
0x174: {  	[sflag:s22] =	ssyncadd.s32 $0xFFFFFE70  }
0x175: {  	_ =	swait.ge [sflag:s22], $0x6400  }
0x176: {  	[sflag:s22] =	ssyncset.done $0x0  }
0x177: {  	s26 =	simm.s32 $0x320;
	s28 =	simm.s32 $0xCE40;
	[sflag:s22] =	ssyncadd.s32 $0xFFFF9C00  }
0x178: {  	[spmem:s2] =	stream.indirect.scatter.add.f32 [tilespmem:s28], [sflag:$0x7], $0x40, s26, s31, $0xb8;
	[tilespmem:$0x19B08] =	vst v63  }
0x179: {  	_ = 	snop  }
0x17a: {  	[spmem:s2] =	stream.indirect.scatter.add.f32 [tilespmem:s1], [sflag:$0x7], $0x40, s21, s31, $0xb8;
	[tilespmem:$0x19B08] =	vst v63  }
0x17b: {  	_ = 	snop  }
0x17c: {  	[spmem:s2] =	stream.indirect.scatter.add.f32 [tilespmem:s4], [sflag:$0x7], $0x40, s5, s31, $0xb8;
	[tilespmem:$0x19B08] =	vst v63  }
0x17d: {  	_ = 	snop  }
0x17e: {  	[spmem:s2] =	stream.indirect.scatter.add.f32 [tilespmem:s20], [sflag:$0x7], $0x40, s0, s31, $0xb8;
	[tilespmem:$0x19B08] =	vst v63  }
0x17f: {  	_ = 	snop  }
0x180: {  	[spmem:s2] =	stream.indirect.scatter.add.f32 [tilespmem:s9], [sflag:$0x7], $0x40, s8, s31, $0xb8;
	[tilespmem:$0x19B08] =	vst v63  }
0x181: {  	v10 =	vld [tilespmem:$0x320];
	_ =	sdelay $0x7  }
0x182: {  	[tilespmem:v10+s7+$0x0] =	vst.idx.add.f32.msk $0xffff, v9  }
0x183: {  	v10 =	vld [tilespmem:$0x330];
	_ =	sdelay $0x7  }
0x184: {  	[tilespmem:v10+s7+$0x0] =	vst.idx.add.f32.msk $0xffff, v9  }
0x185: {  	v10 =	vld [tilespmem:$0x340];
	_ =	sdelay $0x7  }
0x186: {  	[tilespmem:v10+s7+$0x0] =	vst.idx.add.f32.msk $0xffff, v9  }
0x187: {  	v10 =	vld [tilespmem:$0x350];
	_ =	sdelay $0x7  }
0x188: {  	[tilespmem:v10+s7+$0x0] =	vst.idx.add.f32.msk $0xffff, v9  }
0x189: {  	v10 =	vld [tilespmem:$0x360];
	_ =	sdelay $0x7  }
0x18a: {  	[tilespmem:v10+s7+$0x0] =	vst.idx.add.f32.msk $0xffff, v9  }
0x18b: {  	v10 =	vld [tilespmem:$0x370];
	_ =	sdelay $0x7  }
0x18c: {  	[tilespmem:v10+s7+$0x0] =	vst.idx.add.f32.msk $0xffff, v9  }
0x18d: {  	v10 =	vld [tilespmem:$0x380];
	_ =	sdelay $0x7  }
0x18e: {  	[tilespmem:v10+s7+$0x0] =	vst.idx.add.f32.msk $0xffff, v9  }
0x18f: {  	v10 =	vld [tilespmem:$0x390];
	_ =	sdelay $0x7  }
0x190: {  	[tilespmem:v10+s7+$0x0] =	vst.idx.add.f32.msk $0xffff, v9  }
0x191: {  	v10 =	vld [tilespmem:$0x3A0];
	_ =	sdelay $0x7  }
0x192: {  	[tilespmem:v10+s7+$0x0] =	vst.idx.add.f32.msk $0xffff, v9  }
0x193: {  	v10 =	vld [tilespmem:$0x3B0];
	_ =	sdelay $0x7  }
0x194: {  	[tilespmem:v10+s7+$0x0] =	vst.idx.add.f32.msk $0xffff, v9  }
0x195: {  	v10 =	vld [tilespmem:$0x3C0];
	_ =	sdelay $0x7  }
0x196: {  	[tilespmem:v10+s7+$0x0] =	vst.idx.add.f32.msk $0xffff, v9  }
0x197: {  	v10 =	vld [tilespmem:$0x3D0];
	_ =	sdelay $0x7  }
0x198: {  	[tilespmem:v10+s7+$0x0] =	vst.idx.add.f32.msk $0xffff, v9  }
0x199: {  	v10 =	vld [tilespmem:$0x3E0];
	_ =	sdelay $0x7  }
0x19a: {  	[tilespmem:v10+s7+$0x0] =	vst.idx.add.f32.msk $0xffff, v9  }
0x19b: {  	v10 =	vld [tilespmem:$0x3F0];
	_ =	sdelay $0x7  }
0x19c: {  	[tilespmem:v10+s7+$0x0] =	vst.idx.add.f32.msk $0xffff, v9  }
0x19d: {  	v10 =	vld [tilespmem:$0x400];
	_ =	sdelay $0x7  }
0x19e: {  	[tilespmem:v10+s7+$0x0] =	vst.idx.add.f32.msk $0xffff, v9  }
0x19f: {  	v10 =	vld [tilespmem:$0x410];
	_ =	sdelay $0x7  }
0x1a0: {  	[tilespmem:v10+s7+$0x0] =	vst.idx.add.f32.msk $0xffff, v9  }
0x1a1: {  	v10 =	vld [tilespmem:$0x420];
	_ =	sdelay $0x7  }
0x1a2: {  	[tilespmem:v10+s7+$0x0] =	vst.idx.add.f32.msk $0xffff, v9  }
0x1a3: {  	v10 =	vld [tilespmem:$0x430];
	_ =	sdelay $0x7  }
0x1a4: {  	[tilespmem:v10+s7+$0x0] =	vst.idx.add.f32.msk $0xffff, v9  }
0x1a5: {  	v10 =	vld [tilespmem:$0x440];
	_ =	sdelay $0x7  }
0x1a6: {  	[tilespmem:v10+s7+$0x0] =	vst.idx.add.f32.msk $0xffff, v9  }
0x1a7: {  	v10 =	vld [tilespmem:$0x450];
	_ =	sdelay $0x7  }
0x1a8: {  	[tilespmem:v10+s7+$0x0] =	vst.idx.add.f32.msk $0xffff, v9  }
0x1a9: {  	v10 =	vld [tilespmem:$0x460];
	_ =	sdelay $0x7  }
0x1aa: {  	[tilespmem:v10+s7+$0x0] =	vst.idx.add.f32.msk $0xffff, v9  }
0x1ab: {  	v10 =	vld [tilespmem:$0x470];
	_ =	sdelay $0x7  }
0x1ac: {  	[tilespmem:v10+s7+$0x0] =	vst.idx.add.f32.msk $0xffff, v9  }
0x1ad: {  	v10 =	vld [tilespmem:$0x480];
	_ =	sdelay $0x7  }
0x1ae: {  	[tilespmem:v10+s7+$0x0] =	vst.idx.add.f32.msk $0xffff, v9  }
0x1af: {  	v10 =	vld [tilespmem:$0x490];
	_ =	sdelay $0x7  }
0x1b0: {  	[tilespmem:v10+s7+$0x0] =	vst.idx.add.f32.msk $0xffff, v9  }
0x1b1: {  	v10 =	vld [tilespmem:$0x4A0];
	_ =	sdelay $0x7  }
0x1b2: {  	[tilespmem:v10+s7+$0x0] =	vst.idx.add.f32.msk $0xffff, v9  }
0x1b3: {  	_ =	swait.ge [sflag:s10], $0x1400  }
0x1b4: {  	[sflag:s10] =	ssyncset.done $0x0  }
0x1b5: {  	[sflag:s10] =	ssyncadd.s32 $0xFFFFEC00  }
0x1b6: {  	_ =	swait.ge [sflag:s10], $0x1400  }
0x1b7: {  	[sflag:s10] =	ssyncset.done $0x0  }
0x1b8: {  	[sflag:s10] =	ssyncadd.s32 $0xFFFFEC00  }
0x1b9: {  	_ =	swait.ge [sflag:s10], $0x1400  }
0x1ba: {  	[sflag:s10] =	ssyncset.done $0x0  }
0x1bb: {  	[sflag:s10] =	ssyncadd.s32 $0xFFFFEC00  }
0x1bc: {  	_ =	swait.ge [sflag:s10], $0x1400  }
0x1bd: {  	[sflag:s10] =	ssyncset.done $0x0  }
0x1be: {  	s29 =	sadd.s32 $0x50, s18;
	[sflag:s10] =	ssyncadd.s32 $0xFFFFEC00  }
0x1bf: {  	p3 =	sgt.u32 s29, $0xF9;
	_ =	swait.ge [sflag:s10], $0x1400  }
.Ltmp4:
0x1c0: {  	s19 =	sadd.s32 @!p3 $0x640, s24;
	[sflag:s10] =	ssyncset.done $0x0;
	(pc) =	sbr.rel @p2 .LBB2_4-.Ltmp4, $4  }
0x1c1: {  	s26 =	simm.s32 @!p3 $0x0;
	s28 =	simm.s32 @!p3 $0x190;
	[sflag:s10] =	ssyncadd.s32 $0xFFFFEC00  }
0x1c2: {  	[tilespmem:s28], [sflag:$0x2] =	stream.linear.gather @!p3 [hbm4b:s19+s26], $0x190, $0x38;
	[tilespmem:$0x19B08] =	vst v63  }
0x1c3: {  	s19 =	simm.s32 @!p3 $0x40;
	s26 =	simm.s32 @!p3 $0x80;
	s28 =	simm.s32 @!p3 $0x6A40  }
0x1c4: {  	[tilespmem:s28], [sflag:$0x2] =	stream.strided.gather @!p3 [hbm4b:s15+s19], $0x6400, s26, s19, $0x38;
	[tilespmem:$0x19B08] =	vst v63  }
0x1c5: {  	_ =	swait.ge [sflag:s11], $0x190  }
0x1c6: {  	[sflag:s11] =	ssyncset.done $0x0  }
0x1c7: {  	[sflag:s11] =	ssyncadd.s32 $0xFFFFFE70  }
0x1c8: {  	_ =	swait.ge [sflag:s11], $0x6400  }
0x1c9: {  	[sflag:s11] =	ssyncset.done $0x0  }
0x1ca: {  	s19 =	simm.s32 $0x4B0;
	s26 =	simm.s32 $0x13240;
	[sflag:s11] =	ssyncadd.s32 $0xFFFF9C00  }
0x1cb: {  	[spmem:s2] =	stream.indirect.scatter.add.f32 [tilespmem:s26], [sflag:$0x8], $0x40, s19, s31, $0xb8;
	[tilespmem:$0x19B08] =	vst v63  }
0x1cc: {  	s28 =	simm.s32 $0x500;
	s29 =	simm.s32 $0x14640  }
0x1cd: {  	[spmem:s2] =	stream.indirect.scatter.add.f32 [tilespmem:s29], [sflag:$0x8], $0x40, s28, s31, $0xb8;
	[tilespmem:$0x19B08] =	vst v63  }
0x1ce: {  	s28 =	simm.s32 $0x550;
	s29 =	simm.s32 $0x15A40  }
0x1cf: {  	[spmem:s2] =	stream.indirect.scatter.add.f32 [tilespmem:s29], [sflag:$0x8], $0x40, s28, s31, $0xb8;
	[tilespmem:$0x19B08] =	vst v63  }
0x1d0: {  	s28 =	simm.s32 $0x5A0;
	s29 =	simm.s32 $0x16E40  }
0x1d1: {  	[spmem:s2] =	stream.indirect.scatter.add.f32 [tilespmem:s29], [sflag:$0x8], $0x40, s28, s31, $0xb8;
	[tilespmem:$0x19B08] =	vst v63  }
0x1d2: {  	s28 =	simm.s32 $0x5F0;
	s29 =	simm.s32 $0x18240  }
0x1d3: {  	[spmem:s2] =	stream.indirect.scatter.add.f32 [tilespmem:s29], [sflag:$0x8], $0x40, s28, s31, $0xb8;
	[tilespmem:$0x19B08] =	vst v63  }
0x1d4: {  	v10 =	vld [tilespmem:$0x4B0];
	_ =	sdelay $0x7  }
0x1d5: {  	[tilespmem:v10+s7+$0x0] =	vst.idx.add.f32.msk $0xffff, v9  }
0x1d6: {  	v10 =	vld [tilespmem:$0x4C0];
	_ =	sdelay $0x7  }
0x1d7: {  	[tilespmem:v10+s7+$0x0] =	vst.idx.add.f32.msk $0xffff, v9  }
0x1d8: {  	v10 =	vld [tilespmem:$0x4D0];
	_ =	sdelay $0x7  }
0x1d9: {  	[tilespmem:v10+s7+$0x0] =	vst.idx.add.f32.msk $0xffff, v9  }
0x1da: {  	v10 =	vld [tilespmem:$0x4E0];
	_ =	sdelay $0x7  }
0x1db: {  	[tilespmem:v10+s7+$0x0] =	vst.idx.add.f32.msk $0xffff, v9  }
0x1dc: {  	v10 =	vld [tilespmem:$0x4F0];
	_ =	sdelay $0x7  }
0x1dd: {  	[tilespmem:v10+s7+$0x0] =	vst.idx.add.f32.msk $0xffff, v9  }
0x1de: {  	v10 =	vld [tilespmem:$0x500];
	_ =	sdelay $0x7  }
0x1df: {  	[tilespmem:v10+s7+$0x0] =	vst.idx.add.f32.msk $0xffff, v9  }
0x1e0: {  	v10 =	vld [tilespmem:$0x510];
	_ =	sdelay $0x7  }
0x1e1: {  	[tilespmem:v10+s7+$0x0] =	vst.idx.add.f32.msk $0xffff, v9  }
0x1e2: {  	v10 =	vld [tilespmem:$0x520];
	_ =	sdelay $0x7  }
0x1e3: {  	[tilespmem:v10+s7+$0x0] =	vst.idx.add.f32.msk $0xffff, v9  }
0x1e4: {  	v10 =	vld [tilespmem:$0x530];
	_ =	sdelay $0x7  }
0x1e5: {  	[tilespmem:v10+s7+$0x0] =	vst.idx.add.f32.msk $0xffff, v9  }
0x1e6: {  	v10 =	vld [tilespmem:$0x540];
	_ =	sdelay $0x7  }
0x1e7: {  	[tilespmem:v10+s7+$0x0] =	vst.idx.add.f32.msk $0xffff, v9  }
0x1e8: {  	v10 =	vld [tilespmem:$0x550];
	_ =	sdelay $0x7  }
0x1e9: {  	[tilespmem:v10+s7+$0x0] =	vst.idx.add.f32.msk $0xffff, v9  }
0x1ea: {  	v10 =	vld [tilespmem:$0x560];
	_ =	sdelay $0x7  }
0x1eb: {  	[tilespmem:v10+s7+$0x0] =	vst.idx.add.f32.msk $0xffff, v9  }
0x1ec: {  	v10 =	vld [tilespmem:$0x570];
	_ =	sdelay $0x7  }
0x1ed: {  	[tilespmem:v10+s7+$0x0] =	vst.idx.add.f32.msk $0xffff, v9  }
0x1ee: {  	v10 =	vld [tilespmem:$0x580];
	_ =	sdelay $0x7  }
0x1ef: {  	[tilespmem:v10+s7+$0x0] =	vst.idx.add.f32.msk $0xffff, v9  }
0x1f0: {  	v10 =	vld [tilespmem:$0x590];
	_ =	sdelay $0x7  }
0x1f1: {  	[tilespmem:v10+s7+$0x0] =	vst.idx.add.f32.msk $0xffff, v9  }
0x1f2: {  	v10 =	vld [tilespmem:$0x5A0];
	_ =	sdelay $0x7  }
0x1f3: {  	[tilespmem:v10+s7+$0x0] =	vst.idx.add.f32.msk $0xffff, v9  }
0x1f4: {  	v10 =	vld [tilespmem:$0x5B0];
	_ =	sdelay $0x7  }
0x1f5: {  	[tilespmem:v10+s7+$0x0] =	vst.idx.add.f32.msk $0xffff, v9  }
0x1f6: {  	v10 =	vld [tilespmem:$0x5C0];
	_ =	sdelay $0x7  }
0x1f7: {  	[tilespmem:v10+s7+$0x0] =	vst.idx.add.f32.msk $0xffff, v9  }
0x1f8: {  	v10 =	vld [tilespmem:$0x5D0];
	_ =	sdelay $0x7  }
0x1f9: {  	[tilespmem:v10+s7+$0x0] =	vst.idx.add.f32.msk $0xffff, v9  }
0x1fa: {  	v10 =	vld [tilespmem:$0x5E0];
	_ =	sdelay $0x7  }
0x1fb: {  	[tilespmem:v10+s7+$0x0] =	vst.idx.add.f32.msk $0xffff, v9  }
0x1fc: {  	v10 =	vld [tilespmem:$0x5F0];
	_ =	sdelay $0x7  }
0x1fd: {  	[tilespmem:v10+s7+$0x0] =	vst.idx.add.f32.msk $0xffff, v9  }
0x1fe: {  	v10 =	vld [tilespmem:$0x600];
	_ =	sdelay $0x7  }
0x1ff: {  	[tilespmem:v10+s7+$0x0] =	vst.idx.add.f32.msk $0xffff, v9  }
0x200: {  	v10 =	vld [tilespmem:$0x610];
	_ =	sdelay $0x7  }
0x201: {  	[tilespmem:v10+s7+$0x0] =	vst.idx.add.f32.msk $0xffff, v9  }
0x202: {  	v10 =	vld [tilespmem:$0x620];
	_ =	sdelay $0x7  }
0x203: {  	[tilespmem:v10+s7+$0x0] =	vst.idx.add.f32.msk $0xffff, v9  }
0x204: {  	v10 =	vld [tilespmem:$0x630];
	_ =	sdelay $0x3  }
.Ltmp5:
0x205: {  	_ = 	snop;
	(pc) =	sbr.rel .LBB2_4-.Ltmp5, $2  }
0x206: {  	_ =	sdelay $0x2  }
0x207: {  	[tilespmem:v10+s7+$0x0] =	vst.idx.add.f32.msk $0xffff, v9  }
.LBB2_6:
0x208: {  	_ =	sfence.sel $0x180000  }
0x209: {  	[bflag:$0x0] =	sbarrier.arrive $0xFFFF  }
0x20a: {  	_ =	strace $0x90000047  }
0x20b: {  	[bflag:$0x2] =	sbarrier.arrive $0xFFFF  }
0x20c: {  	s0 =	rddreg [dreg:$0x5]  }
0x20d: {  	s0 =	sadd.s32 @!p0 $0x100000, s0  }
0x20e: {  	[sflag:s0] =	ssyncadd.tile.s32 @!p0 $0x1;
	_ =	shalt  }
.Lfunc_end2:
_tile_overlayer_lowered:
.L_overlay_start_2:
0x20f: {  	(tag) =	ssettag $0x2  }
0x210: {  	s0 =	rddreg [dreg:$0x0];
	s2 =	stileid.u32  }
0x211: {  	s1 =	rddreg [dreg:$0x1];
	p0 =	sne.s32 s2, $0x0  }
0x212: {  	s3 =	rddreg [dreg:$0x2];
	[bflag:$0x3] =	sbarrier.arrive $0xFFFF;
	s2 =	simm.s32 @!p0 $0x1C09  }
0x213: {  	[timem:s3], [sflag:s2] =	dma.local @!p0 [hbm:s0], s1  }
0x214: {  	s0 =	simm.s32 @!p0 $0x9  }
0x215: {  	_ =	swait.ge @!p0 [sflag:s0], s1  }
0x216: {  	s1 =	ssub.s32 @!p0 $0x0, s1;
	[sflag:s0] =	ssyncset.done @!p0 $0x0  }
0x217: {  	[sflag:s0] =	ssyncadd.s32 @!p0 s1  }
0x218: {  	[bflag:$0x3] =	sbarrier.arrive $0xFFFF  }
0x219: {  	_ =	shalt  }

</sc_bundles>
